<compile_context>
chip_gen: v7x
topology: tpu7x:2x2x1
jax: 0.10.2.dev20260603
libtpu: 0.0.44.dev20260713+nightly
codegen_flags: <defaults>
</compile_context>

<pallas_src>
import functools

import jax
import jax.numpy as jnp
from jax import lax
from jax.experimental import pallas as pl
from jax.experimental.pallas import tpu as pltpu
from jax.experimental.pallas import tpu_sc as plsc

N = 10000
E = 160000
D = 256
DH = D // 2
FF = 4 * D
SCALE = 30.0

NC = 2
NS = 16
NW = NC * NS
EPW = E // NW
GCHUNK = 128
GFULL = EPW // GCHUNK
GTAIL = EPW - GFULL * GCHUNK
EPS = E // NS
SCHUNK = 80
SCHUNKS = EPS // SCHUNK
TASK = 40
NTASK = N // TASK

@functools.cache
def _mesh():
    return plsc.VectorSubcoreMesh(core_axis_name="c", subcore_axis_name="s",
                                  num_cores=NC, num_subcores=NS)


def _gelu(x):
    return 0.5 * x * (1.0 + lax.erf(x * 0.7071067811865476))


def _node_proj_body(hv_ref, wac_ref, a_ref, c_ref):
    y = jnp.dot(hv_ref[...], wac_ref[...], preferred_element_type=jnp.float32)
    a_ref[...] = y[:, :D]
    c_ref[...] = y[:, D:]


def _node_proj(h_V, w_ac, blk=1000):
    grid = (N // blk,)
    return pl.pallas_call(
        _node_proj_body,
        grid=grid,
        in_specs=[
            pl.BlockSpec((blk, D), lambda i: (i, 0)),
            pl.BlockSpec((D, 2 * D), lambda i: (0, 0)),
        ],
        out_specs=[
            pl.BlockSpec((blk, D), lambda i: (i, 0)),
            pl.BlockSpec((blk, D), lambda i: (i, 0)),
        ],
        out_shape=[
            jax.ShapeDtypeStruct((N, D), jnp.float32),
            jax.ShapeDtypeStruct((N, D), jnp.float32),
        ],
    )(h_V, w_ac)


def _gather_body(a_hbm, c_hbm, src_hbm, dst_hbm, g1_hbm, g2_hbm,
                 sidx_v, didx_v, bufa, bufc, sema, semc):
    c = lax.axis_index("c")
    s = lax.axis_index("s")
    wid = s * NC + c
    base = wid * EPW
    pltpu.sync_copy(src_hbm.at[pl.ds(base, EPW)], sidx_v)
    pltpu.sync_copy(dst_hbm.at[pl.ds(base, EPW)], didx_v)

    pltpu.async_copy(a_hbm.at[sidx_v.at[pl.ds(0, GCHUNK)]], bufa, sema)
    pltpu.async_copy(c_hbm.at[didx_v.at[pl.ds(0, GCHUNK)]], bufc, semc)

    def chunk(j, carry):
        off = j * GCHUNK
        pltpu.make_async_copy(a_hbm.at[pl.ds(0, GCHUNK)], bufa, sema).wait()
        pltpu.sync_copy(bufa, g1_hbm.at[pl.ds(base + off, GCHUNK)])

        @pl.when(j + 1 < GFULL)
        def _():
            pltpu.async_copy(
                a_hbm.at[sidx_v.at[pl.ds(off + GCHUNK, GCHUNK)]], bufa, sema)

        pltpu.make_async_copy(c_hbm.at[pl.ds(0, GCHUNK)], bufc, semc).wait()
        pltpu.sync_copy(bufc, g2_hbm.at[pl.ds(base + off, GCHUNK)])

        @pl.when(j + 1 < GFULL)
        def _():
            pltpu.async_copy(
                c_hbm.at[didx_v.at[pl.ds(off + GCHUNK, GCHUNK)]], bufc, semc)

        return carry

    lax.fori_loop(0, GFULL, chunk, 0)
    toff = GFULL * GCHUNK
    ta = bufa.at[pl.ds(0, GTAIL)]
    tc = bufc.at[pl.ds(0, GTAIL)]
    pltpu.async_copy(a_hbm.at[sidx_v.at[pl.ds(toff, GTAIL)]], ta, sema).wait()
    pltpu.sync_copy(ta, g1_hbm.at[pl.ds(base + toff, GTAIL)])
    pltpu.async_copy(c_hbm.at[didx_v.at[pl.ds(toff, GTAIL)]], tc, semc).wait()
    pltpu.sync_copy(tc, g2_hbm.at[pl.ds(base + toff, GTAIL)])


def _sc_gather(a, c, src_idx, dst_idx):
    f = pl.kernel(
        _gather_body,
        out_type=[
            jax.ShapeDtypeStruct((E, D), jnp.float32),
            jax.ShapeDtypeStruct((E, D), jnp.float32),
        ],
        mesh=_mesh(),
        scratch_types=[
            pltpu.VMEM((EPW,), jnp.int32),
            pltpu.VMEM((EPW,), jnp.int32),
            pltpu.VMEM((GCHUNK, D), jnp.float32),
            pltpu.VMEM((GCHUNK, D), jnp.float32),
            pltpu.SemaphoreType.DMA,
            pltpu.SemaphoreType.DMA,
        ],
    )
    return f(a, c, src_idx, dst_idx)


def _edge_mlp_body(he_ref, g1_ref, g2_ref, w1b_ref, b1_ref, w2_ref, b2_ref,
                   w3_ref, b3_ref, m_ref):
    x = (g1_ref[...] + g2_ref[...] + b1_ref[...]
         + jnp.dot(he_ref[...], w1b_ref[...], preferred_element_type=jnp.float32))
    x = _gelu(x)
    y = _gelu(jnp.dot(x, w2_ref[...], preferred_element_type=jnp.float32)
              + b2_ref[...])
    m = jnp.dot(y, w3_ref[...], preferred_element_type=jnp.float32) + b3_ref[...]
    m_ref[0] = m[:, :DH]
    m_ref[1] = m[:, DH:]


def _edge_mlp(h_E, g1, g2, w1b, b1, w2, b2, w3, b3, blk=2000):
    grid = (E // blk,)
    full = lambda r, c: pl.BlockSpec((r, c), lambda i: (0, 0))
    row = lambda c: pl.BlockSpec((blk, c), lambda i: (i, 0))
    return pl.pallas_call(
        _edge_mlp_body,
        grid=grid,
        in_specs=[
            row(D), row(D), row(D),
            full(D, D),
            pl.BlockSpec((D,), lambda i: (0,)),
            full(D, D),
            pl.BlockSpec((D,), lambda i: (0,)),
            full(D, D),
            pl.BlockSpec((D,), lambda i: (0,)),
        ],
        out_specs=pl.BlockSpec((2, blk, DH), lambda i: (0, i, 0)),
        out_shape=jax.ShapeDtypeStruct((2, E, DH), jnp.float32),
    )(h_E, g1, g2, w1b, b1, w2, b2, w3, b3)


def _scatter_body(m_hbm, src3d_hbm, zsum_hbm, sout_hbm,
                  idx_v, data_v, data2_v, task_v, shared_sum, sem, sem2):
    c = lax.axis_index("c")
    s = lax.axis_index("s")

    pltpu.sync_copy(zsum_hbm, task_v)
    pltpu.sync_copy(src3d_hbm.at[s], idx_v)

    def init_loop(k, carry):
        pltpu.sync_copy(task_v, shared_sum.at[pl.ds((s + k * NS) * TASK, TASK)])
        return carry

    lax.fori_loop(0, NTASK // NS, init_loop, 0)

    @pl.when(s < NTASK % NS)
    def _():
        pltpu.sync_copy(task_v,
                        shared_sum.at[pl.ds(((NTASK // NS) * NS + s) * TASK, TASK)])

    plsc.subcore_barrier()

    ebase0 = s * EPS
    pltpu.async_copy(m_hbm.at[c, pl.ds(ebase0, SCHUNK)], data_v, sem)
    pltpu.async_copy(m_hbm.at[c, pl.ds(ebase0 + SCHUNK, SCHUNK)], data2_v, sem2)

    def step(j, buf, bsem):
        pltpu.make_async_copy(m_hbm.at[c, pl.ds(0, SCHUNK)], buf, bsem).wait()
        pltpu.sync_copy(buf, shared_sum.at[idx_v.at[j]], add=True)

        @pl.when(j + 2 < SCHUNKS)
        def _():
            pltpu.async_copy(
                m_hbm.at[c, pl.ds(ebase0 + (j + 2) * SCHUNK, SCHUNK)], buf, bsem)

    def chunk(jj, carry):
        step(2 * jj, data_v, sem)
        step(2 * jj + 1, data2_v, sem2)
        return carry

    lax.fori_loop(0, SCHUNKS // 2, chunk, 0)
    step(SCHUNKS - 1, data_v, sem)

    plsc.subcore_barrier()

    def copy_out(t):
        rows = pl.ds(t * TASK, TASK)
        pltpu.sync_copy(shared_sum.at[rows], task_v)
        pltpu.sync_copy(task_v, sout_hbm.at[c, rows])

    def out_loop(k, carry):
        copy_out(s + k * NS)
        return carry

    lax.fori_loop(0, NTASK // NS, out_loop, 0)

    @pl.when(s < NTASK % NS)
    def _():
        copy_out((NTASK // NS) * NS + s)


def _sc_scatter(m, src3d, zsum):
    f = pl.kernel(
        _scatter_body,
        out_type=jax.ShapeDtypeStruct((2, N, DH), jnp.float32),
        mesh=_mesh(),
        scratch_types=[
            pltpu.VMEM((SCHUNKS, SCHUNK), jnp.int32),
            pltpu.VMEM((SCHUNK, DH), jnp.float32),
            pltpu.VMEM((SCHUNK, DH), jnp.float32),
            pltpu.VMEM((TASK, DH), jnp.float32),
            pltpu.VMEM_SHARED((N, DH), jnp.float32),
            pltpu.SemaphoreType.DMA,
            pltpu.SemaphoreType.DMA,
        ],
    )
    return f(m, src3d, zsum)


CW = 128
CCHUNK = 40
CEPS = E // NC // NS
CCHUNKS = CEPS // CCHUNK


def _count_body(src4d_hbm, zcnt_hbm, ones_hbm, cnt_hbm,
                idx_v, ones_v, ctask_v, shared_cnt, sem):
    c = lax.axis_index("c")
    s = lax.axis_index("s")

    pltpu.sync_copy(zcnt_hbm, ctask_v)
    pltpu.sync_copy(ones_hbm, ones_v)
    pltpu.sync_copy(src4d_hbm.at[c, s], idx_v)

    def init_loop(k, carry):
        pltpu.sync_copy(ctask_v, shared_cnt.at[pl.ds((s + k * NS) * TASK, TASK)])
        return carry

    lax.fori_loop(0, NTASK // NS, init_loop, 0)

    @pl.when(s < NTASK % NS)
    def _():
        pltpu.sync_copy(ctask_v,
                        shared_cnt.at[pl.ds(((NTASK // NS) * NS + s) * TASK, TASK)])

    plsc.subcore_barrier()

    def chunk(j, carry):
        pltpu.sync_copy(ones_v, shared_cnt.at[idx_v.at[j]], add=True)
        return carry

    lax.fori_loop(0, CCHUNKS, chunk, 0)

    plsc.subcore_barrier()

    def copy_out(t):
        rows = pl.ds(t * TASK, TASK)
        pltpu.sync_copy(shared_cnt.at[rows], ctask_v)
        pltpu.sync_copy(ctask_v, cnt_hbm.at[c, rows])

    def out_loop(k, carry):
        copy_out(s + k * NS)
        return carry

    lax.fori_loop(0, NTASK // NS, out_loop, 0)

    @pl.when(s < NTASK % NS)
    def _():
        copy_out((NTASK // NS) * NS + s)


def _sc_count(src4d, zcnt, ones):
    f = pl.kernel(
        _count_body,
        out_type=jax.ShapeDtypeStruct((NC, N, CW), jnp.float32),
        mesh=_mesh(),
        scratch_types=[
            pltpu.VMEM((CCHUNKS, CCHUNK), jnp.int32),
            pltpu.VMEM((CCHUNK, CW), jnp.float32),
            pltpu.VMEM((TASK, CW), jnp.float32),
            pltpu.VMEM_SHARED((N, CW), jnp.float32),
            pltpu.SemaphoreType.DMA,
        ],
    )
    return f(src4d, zcnt, ones)


def _node_update_body(hv_ref, s0_ref, s1_ref, cnt_ref, wi_ref, bi_ref,
                      wo_ref, bo_ref, g1_ref, bb1_ref, g2_ref, bb2_ref,
                      out_ref):
    def ln(x, g, b, eps=1e-5):
        m = jnp.mean(x, axis=-1, keepdims=True)
        v = jnp.mean((x - m) ** 2, axis=-1, keepdims=True)
        return (x - m) * lax.rsqrt(v + eps) * g + b

    sums = jnp.concatenate([s0_ref[...], s1_ref[...]], axis=-1)
    cnt = (cnt_ref[0] + cnt_ref[1])[:, :1]
    mean = sums / jnp.maximum(cnt, 1.0)
    h = ln(hv_ref[...] + mean * (1.0 / SCALE), g1_ref[...], bb1_ref[...])
    ffh = jnp.maximum(
        jnp.dot(h, wi_ref[...], preferred_element_type=jnp.float32)
        + bi_ref[...], 0.0)
    dh = jnp.dot(ffh, wo_ref[...], preferred_element_type=jnp.float32) + bo_ref[...]
    out_ref[...] = ln(h + dh, g2_ref[...], bb2_ref[...])


def _node_update(h_V, s0, s1, cnt, Wi, bi, Wo, bo, ln1_g, ln1_b, ln2_g, ln2_b,
                 blk=2000):
    grid = (N // blk,)
    row = lambda c: pl.BlockSpec((blk, c), lambda i: (i, 0))
    vec = lambda c: pl.BlockSpec((c,), lambda i: (0,))
    return pl.pallas_call(
        _node_update_body,
        grid=grid,
        in_specs=[
            row(D), row(DH), row(DH),
            pl.BlockSpec((2, blk, CW), lambda i: (0, i, 0)),
            pl.BlockSpec((D, FF), lambda i: (0, 0)), vec(FF),
            pl.BlockSpec((FF, D), lambda i: (0, 0)), vec(D),
            vec(D), vec(D), vec(D), vec(D),
        ],
        out_specs=row(D),
        out_shape=jax.ShapeDtypeStruct((N, D), jnp.float32),
    )(h_V, s0, s1, cnt, Wi, bi, Wo, bo, ln1_g, ln1_b, ln2_g, ln2_b)


def kernel(h_V, h_E, src_idx, batch_id, dst_idx, W1, b1, W2, b2, W3, b3,
           Wi, bi, Wo, bo, ln1_g, ln1_b, ln2_g, ln2_b):
    w_a = W1[:D]
    w_b = W1[D:2 * D]
    w_c = W1[2 * D:]
    w_ac = jnp.concatenate([w_a, w_c], axis=1)

    src3d = src_idx.reshape(NS, SCHUNKS, SCHUNK)

    a, c = _node_proj(h_V, w_ac)
    g1, g2 = _sc_gather(a, c, src_idx, dst_idx)
    m = _edge_mlp(h_E, g1, g2, w_b, b1, W2, b2, W3, b3)

    src4d = src_idx.reshape(NC, NS, CCHUNKS, CCHUNK)
    zsum = jnp.zeros((TASK, DH), jnp.float32)
    zcnt = jnp.zeros((TASK, CW), jnp.float32)
    ones = jnp.ones((CCHUNK, CW), jnp.float32)
    sums = _sc_scatter(m, src3d, zsum)
    s0, s1 = sums[0], sums[1]
    cnt = _sc_count(src4d, zcnt, ones)

    return _node_update(h_V, s0, s1, cnt, Wi, bi, Wo, bo,
                        ln1_g, ln1_b, ln2_g, ln2_b)

# --- scband reference (transcript-rebuilt; emitter-appended) ---
"""Pipeline reference for scband-general-gnn-39900246179875 (READ-ONLY COPY).

The authoritative reference and input builder live on the scoring server;
editing this copy changes nothing except your own understanding.
"""

import jax, jax.numpy as jnp
import numpy as np

N = 10000
E = 160000
D = 256
FF = 4 * D
SCALE = 30.0
NB = 8


def _layer_norm(x, g, b, eps=1e-5):
    m = jnp.mean(x, axis=-1, keepdims=True)
    v = jnp.mean((x - m) ** 2, axis=-1, keepdims=True)
    return (x - m) / jnp.sqrt(v + eps) * g + b


def setup_inputs(seed: int = 0) -> dict:
    key = jax.random.key(seed)
    ks = jax.random.split(key, 16)
    inp = {}
    inp["h_V"] = jax.random.normal(ks[0], (N, D), dtype=jnp.float32)
    inp["h_E"] = jax.random.normal(ks[1], (E, D), dtype=jnp.float32)
    inp["src_idx"] = jax.random.randint(ks[2], (E,), 0, N, dtype=jnp.int32)
    inp["batch_id"] = jnp.sort(jax.random.randint(ks[3], (N,), 0, NB, dtype=jnp.int32))
    inp["dst_idx"] = jax.random.randint(ks[4], (E,), 0, N, dtype=jnp.int32)
    # learned parameters (stored as (in, out) so usage is x @ W + b)
    inp["W1"] = jax.random.normal(ks[5], (3 * D, D), dtype=jnp.float32) * (1.0 / np.sqrt(3 * D))
    inp["b1"] = jnp.zeros((D,), dtype=jnp.float32)
    inp["W2"] = jax.random.normal(ks[6], (D, D), dtype=jnp.float32) * (1.0 / np.sqrt(D))
    inp["b2"] = jnp.zeros((D,), dtype=jnp.float32)
    inp["W3"] = jax.random.normal(ks[7], (D, D), dtype=jnp.float32) * (1.0 / np.sqrt(D))
    inp["b3"] = jnp.zeros((D,), dtype=jnp.float32)
    inp["Wi"] = jax.random.normal(ks[8], (D, FF), dtype=jnp.float32) * (1.0 / np.sqrt(D))
    inp["bi"] = jnp.zeros((FF,), dtype=jnp.float32)
    inp["Wo"] = jax.random.normal(ks[9], (FF, D), dtype=jnp.float32) * (1.0 / np.sqrt(FF))
    inp["bo"] = jnp.zeros((D,), dtype=jnp.float32)
    inp["ln1_g"] = jnp.ones((D,), dtype=jnp.float32)
    inp["ln1_b"] = jnp.zeros((D,), dtype=jnp.float32)
    inp["ln2_g"] = jnp.ones((D,), dtype=jnp.float32)
    inp["ln2_b"] = jnp.zeros((D,), dtype=jnp.float32)
    return inp


def reference(h_V, h_E, src_idx, batch_id, dst_idx,
              W1, b1, W2, b2, W3, b3, Wi, bi, Wo, bo,
              ln1_g, ln1_b, ln2_g, ln2_b):
    gelu = lambda x: jax.nn.gelu(x, approximate=False)
    # edge message MLP: cat([h_V[src], h_E, h_V[dst]]) -> W3(gelu(W2(gelu(W1(.)))))
    h_EV = jnp.concatenate([h_V[src_idx], h_E, h_V[dst_idx]], axis=-1)
    h_message = gelu(h_EV @ W1 + b1)
    h_message = gelu(h_message @ W2 + b2)
    h_message = h_message @ W3 + b3
    # scatter_mean over src_idx
    sums = jax.ops.segment_sum(h_message, src_idx, num_segments=N)
    cnt = jax.ops.segment_sum(jnp.ones((h_message.shape[0], 1), dtype=h_message.dtype), src_idx, num_segments=N)
    mean = sums / jnp.maximum(cnt, 1.0)
    dh = mean / SCALE
    h = _layer_norm(h_V + dh, ln1_g, ln1_b)  # dropout = identity at inference
    # position-wise feed-forward
    dh = jax.nn.relu(h @ Wi + bi) @ Wo + bo
    h = _layer_norm(h + dh, ln2_g, ln2_b)
    return h

if __name__ == "__main__":
    import jax
    _d = setup_inputs()
    print(jax.jit(kernel)(*tuple(_d.values())))

</pallas_src>

<mosaic_0001>
#map = affine_map<(d0, d1) -> (0, 0, 0, 0)>
#map1 = affine_map<(d0, d1) -> (0, 0)>
#map2 = affine_map<(d0, d1) -> (0, 0, 0)>
module attributes {stable_mosaic.version = 14 : i64} {
  func.func @_count_body(%arg0: i32, %arg1: i32, %arg2: memref<2x16x125x40xi32, #tpu.memory_space<hbm>>, %arg3: memref<40x128xf32, #tpu.memory_space<hbm>>, %arg4: memref<40x128xf32, #tpu.memory_space<hbm>>, %arg5: memref<2x10000x128xf32, #tpu.memory_space<hbm>>, %arg6: memref<125x40xi32, #tpu.memory_space<vmem>>, %arg7: memref<40x128xf32, #tpu.memory_space<vmem>>, %arg8: memref<40x128xf32, #tpu.memory_space<vmem>>, %arg9: memref<10000x128xf32, #tpu.memory_space<vmem_shared>>, %arg10: memref<!tpu.dma_semaphore, #tpu.memory_space<semaphore_mem>>) attributes {dimension_semantics = [#tpu.dimension_semantics<core_parallel>, #tpu.dimension_semantics<subcore_parallel>], iteration_bounds = array<i64: 2, 16>, scalar_prefetch = 0 : i64, scratch_operands = 5 : i64, tpu.core_type = #tpu.core_type<sc_vector_subcore>, window_params = [{transform_indices = #map}, {transform_indices = #map1}, {transform_indices = #map1}, {transform_indices = #map2}]} {
    "tpu.region"() ({
      %run_scoped3A = tpu.sem_alloc : memref<!tpu.dma_semaphore, #tpu.memory_space<semaphore_mem>>
      tpu.enqueue_dma source(%arg3 : memref<40x128xf32, #tpu.memory_space<hbm>>) target(%arg8 : memref<40x128xf32, #tpu.memory_space<vmem>>) target_semaphore(%run_scoped3A : memref<!tpu.dma_semaphore, #tpu.memory_space<semaphore_mem>>)
      tpu.wait_dma2 semaphore(%run_scoped3A : memref<!tpu.dma_semaphore, #tpu.memory_space<semaphore_mem>>) src(%arg3 : memref<40x128xf32, #tpu.memory_space<hbm>>) dst(%arg8 : memref<40x128xf32, #tpu.memory_space<vmem>>)
      tpu.yield
    }) : () -> ()
    "tpu.region"() ({
      %run_scoped3A = tpu.sem_alloc : memref<!tpu.dma_semaphore, #tpu.memory_space<semaphore_mem>>
      tpu.enqueue_dma source(%arg4 : memref<40x128xf32, #tpu.memory_space<hbm>>) target(%arg7 : memref<40x128xf32, #tpu.memory_space<vmem>>) target_semaphore(%run_scoped3A : memref<!tpu.dma_semaphore, #tpu.memory_space<semaphore_mem>>)
      tpu.wait_dma2 semaphore(%run_scoped3A : memref<!tpu.dma_semaphore, #tpu.memory_space<semaphore_mem>>) src(%arg4 : memref<40x128xf32, #tpu.memory_space<hbm>>) dst(%arg7 : memref<40x128xf32, #tpu.memory_space<vmem>>)
      tpu.yield
    }) : () -> ()
    "tpu.region"() ({
      %run_scoped3A = tpu.sem_alloc : memref<!tpu.dma_semaphore, #tpu.memory_space<semaphore_mem>>
      %dma_start3A = arith.constant 0 : i32
      %dma_start3A_25 = arith.constant 0 : i32
      %dma_start3A_26 = tpu.memref_slice %arg2[%arg0, %arg1, %dma_start3A, %dma_start3A_25] : memref<2x16x125x40xi32, #tpu.memory_space<hbm>> -> memref<1x1x125x40xi32, #tpu.memory_space<hbm>>
      %dma_start3A_27 = tpu.memref_squeeze %dma_start3A_26 : memref<1x1x125x40xi32, #tpu.memory_space<hbm>> -> memref<125x40xi32, #tpu.memory_space<hbm>>
      %dma_start3A_28 = arith.constant 0 : i32
      %dma_start3A_29 = arith.constant 0 : i32
      %dma_start3A_30 = tpu.memref_slice %arg2[%arg0, %arg1, %dma_start3A_28, %dma_start3A_29] : memref<2x16x125x40xi32, #tpu.memory_space<hbm>> -> memref<1x1x125x40xi32, #tpu.memory_space<hbm>>
      %dma_start3A_31 = tpu.memref_squeeze %dma_start3A_30 : memref<1x1x125x40xi32, #tpu.memory_space<hbm>> -> memref<125x40xi32, #tpu.memory_space<hbm>>
      tpu.enqueue_dma source(%dma_start3A_31 : memref<125x40xi32, #tpu.memory_space<hbm>>) target(%arg6 : memref<125x40xi32, #tpu.memory_space<vmem>>) target_semaphore(%run_scoped3A : memref<!tpu.dma_semaphore, #tpu.memory_space<semaphore_mem>>)
      %dma_wait3A = arith.constant 0 : i32
      %dma_wait3A_32 = arith.constant 0 : i32
      %dma_wait3A_33 = tpu.memref_slice %arg2[%arg0, %arg1, %dma_wait3A, %dma_wait3A_32] : memref<2x16x125x40xi32, #tpu.memory_space<hbm>> -> memref<1x1x125x40xi32, #tpu.memory_space<hbm>>
      %dma_wait3A_34 = tpu.memref_squeeze %dma_wait3A_33 : memref<1x1x125x40xi32, #tpu.memory_space<hbm>> -> memref<125x40xi32, #tpu.memory_space<hbm>>
      %dma_wait3A_35 = arith.constant 0 : i32
      %dma_wait3A_36 = arith.constant 0 : i32
      %dma_wait3A_37 = tpu.memref_slice %arg2[%arg0, %arg1, %dma_wait3A_35, %dma_wait3A_36] : memref<2x16x125x40xi32, #tpu.memory_space<hbm>> -> memref<1x1x125x40xi32, #tpu.memory_space<hbm>>
      %dma_wait3A_38 = tpu.memref_squeeze %dma_wait3A_37 : memref<1x1x125x40xi32, #tpu.memory_space<hbm>> -> memref<125x40xi32, #tpu.memory_space<hbm>>
      tpu.wait_dma2 semaphore(%run_scoped3A : memref<!tpu.dma_semaphore, #tpu.memory_space<semaphore_mem>>) src(%dma_wait3A_38 : memref<125x40xi32, #tpu.memory_space<hbm>>) dst(%arg6 : memref<125x40xi32, #tpu.memory_space<vmem>>)
      tpu.yield
    }) : () -> ()
    %scan3A = arith.constant 0 : i32
    %scan3A_0 = arith.constant 0 : i32
    %scan3A_1 = arith.constant 15 : i32
    %scan3A_2 = arith.addi %scan3A_0, %scan3A_1 : i32
    %scan3A_3 = arith.constant 1 : i32
    scf.for %scan3A_25 = %scan3A_0 to %scan3A_2 step %scan3A_3  : i32 {
      %mul3A = arith.constant 16 : i32
      %mul3A_26 = arith.muli %scan3A_25, %mul3A : i32
      %add3A = arith.addi %arg1, %mul3A_26 : i32
      %mul3A_27 = arith.constant 40 : i32
      %mul3A_28 = arith.muli %add3A, %mul3A_27 : i32
      "tpu.region"() ({
        %run_scoped3A = tpu.sem_alloc : memref<!tpu.dma_semaphore, #tpu.memory_space<semaphore_mem>>
        %dma_start3A = arith.constant 0 : i32
        %dma_start3A_29 = tpu.memref_slice %arg9[%mul3A_28, %dma_start3A] : memref<10000x128xf32, #tpu.memory_space<vmem_shared>> -> memref<40x128xf32, #tpu.memory_space<vmem_shared>>
        %dma_start3A_30 = arith.constant 0 : i32
        %dma_start3A_31 = tpu.memref_slice %arg9[%mul3A_28, %dma_start3A_30] : memref<10000x128xf32, #tpu.memory_space<vmem_shared>> -> memref<40x128xf32, #tpu.memory_space<vmem_shared>>
        tpu.enqueue_dma source(%arg8 : memref<40x128xf32, #tpu.memory_space<vmem>>) target(%dma_start3A_31 : memref<40x128xf32, #tpu.memory_space<vmem_shared>>) target_semaphore(%run_scoped3A : memref<!tpu.dma_semaphore, #tpu.memory_space<semaphore_mem>>)
        %dma_wait3A = arith.constant 0 : i32
        %dma_wait3A_32 = tpu.memref_slice %arg9[%mul3A_28, %dma_wait3A] : memref<10000x128xf32, #tpu.memory_space<vmem_shared>> -> memref<40x128xf32, #tpu.memory_space<vmem_shared>>
        %dma_wait3A_33 = arith.constant 0 : i32
        %dma_wait3A_34 = tpu.memref_slice %arg9[%mul3A_28, %dma_wait3A_33] : memref<10000x128xf32, #tpu.memory_space<vmem_shared>> -> memref<40x128xf32, #tpu.memory_space<vmem_shared>>
        tpu.wait_dma2 semaphore(%run_scoped3A : memref<!tpu.dma_semaphore, #tpu.memory_space<semaphore_mem>>) src(%arg8 : memref<40x128xf32, #tpu.memory_space<vmem>>) dst(%dma_wait3A_34 : memref<40x128xf32, #tpu.memory_space<vmem_shared>>)
        tpu.yield
      }) : () -> ()
    }
    %scan3A_4 = arith.constant 15 : i32
    %lt3A = arith.constant 10 : i32
    %lt3A_5 = arith.cmpi slt, %arg1, %lt3A : i32
    %convert_element_type3A = arith.extui %lt3A_5 : i1 to i32
    %cond3A = arith.constant 0 : i32
    %cond3A_6 = arith.cmpi ne, %convert_element_type3A, %cond3A : i32
    scf.if %cond3A_6 {
      %add3A = arith.constant 240 : i32
      %add3A_25 = arith.addi %add3A, %arg1 : i32
      %mul3A = arith.constant 40 : i32
      %mul3A_26 = arith.muli %add3A_25, %mul3A : i32
      "tpu.region"() ({
        %run_scoped3A = tpu.sem_alloc : memref<!tpu.dma_semaphore, #tpu.memory_space<semaphore_mem>>
        %dma_start3A = arith.constant 0 : i32
        %dma_start3A_27 = tpu.memref_slice %arg9[%mul3A_26, %dma_start3A] : memref<10000x128xf32, #tpu.memory_space<vmem_shared>> -> memref<40x128xf32, #tpu.memory_space<vmem_shared>>
        %dma_start3A_28 = arith.constant 0 : i32
        %dma_start3A_29 = tpu.memref_slice %arg9[%mul3A_26, %dma_start3A_28] : memref<10000x128xf32, #tpu.memory_space<vmem_shared>> -> memref<40x128xf32, #tpu.memory_space<vmem_shared>>
        tpu.enqueue_dma source(%arg8 : memref<40x128xf32, #tpu.memory_space<vmem>>) target(%dma_start3A_29 : memref<40x128xf32, #tpu.memory_space<vmem_shared>>) target_semaphore(%run_scoped3A : memref<!tpu.dma_semaphore, #tpu.memory_space<semaphore_mem>>)
        %dma_wait3A = arith.constant 0 : i32
        %dma_wait3A_30 = tpu.memref_slice %arg9[%mul3A_26, %dma_wait3A] : memref<10000x128xf32, #tpu.memory_space<vmem_shared>> -> memref<40x128xf32, #tpu.memory_space<vmem_shared>>
        %dma_wait3A_31 = arith.constant 0 : i32
        %dma_wait3A_32 = tpu.memref_slice %arg9[%mul3A_26, %dma_wait3A_31] : memref<10000x128xf32, #tpu.memory_space<vmem_shared>> -> memref<40x128xf32, #tpu.memory_space<vmem_shared>>
        tpu.wait_dma2 semaphore(%run_scoped3A : memref<!tpu.dma_semaphore, #tpu.memory_space<semaphore_mem>>) src(%arg8 : memref<40x128xf32, #tpu.memory_space<vmem>>) dst(%dma_wait3A_32 : memref<40x128xf32, #tpu.memory_space<vmem_shared>>)
        tpu.yield
      }) : () -> ()
    } else {
    }
    %barrier3A = arith.constant 0 : index
    tpu.barrier barrier_id(%barrier3A)
    %scan3A_7 = arith.constant 0 : i32
    %scan3A_8 = arith.constant 0 : i32
    %scan3A_9 = arith.constant 125 : i32
    %scan3A_10 = arith.addi %scan3A_8, %scan3A_9 : i32
    %scan3A_11 = arith.constant 1 : i32
    scf.for %scan3A_25 = %scan3A_8 to %scan3A_10 step %scan3A_11  : i32 {
      "tpu.region"() ({
        %run_scoped3A = tpu.sem_alloc : memref<!tpu.dma_semaphore, #tpu.memory_space<semaphore_mem>>
        %dma_start3A = arith.constant 0 : i32
        %dma_start3A_26 = tpu.memref_slice %arg6[%scan3A_25, %dma_start3A] : memref<125x40xi32, #tpu.memory_space<vmem>> -> memref<1x40xi32, #tpu.memory_space<vmem>>
        %dma_start3A_27 = tpu.memref_squeeze %dma_start3A_26 : memref<1x40xi32, #tpu.memory_space<vmem>> -> memref<40xi32, #tpu.memory_space<vmem>>
        %dma_start3A_28 = arith.constant 0 : i32
        %dma_start3A_29 = arith.constant 0 : i32
        %dma_start3A_30 = tpu.memref_slice %arg9[%dma_start3A_28, %dma_start3A_29] : memref<10000x128xf32, #tpu.memory_space<vmem_shared>> -> memref<10000x128xf32, #tpu.memory_space<vmem_shared>>
        tpu.enqueue_indirect_dma source(%arg7 : memref<40x128xf32, #tpu.memory_space<vmem>>) target(%dma_start3A_30 : memref<10000x128xf32, #tpu.memory_space<vmem_shared>>) offsets(%dma_start3A_27 : memref<40xi32, #tpu.memory_space<vmem>>) semaphore(%run_scoped3A : memref<!tpu.dma_semaphore, #tpu.memory_space<semaphore_mem>>) {add = true}
        %dma_wait3A = arith.constant 0 : i32
        %dma_wait3A_31 = tpu.memref_slice %arg6[%scan3A_25, %dma_wait3A] : memref<125x40xi32, #tpu.memory_space<vmem>> -> memref<1x40xi32, #tpu.memory_space<vmem>>
        %dma_wait3A_32 = tpu.memref_squeeze %dma_wait3A_31 : memref<1x40xi32, #tpu.memory_space<vmem>> -> memref<40xi32, #tpu.memory_space<vmem>>
        %dma_wait3A_33 = arith.constant 0 : i32
        %dma_wait3A_34 = arith.constant 0 : i32
        %dma_wait3A_35 = tpu.memref_slice %arg9[%dma_wait3A_33, %dma_wait3A_34] : memref<10000x128xf32, #tpu.memory_space<vmem_shared>> -> memref<10000x128xf32, #tpu.memory_space<vmem_shared>>
        tpu.wait_indirect_dma semaphore(%run_scoped3A : memref<!tpu.dma_semaphore, #tpu.memory_space<semaphore_mem>>) src(%arg7 : memref<40x128xf32, #tpu.memory_space<vmem>>) dst(%dma_wait3A_35 : memref<10000x128xf32, #tpu.memory_space<vmem_shared>>)
        tpu.yield
      }) : () -> ()
    }
    %scan3A_12 = arith.constant 125 : i32
    %barrier3A_13 = arith.constant 0 : index
    tpu.barrier barrier_id(%barrier3A_13)
    %scan3A_14 = arith.constant 0 : i32
    %scan3A_15 = arith.constant 0 : i32
    %scan3A_16 = arith.constant 15 : i32
    %scan3A_17 = arith.addi %scan3A_15, %scan3A_16 : i32
    %scan3A_18 = arith.constant 1 : i32
    scf.for %scan3A_25 = %scan3A_15 to %scan3A_17 step %scan3A_18  : i32 {
      %mul3A = arith.constant 16 : i32
      %mul3A_26 = arith.muli %scan3A_25, %mul3A : i32
      %add3A = arith.addi %arg1, %mul3A_26 : i32
      %mul3A_27 = arith.constant 40 : i32
      %mul3A_28 = arith.muli %add3A, %mul3A_27 : i32
      "tpu.region"() ({
        %run_scoped3A = tpu.sem_alloc : memref<!tpu.dma_semaphore, #tpu.memory_space<semaphore_mem>>
        %dma_start3A = arith.constant 0 : i32
        %dma_start3A_29 = tpu.memref_slice %arg9[%mul3A_28, %dma_start3A] : memref<10000x128xf32, #tpu.memory_space<vmem_shared>> -> memref<40x128xf32, #tpu.memory_space<vmem_shared>>
        %dma_start3A_30 = arith.constant 0 : i32
        %dma_start3A_31 = tpu.memref_slice %arg9[%mul3A_28, %dma_start3A_30] : memref<10000x128xf32, #tpu.memory_space<vmem_shared>> -> memref<40x128xf32, #tpu.memory_space<vmem_shared>>
        tpu.enqueue_dma source(%dma_start3A_31 : memref<40x128xf32, #tpu.memory_space<vmem_shared>>) target(%arg8 : memref<40x128xf32, #tpu.memory_space<vmem>>) target_semaphore(%run_scoped3A : memref<!tpu.dma_semaphore, #tpu.memory_space<semaphore_mem>>)
        %dma_wait3A = arith.constant 0 : i32
        %dma_wait3A_32 = tpu.memref_slice %arg9[%mul3A_28, %dma_wait3A] : memref<10000x128xf32, #tpu.memory_space<vmem_shared>> -> memref<40x128xf32, #tpu.memory_space<vmem_shared>>
        %dma_wait3A_33 = arith.constant 0 : i32
        %dma_wait3A_34 = tpu.memref_slice %arg9[%mul3A_28, %dma_wait3A_33] : memref<10000x128xf32, #tpu.memory_space<vmem_shared>> -> memref<40x128xf32, #tpu.memory_space<vmem_shared>>
        tpu.wait_dma2 semaphore(%run_scoped3A : memref<!tpu.dma_semaphore, #tpu.memory_space<semaphore_mem>>) src(%dma_wait3A_34 : memref<40x128xf32, #tpu.memory_space<vmem_shared>>) dst(%arg8 : memref<40x128xf32, #tpu.memory_space<vmem>>)
        tpu.yield
      }) : () -> ()
      "tpu.region"() ({
        %run_scoped3A = tpu.sem_alloc : memref<!tpu.dma_semaphore, #tpu.memory_space<semaphore_mem>>
        %dma_start3A = arith.constant 0 : i32
        %dma_start3A_29 = tpu.memref_slice %arg5[%arg0, %mul3A_28, %dma_start3A] : memref<2x10000x128xf32, #tpu.memory_space<hbm>> -> memref<1x40x128xf32, #tpu.memory_space<hbm>>
        %dma_start3A_30 = tpu.memref_squeeze %dma_start3A_29 : memref<1x40x128xf32, #tpu.memory_space<hbm>> -> memref<40x128xf32, #tpu.memory_space<hbm>>
        %dma_start3A_31 = arith.constant 0 : i32
        %dma_start3A_32 = tpu.memref_slice %arg5[%arg0, %mul3A_28, %dma_start3A_31] : memref<2x10000x128xf32, #tpu.memory_space<hbm>> -> memref<1x40x128xf32, #tpu.memory_space<hbm>>
        %dma_start3A_33 = tpu.memref_squeeze %dma_start3A_32 : memref<1x40x128xf32, #tpu.memory_space<hbm>> -> memref<40x128xf32, #tpu.memory_space<hbm>>
        tpu.enqueue_dma source(%arg8 : memref<40x128xf32, #tpu.memory_space<vmem>>) target(%dma_start3A_33 : memref<40x128xf32, #tpu.memory_space<hbm>>) target_semaphore(%run_scoped3A : memref<!tpu.dma_semaphore, #tpu.memory_space<semaphore_mem>>)
        %dma_wait3A = arith.constant 0 : i32
        %dma_wait3A_34 = tpu.memref_slice %arg5[%arg0, %mul3A_28, %dma_wait3A] : memref<2x10000x128xf32, #tpu.memory_space<hbm>> -> memref<1x40x128xf32, #tpu.memory_space<hbm>>
        %dma_wait3A_35 = tpu.memref_squeeze %dma_wait3A_34 : memref<1x40x128xf32, #tpu.memory_space<hbm>> -> memref<40x128xf32, #tpu.memory_space<hbm>>
        %dma_wait3A_36 = arith.constant 0 : i32
        %dma_wait3A_37 = tpu.memref_slice %arg5[%arg0, %mul3A_28, %dma_wait3A_36] : memref<2x10000x128xf32, #tpu.memory_space<hbm>> -> memref<1x40x128xf32, #tpu.memory_space<hbm>>
        %dma_wait3A_38 = tpu.memref_squeeze %dma_wait3A_37 : memref<1x40x128xf32, #tpu.memory_space<hbm>> -> memref<40x128xf32, #tpu.memory_space<hbm>>
        tpu.wait_dma2 semaphore(%run_scoped3A : memref<!tpu.dma_semaphore, #tpu.memory_space<semaphore_mem>>) src(%arg8 : memref<40x128xf32, #tpu.memory_space<vmem>>) dst(%dma_wait3A_38 : memref<40x128xf32, #tpu.memory_space<hbm>>)
        tpu.yield
      }) : () -> ()
    }
    %scan3A_19 = arith.constant 15 : i32
    %lt3A_20 = arith.constant 10 : i32
    %lt3A_21 = arith.cmpi slt, %arg1, %lt3A_20 : i32
    %convert_element_type3A_22 = arith.extui %lt3A_21 : i1 to i32
    %cond3A_23 = arith.constant 0 : i32
    %cond3A_24 = arith.cmpi ne, %convert_element_type3A_22, %cond3A_23 : i32
    scf.if %cond3A_24 {
      %add3A = arith.constant 240 : i32
      %add3A_25 = arith.addi %add3A, %arg1 : i32
      %mul3A = arith.constant 40 : i32
      %mul3A_26 = arith.muli %add3A_25, %mul3A : i32
      "tpu.region"() ({
        %run_scoped3A = tpu.sem_alloc : memref<!tpu.dma_semaphore, #tpu.memory_space<semaphore_mem>>
        %dma_start3A = arith.constant 0 : i32
        %dma_start3A_27 = tpu.memref_slice %arg9[%mul3A_26, %dma_start3A] : memref<10000x128xf32, #tpu.memory_space<vmem_shared>> -> memref<40x128xf32, #tpu.memory_space<vmem_shared>>
        %dma_start3A_28 = arith.constant 0 : i32
        %dma_start3A_29 = tpu.memref_slice %arg9[%mul3A_26, %dma_start3A_28] : memref<10000x128xf32, #tpu.memory_space<vmem_shared>> -> memref<40x128xf32, #tpu.memory_space<vmem_shared>>
        tpu.enqueue_dma source(%dma_start3A_29 : memref<40x128xf32, #tpu.memory_space<vmem_shared>>) target(%arg8 : memref<40x128xf32, #tpu.memory_space<vmem>>) target_semaphore(%run_scoped3A : memref<!tpu.dma_semaphore, #tpu.memory_space<semaphore_mem>>)
        %dma_wait3A = arith.constant 0 : i32
        %dma_wait3A_30 = tpu.memref_slice %arg9[%mul3A_26, %dma_wait3A] : memref<10000x128xf32, #tpu.memory_space<vmem_shared>> -> memref<40x128xf32, #tpu.memory_space<vmem_shared>>
        %dma_wait3A_31 = arith.constant 0 : i32
        %dma_wait3A_32 = tpu.memref_slice %arg9[%mul3A_26, %dma_wait3A_31] : memref<10000x128xf32, #tpu.memory_space<vmem_shared>> -> memref<40x128xf32, #tpu.memory_space<vmem_shared>>
        tpu.wait_dma2 semaphore(%run_scoped3A : memref<!tpu.dma_semaphore, #tpu.memory_space<semaphore_mem>>) src(%dma_wait3A_32 : memref<40x128xf32, #tpu.memory_space<vmem_shared>>) dst(%arg8 : memref<40x128xf32, #tpu.memory_space<vmem>>)
        tpu.yield
      }) : () -> ()
      "tpu.region"() ({
        %run_scoped3A = tpu.sem_alloc : memref<!tpu.dma_semaphore, #tpu.memory_space<semaphore_mem>>
        %dma_start3A = arith.constant 0 : i32
        %dma_start3A_27 = tpu.memref_slice %arg5[%arg0, %mul3A_26, %dma_start3A] : memref<2x10000x128xf32, #tpu.memory_space<hbm>> -> memref<1x40x128xf32, #tpu.memory_space<hbm>>
        %dma_start3A_28 = tpu.memref_squeeze %dma_start3A_27 : memref<1x40x128xf32, #tpu.memory_space<hbm>> -> memref<40x128xf32, #tpu.memory_space<hbm>>
        %dma_start3A_29 = arith.constant 0 : i32
        %dma_start3A_30 = tpu.memref_slice %arg5[%arg0, %mul3A_26, %dma_start3A_29] : memref<2x10000x128xf32, #tpu.memory_space<hbm>> -> memref<1x40x128xf32, #tpu.memory_space<hbm>>
        %dma_start3A_31 = tpu.memref_squeeze %dma_start3A_30 : memref<1x40x128xf32, #tpu.memory_space<hbm>> -> memref<40x128xf32, #tpu.memory_space<hbm>>
        tpu.enqueue_dma source(%arg8 : memref<40x128xf32, #tpu.memory_space<vmem>>) target(%dma_start3A_31 : memref<40x128xf32, #tpu.memory_space<hbm>>) target_semaphore(%run_scoped3A : memref<!tpu.dma_semaphore, #tpu.memory_space<semaphore_mem>>)
        %dma_wait3A = arith.constant 0 : i32
        %dma_wait3A_32 = tpu.memref_slice %arg5[%arg0, %mul3A_26, %dma_wait3A] : memref<2x10000x128xf32, #tpu.memory_space<hbm>> -> memref<1x40x128xf32, #tpu.memory_space<hbm>>
        %dma_wait3A_33 = tpu.memref_squeeze %dma_wait3A_32 : memref<1x40x128xf32, #tpu.memory_space<hbm>> -> memref<40x128xf32, #tpu.memory_space<hbm>>
        %dma_wait3A_34 = arith.constant 0 : i32
        %dma_wait3A_35 = tpu.memref_slice %arg5[%arg0, %mul3A_26, %dma_wait3A_34] : memref<2x10000x128xf32, #tpu.memory_space<hbm>> -> memref<1x40x128xf32, #tpu.memory_space<hbm>>
        %dma_wait3A_36 = tpu.memref_squeeze %dma_wait3A_35 : memref<1x40x128xf32, #tpu.memory_space<hbm>> -> memref<40x128xf32, #tpu.memory_space<hbm>>
        tpu.wait_dma2 semaphore(%run_scoped3A : memref<!tpu.dma_semaphore, #tpu.memory_space<semaphore_mem>>) src(%arg8 : memref<40x128xf32, #tpu.memory_space<vmem>>) dst(%dma_wait3A_36 : memref<40x128xf32, #tpu.memory_space<hbm>>)
        tpu.yield
      }) : () -> ()
    } else {
    }
    return
  }
}

#map = affine_map<(d0, d1) -> (0, 0, 0)>
#map1 = affine_map<(d0, d1) -> (0, 0)>
module attributes {stable_mosaic.version = 14 : i64} {
  func.func @_scatter_body(%arg0: i32, %arg1: i32, %arg2: memref<2x160000x128xf32, #tpu.memory_space<hbm>>, %arg3: memref<16x125x80xi32, #tpu.memory_space<hbm>>, %arg4: memref<40x128xf32, #tpu.memory_space<hbm>>, %arg5: memref<2x10000x128xf32, #tpu.memory_space<hbm>>, %arg6: memref<125x80xi32, #tpu.memory_space<vmem>>, %arg7: memref<80x128xf32, #tpu.memory_space<vmem>>, %arg8: memref<80x128xf32, #tpu.memory_space<vmem>>, %arg9: memref<40x128xf32, #tpu.memory_space<vmem>>, %arg10: memref<10000x128xf32, #tpu.memory_space<vmem_shared>>, %arg11: memref<!tpu.dma_semaphore, #tpu.memory_space<semaphore_mem>>, %arg12: memref<!tpu.dma_semaphore, #tpu.memory_space<semaphore_mem>>) attributes {dimension_semantics = [#tpu.dimension_semantics<core_parallel>, #tpu.dimension_semantics<subcore_parallel>], iteration_bounds = array<i64: 2, 16>, scalar_prefetch = 0 : i64, scratch_operands = 7 : i64, tpu.core_type = #tpu.core_type<sc_vector_subcore>, window_params = [{transform_indices = #map}, {transform_indices = #map}, {transform_indices = #map1}, {transform_indices = #map}]} {
    "tpu.region"() ({
      %run_scoped3A_45 = tpu.sem_alloc : memref<!tpu.dma_semaphore, #tpu.memory_space<semaphore_mem>>
      tpu.enqueue_dma source(%arg4 : memref<40x128xf32, #tpu.memory_space<hbm>>) target(%arg9 : memref<40x128xf32, #tpu.memory_space<vmem>>) target_semaphore(%run_scoped3A_45 : memref<!tpu.dma_semaphore, #tpu.memory_space<semaphore_mem>>)
      tpu.wait_dma2 semaphore(%run_scoped3A_45 : memref<!tpu.dma_semaphore, #tpu.memory_space<semaphore_mem>>) src(%arg4 : memref<40x128xf32, #tpu.memory_space<hbm>>) dst(%arg9 : memref<40x128xf32, #tpu.memory_space<vmem>>)
      tpu.yield
    }) : () -> ()
    "tpu.region"() ({
      %run_scoped3A_45 = tpu.sem_alloc : memref<!tpu.dma_semaphore, #tpu.memory_space<semaphore_mem>>
      %dma_start3A_46 = arith.constant 0 : i32
      %dma_start3A_47 = arith.constant 0 : i32
      %dma_start3A_48 = tpu.memref_slice %arg3[%arg1, %dma_start3A_46, %dma_start3A_47] : memref<16x125x80xi32, #tpu.memory_space<hbm>> -> memref<1x125x80xi32, #tpu.memory_space<hbm>>
      %dma_start3A_49 = tpu.memref_squeeze %dma_start3A_48 : memref<1x125x80xi32, #tpu.memory_space<hbm>> -> memref<125x80xi32, #tpu.memory_space<hbm>>
      %dma_start3A_50 = arith.constant 0 : i32
      %dma_start3A_51 = arith.constant 0 : i32
      %dma_start3A_52 = tpu.memref_slice %arg3[%arg1, %dma_start3A_50, %dma_start3A_51] : memref<16x125x80xi32, #tpu.memory_space<hbm>> -> memref<1x125x80xi32, #tpu.memory_space<hbm>>
      %dma_start3A_53 = tpu.memref_squeeze %dma_start3A_52 : memref<1x125x80xi32, #tpu.memory_space<hbm>> -> memref<125x80xi32, #tpu.memory_space<hbm>>
      tpu.enqueue_dma source(%dma_start3A_53 : memref<125x80xi32, #tpu.memory_space<hbm>>) target(%arg6 : memref<125x80xi32, #tpu.memory_space<vmem>>) target_semaphore(%run_scoped3A_45 : memref<!tpu.dma_semaphore, #tpu.memory_space<semaphore_mem>>)
      %dma_wait3A_54 = arith.constant 0 : i32
      %dma_wait3A_55 = arith.constant 0 : i32
      %dma_wait3A_56 = tpu.memref_slice %arg3[%arg1, %dma_wait3A_54, %dma_wait3A_55] : memref<16x125x80xi32, #tpu.memory_space<hbm>> -> memref<1x125x80xi32, #tpu.memory_space<hbm>>
      %dma_wait3A_57 = tpu.memref_squeeze %dma_wait3A_56 : memref<1x125x80xi32, #tpu.memory_space<hbm>> -> memref<125x80xi32, #tpu.memory_space<hbm>>
      %dma_wait3A_58 = arith.constant 0 : i32
      %dma_wait3A_59 = arith.constant 0 : i32
      %dma_wait3A_60 = tpu.memref_slice %arg3[%arg1, %dma_wait3A_58, %dma_wait3A_59] : memref<16x125x80xi32, #tpu.memory_space<hbm>> -> memref<1x125x80xi32, #tpu.memory_space<hbm>>
      %dma_wait3A_61 = tpu.memref_squeeze %dma_wait3A_60 : memref<1x125x80xi32, #tpu.memory_space<hbm>> -> memref<125x80xi32, #tpu.memory_space<hbm>>
      tpu.wait_dma2 semaphore(%run_scoped3A_45 : memref<!tpu.dma_semaphore, #tpu.memory_space<semaphore_mem>>) src(%dma_wait3A_61 : memref<125x80xi32, #tpu.memory_space<hbm>>) dst(%arg6 : memref<125x80xi32, #tpu.memory_space<vmem>>)
      tpu.yield
    }) : () -> ()
    %scan3A = arith.constant 0 : i32
    %scan3A_0 = arith.constant 0 : i32
    %scan3A_1 = arith.constant 15 : i32
    %scan3A_2 = arith.addi %scan3A_0, %scan3A_1 : i32
    %scan3A_3 = arith.constant 1 : i32
    scf.for %scan3A_45 = %scan3A_0 to %scan3A_2 step %scan3A_3  : i32 {
      %mul3A_46 = arith.constant 16 : i32
      %mul3A_47 = arith.muli %scan3A_45, %mul3A_46 : i32
      %add3A_48 = arith.addi %arg1, %mul3A_47 : i32
      %mul3A_49 = arith.constant 40 : i32
      %mul3A_50 = arith.muli %add3A_48, %mul3A_49 : i32
      "tpu.region"() ({
        %run_scoped3A_51 = tpu.sem_alloc : memref<!tpu.dma_semaphore, #tpu.memory_space<semaphore_mem>>
        %dma_start3A_52 = arith.constant 0 : i32
        %dma_start3A_53 = tpu.memref_slice %arg10[%mul3A_50, %dma_start3A_52] : memref<10000x128xf32, #tpu.memory_space<vmem_shared>> -> memref<40x128xf32, #tpu.memory_space<vmem_shared>>
        %dma_start3A_54 = arith.constant 0 : i32
        %dma_start3A_55 = tpu.memref_slice %arg10[%mul3A_50, %dma_start3A_54] : memref<10000x128xf32, #tpu.memory_space<vmem_shared>> -> memref<40x128xf32, #tpu.memory_space<vmem_shared>>
        tpu.enqueue_dma source(%arg9 : memref<40x128xf32, #tpu.memory_space<vmem>>) target(%dma_start3A_55 : memref<40x128xf32, #tpu.memory_space<vmem_shared>>) target_semaphore(%run_scoped3A_51 : memref<!tpu.dma_semaphore, #tpu.memory_space<semaphore_mem>>)
        %dma_wait3A_56 = arith.constant 0 : i32
        %dma_wait3A_57 = tpu.memref_slice %arg10[%mul3A_50, %dma_wait3A_56] : memref<10000x128xf32, #tpu.memory_space<vmem_shared>> -> memref<40x128xf32, #tpu.memory_space<vmem_shared>>
        %dma_wait3A_58 = arith.constant 0 : i32
        %dma_wait3A_59 = tpu.memref_slice %arg10[%mul3A_50, %dma_wait3A_58] : memref<10000x128xf32, #tpu.memory_space<vmem_shared>> -> memref<40x128xf32, #tpu.memory_space<vmem_shared>>
        tpu.wait_dma2 semaphore(%run_scoped3A_51 : memref<!tpu.dma_semaphore, #tpu.memory_space<semaphore_mem>>) src(%arg9 : memref<40x128xf32, #tpu.memory_space<vmem>>) dst(%dma_wait3A_59 : memref<40x128xf32, #tpu.memory_space<vmem_shared>>)
        tpu.yield
      }) : () -> ()
    }
    %scan3A_4 = arith.constant 15 : i32
    %lt3A = arith.constant 10 : i32
    %lt3A_5 = arith.cmpi slt, %arg1, %lt3A : i32
    %convert_element_type3A = arith.extui %lt3A_5 : i1 to i32
    %cond3A = arith.constant 0 : i32
    %cond3A_6 = arith.cmpi ne, %convert_element_type3A, %cond3A : i32
    scf.if %cond3A_6 {
      %add3A_45 = arith.constant 240 : i32
      %add3A_46 = arith.addi %add3A_45, %arg1 : i32
      %mul3A_47 = arith.constant 40 : i32
      %mul3A_48 = arith.muli %add3A_46, %mul3A_47 : i32
      "tpu.region"() ({
        %run_scoped3A_49 = tpu.sem_alloc : memref<!tpu.dma_semaphore, #tpu.memory_space<semaphore_mem>>
        %dma_start3A_50 = arith.constant 0 : i32
        %dma_start3A_51 = tpu.memref_slice %arg10[%mul3A_48, %dma_start3A_50] : memref<10000x128xf32, #tpu.memory_space<vmem_shared>> -> memref<40x128xf32, #tpu.memory_space<vmem_shared>>
        %dma_start3A_52 = arith.constant 0 : i32
        %dma_start3A_53 = tpu.memref_slice %arg10[%mul3A_48, %dma_start3A_52] : memref<10000x128xf32, #tpu.memory_space<vmem_shared>> -> memref<40x128xf32, #tpu.memory_space<vmem_shared>>
        tpu.enqueue_dma source(%arg9 : memref<40x128xf32, #tpu.memory_space<vmem>>) target(%dma_start3A_53 : memref<40x128xf32, #tpu.memory_space<vmem_shared>>) target_semaphore(%run_scoped3A_49 : memref<!tpu.dma_semaphore, #tpu.memory_space<semaphore_mem>>)
        %dma_wait3A_54 = arith.constant 0 : i32
        %dma_wait3A_55 = tpu.memref_slice %arg10[%mul3A_48, %dma_wait3A_54] : memref<10000x128xf32, #tpu.memory_space<vmem_shared>> -> memref<40x128xf32, #tpu.memory_space<vmem_shared>>
        %dma_wait3A_56 = arith.constant 0 : i32
        %dma_wait3A_57 = tpu.memref_slice %arg10[%mul3A_48, %dma_wait3A_56] : memref<10000x128xf32, #tpu.memory_space<vmem_shared>> -> memref<40x128xf32, #tpu.memory_space<vmem_shared>>
        tpu.wait_dma2 semaphore(%run_scoped3A_49 : memref<!tpu.dma_semaphore, #tpu.memory_space<semaphore_mem>>) src(%arg9 : memref<40x128xf32, #tpu.memory_space<vmem>>) dst(%dma_wait3A_57 : memref<40x128xf32, #tpu.memory_space<vmem_shared>>)
        tpu.yield
      }) : () -> ()
    } else {
    }
    %barrier3A = arith.constant 0 : index
    tpu.barrier barrier_id(%barrier3A)
    %mul3A = arith.constant 10000 : i32
    %mul3A_7 = arith.muli %arg1, %mul3A : i32
    %dma_start3A = arith.constant 0 : i32
    %dma_start3A_8 = tpu.memref_slice %arg2[%arg0, %mul3A_7, %dma_start3A] : memref<2x160000x128xf32, #tpu.memory_space<hbm>> -> memref<1x80x128xf32, #tpu.memory_space<hbm>>
    %dma_start3A_9 = tpu.memref_squeeze %dma_start3A_8 : memref<1x80x128xf32, #tpu.memory_space<hbm>> -> memref<80x128xf32, #tpu.memory_space<hbm>>
    %dma_start3A_10 = arith.constant 0 : i32
    %dma_start3A_11 = tpu.memref_slice %arg2[%arg0, %mul3A_7, %dma_start3A_10] : memref<2x160000x128xf32, #tpu.memory_space<hbm>> -> memref<1x80x128xf32, #tpu.memory_space<hbm>>
    %dma_start3A_12 = tpu.memref_squeeze %dma_start3A_11 : memref<1x80x128xf32, #tpu.memory_space<hbm>> -> memref<80x128xf32, #tpu.memory_space<hbm>>
    tpu.enqueue_dma source(%dma_start3A_12 : memref<80x128xf32, #tpu.memory_space<hbm>>) target(%arg7 : memref<80x128xf32, #tpu.memory_space<vmem>>) target_semaphore(%arg11 : memref<!tpu.dma_semaphore, #tpu.memory_space<semaphore_mem>>)
    %add3A = arith.constant 80 : i32
    %add3A_13 = arith.addi %mul3A_7, %add3A : i32
    %dma_start3A_14 = arith.constant 0 : i32
    %dma_start3A_15 = tpu.memref_slice %arg2[%arg0, %add3A_13, %dma_start3A_14] : memref<2x160000x128xf32, #tpu.memory_space<hbm>> -> memref<1x80x128xf32, #tpu.memory_space<hbm>>
    %dma_start3A_16 = tpu.memref_squeeze %dma_start3A_15 : memref<1x80x128xf32, #tpu.memory_space<hbm>> -> memref<80x128xf32, #tpu.memory_space<hbm>>
    %dma_start3A_17 = arith.constant 0 : i32
    %dma_start3A_18 = tpu.memref_slice %arg2[%arg0, %add3A_13, %dma_start3A_17] : memref<2x160000x128xf32, #tpu.memory_space<hbm>> -> memref<1x80x128xf32, #tpu.memory_space<hbm>>
    %dma_start3A_19 = tpu.memref_squeeze %dma_start3A_18 : memref<1x80x128xf32, #tpu.memory_space<hbm>> -> memref<80x128xf32, #tpu.memory_space<hbm>>
    tpu.enqueue_dma source(%dma_start3A_19 : memref<80x128xf32, #tpu.memory_space<hbm>>) target(%arg8 : memref<80x128xf32, #tpu.memory_space<vmem>>) target_semaphore(%arg12 : memref<!tpu.dma_semaphore, #tpu.memory_space<semaphore_mem>>)
    %scan3A_20 = arith.constant 0 : i32
    %scan3A_21 = arith.constant 0 : i32
    %scan3A_22 = arith.constant 62 : i32
    %scan3A_23 = arith.addi %scan3A_21, %scan3A_22 : i32
    %scan3A_24 = arith.constant 1 : i32
    scf.for %scan3A_45 = %scan3A_21 to %scan3A_23 step %scan3A_24  : i32 {
      %mul3A_46 = arith.constant 2 : i32
      %mul3A_47 = arith.muli %mul3A_46, %scan3A_45 : i32
      %dma_wait3A_48 = arith.constant 0 : i32
      %dma_wait3A_49 = arith.constant 0 : i32
      %dma_wait3A_50 = tpu.memref_slice %arg2[%arg0, %dma_wait3A_48, %dma_wait3A_49] : memref<2x160000x128xf32, #tpu.memory_space<hbm>> -> memref<1x80x128xf32, #tpu.memory_space<hbm>>
      %dma_wait3A_51 = tpu.memref_squeeze %dma_wait3A_50 : memref<1x80x128xf32, #tpu.memory_space<hbm>> -> memref<80x128xf32, #tpu.memory_space<hbm>>
      %dma_wait3A_52 = arith.constant 0 : i32
      %dma_wait3A_53 = arith.constant 0 : i32
      %dma_wait3A_54 = tpu.memref_slice %arg2[%arg0, %dma_wait3A_52, %dma_wait3A_53] : memref<2x160000x128xf32, #tpu.memory_space<hbm>> -> memref<1x80x128xf32, #tpu.memory_space<hbm>>
      %dma_wait3A_55 = tpu.memref_squeeze %dma_wait3A_54 : memref<1x80x128xf32, #tpu.memory_space<hbm>> -> memref<80x128xf32, #tpu.memory_space<hbm>>
      tpu.wait_dma2 semaphore(%arg11 : memref<!tpu.dma_semaphore, #tpu.memory_space<semaphore_mem>>) src(%dma_wait3A_55 : memref<80x128xf32, #tpu.memory_space<hbm>>) dst(%arg7 : memref<80x128xf32, #tpu.memory_space<vmem>>)
      "tpu.region"() ({
        %run_scoped3A_82 = tpu.sem_alloc : memref<!tpu.dma_semaphore, #tpu.memory_space<semaphore_mem>>
        %dma_start3A_83 = arith.constant 0 : i32
        %dma_start3A_84 = tpu.memref_slice %arg6[%mul3A_47, %dma_start3A_83] : memref<125x80xi32, #tpu.memory_space<vmem>> -> memref<1x80xi32, #tpu.memory_space<vmem>>
        %dma_start3A_85 = tpu.memref_squeeze %dma_start3A_84 : memref<1x80xi32, #tpu.memory_space<vmem>> -> memref<80xi32, #tpu.memory_space<vmem>>
        %dma_start3A_86 = arith.constant 0 : i32
        %dma_start3A_87 = arith.constant 0 : i32
        %dma_start3A_88 = tpu.memref_slice %arg10[%dma_start3A_86, %dma_start3A_87] : memref<10000x128xf32, #tpu.memory_space<vmem_shared>> -> memref<10000x128xf32, #tpu.memory_space<vmem_shared>>
        tpu.enqueue_indirect_dma source(%arg7 : memref<80x128xf32, #tpu.memory_space<vmem>>) target(%dma_start3A_88 : memref<10000x128xf32, #tpu.memory_space<vmem_shared>>) offsets(%dma_start3A_85 : memref<80xi32, #tpu.memory_space<vmem>>) semaphore(%run_scoped3A_82 : memref<!tpu.dma_semaphore, #tpu.memory_space<semaphore_mem>>) {add = true}
        %dma_wait3A_89 = arith.constant 0 : i32
        %dma_wait3A_90 = tpu.memref_slice %arg6[%mul3A_47, %dma_wait3A_89] : memref<125x80xi32, #tpu.memory_space<vmem>> -> memref<1x80xi32, #tpu.memory_space<vmem>>
        %dma_wait3A_91 = tpu.memref_squeeze %dma_wait3A_90 : memref<1x80xi32, #tpu.memory_space<vmem>> -> memref<80xi32, #tpu.memory_space<vmem>>
        %dma_wait3A_92 = arith.constant 0 : i32
        %dma_wait3A_93 = arith.constant 0 : i32
        %dma_wait3A_94 = tpu.memref_slice %arg10[%dma_wait3A_92, %dma_wait3A_93] : memref<10000x128xf32, #tpu.memory_space<vmem_shared>> -> memref<10000x128xf32, #tpu.memory_space<vmem_shared>>
        tpu.wait_indirect_dma semaphore(%run_scoped3A_82 : memref<!tpu.dma_semaphore, #tpu.memory_space<semaphore_mem>>) src(%arg7 : memref<80x128xf32, #tpu.memory_space<vmem>>) dst(%dma_wait3A_94 : memref<10000x128xf32, #tpu.memory_space<vmem_shared>>)
        tpu.yield
      }) : () -> ()
      %add3A_56 = arith.constant 2 : i32
      %add3A_57 = arith.addi %mul3A_47, %add3A_56 : i32
      %lt3A_58 = arith.constant 125 : i32
      %lt3A_59 = arith.cmpi slt, %add3A_57, %lt3A_58 : i32
      %convert_element_type3A_60 = arith.extui %lt3A_59 : i1 to i32
      %cond3A_61 = arith.constant 0 : i32
      %cond3A_62 = arith.cmpi ne, %convert_element_type3A_60, %cond3A_61 : i32
      scf.if %cond3A_62 {
        %add3A_82 = arith.constant 2 : i32
        %add3A_83 = arith.addi %mul3A_47, %add3A_82 : i32
        %mul3A_84 = arith.constant 80 : i32
        %mul3A_85 = arith.muli %add3A_83, %mul3A_84 : i32
        %add3A_86 = arith.addi %mul3A_7, %mul3A_85 : i32
        %dma_start3A_87 = arith.constant 0 : i32
        %dma_start3A_88 = tpu.memref_slice %arg2[%arg0, %add3A_86, %dma_start3A_87] : memref<2x160000x128xf32, #tpu.memory_space<hbm>> -> memref<1x80x128xf32, #tpu.memory_space<hbm>>
        %dma_start3A_89 = tpu.memref_squeeze %dma_start3A_88 : memref<1x80x128xf32, #tpu.memory_space<hbm>> -> memref<80x128xf32, #tpu.memory_space<hbm>>
        %dma_start3A_90 = arith.constant 0 : i32
        %dma_start3A_91 = tpu.memref_slice %arg2[%arg0, %add3A_86, %dma_start3A_90] : memref<2x160000x128xf32, #tpu.memory_space<hbm>> -> memref<1x80x128xf32, #tpu.memory_space<hbm>>
        %dma_start3A_92 = tpu.memref_squeeze %dma_start3A_91 : memref<1x80x128xf32, #tpu.memory_space<hbm>> -> memref<80x128xf32, #tpu.memory_space<hbm>>
        tpu.enqueue_dma source(%dma_start3A_92 : memref<80x128xf32, #tpu.memory_space<hbm>>) target(%arg7 : memref<80x128xf32, #tpu.memory_space<vmem>>) target_semaphore(%arg11 : memref<!tpu.dma_semaphore, #tpu.memory_space<semaphore_mem>>)
      } else {
      }
      %mul3A_63 = arith.constant 2 : i32
      %mul3A_64 = arith.muli %mul3A_63, %scan3A_45 : i32
      %add3A_65 = arith.constant 1 : i32
      %add3A_66 = arith.addi %mul3A_64, %add3A_65 : i32
      %dma_wait3A_67 = arith.constant 0 : i32
      %dma_wait3A_68 = arith.constant 0 : i32
      %dma_wait3A_69 = tpu.memref_slice %arg2[%arg0, %dma_wait3A_67, %dma_wait3A_68] : memref<2x160000x128xf32, #tpu.memory_space<hbm>> -> memref<1x80x128xf32, #tpu.memory_space<hbm>>
      %dma_wait3A_70 = tpu.memref_squeeze %dma_wait3A_69 : memref<1x80x128xf32, #tpu.memory_space<hbm>> -> memref<80x128xf32, #tpu.memory_space<hbm>>
      %dma_wait3A_71 = arith.constant 0 : i32
      %dma_wait3A_72 = arith.constant 0 : i32
      %dma_wait3A_73 = tpu.memref_slice %arg2[%arg0, %dma_wait3A_71, %dma_wait3A_72] : memref<2x160000x128xf32, #tpu.memory_space<hbm>> -> memref<1x80x128xf32, #tpu.memory_space<hbm>>
      %dma_wait3A_74 = tpu.memref_squeeze %dma_wait3A_73 : memref<1x80x128xf32, #tpu.memory_space<hbm>> -> memref<80x128xf32, #tpu.memory_space<hbm>>
      tpu.wait_dma2 semaphore(%arg12 : memref<!tpu.dma_semaphore, #tpu.memory_space<semaphore_mem>>) src(%dma_wait3A_74 : memref<80x128xf32, #tpu.memory_space<hbm>>) dst(%arg8 : memref<80x128xf32, #tpu.memory_space<vmem>>)
      "tpu.region"() ({
        %run_scoped3A_82 = tpu.sem_alloc : memref<!tpu.dma_semaphore, #tpu.memory_space<semaphore_mem>>
        %dma_start3A_83 = arith.constant 0 : i32
        %dma_start3A_84 = tpu.memref_slice %arg6[%add3A_66, %dma_start3A_83] : memref<125x80xi32, #tpu.memory_space<vmem>> -> memref<1x80xi32, #tpu.memory_space<vmem>>
        %dma_start3A_85 = tpu.memref_squeeze %dma_start3A_84 : memref<1x80xi32, #tpu.memory_space<vmem>> -> memref<80xi32, #tpu.memory_space<vmem>>
        %dma_start3A_86 = arith.constant 0 : i32
        %dma_start3A_87 = arith.constant 0 : i32
        %dma_start3A_88 = tpu.memref_slice %arg10[%dma_start3A_86, %dma_start3A_87] : memref<10000x128xf32, #tpu.memory_space<vmem_shared>> -> memref<10000x128xf32, #tpu.memory_space<vmem_shared>>
        tpu.enqueue_indirect_dma source(%arg8 : memref<80x128xf32, #tpu.memory_space<vmem>>) target(%dma_start3A_88 : memref<10000x128xf32, #tpu.memory_space<vmem_shared>>) offsets(%dma_start3A_85 : memref<80xi32, #tpu.memory_space<vmem>>) semaphore(%run_scoped3A_82 : memref<!tpu.dma_semaphore, #tpu.memory_space<semaphore_mem>>) {add = true}
        %dma_wait3A_89 = arith.constant 0 : i32
        %dma_wait3A_90 = tpu.memref_slice %arg6[%add3A_66, %dma_wait3A_89] : memref<125x80xi32, #tpu.memory_space<vmem>> -> memref<1x80xi32, #tpu.memory_space<vmem>>
        %dma_wait3A_91 = tpu.memref_squeeze %dma_wait3A_90 : memref<1x80xi32, #tpu.memory_space<vmem>> -> memref<80xi32, #tpu.memory_space<vmem>>
        %dma_wait3A_92 = arith.constant 0 : i32
        %dma_wait3A_93 = arith.constant 0 : i32
        %dma_wait3A_94 = tpu.memref_slice %arg10[%dma_wait3A_92, %dma_wait3A_93] : memref<10000x128xf32, #tpu.memory_space<vmem_shared>> -> memref<10000x128xf32, #tpu.memory_space<vmem_shared>>
        tpu.wait_indirect_dma semaphore(%run_scoped3A_82 : memref<!tpu.dma_semaphore, #tpu.memory_space<semaphore_mem>>) src(%arg8 : memref<80x128xf32, #tpu.memory_space<vmem>>) dst(%dma_wait3A_94 : memref<10000x128xf32, #tpu.memory_space<vmem_shared>>)
        tpu.yield
      }) : () -> ()
      %add3A_75 = arith.constant 2 : i32
      %add3A_76 = arith.addi %add3A_66, %add3A_75 : i32
      %lt3A_77 = arith.constant 125 : i32
      %lt3A_78 = arith.cmpi slt, %add3A_76, %lt3A_77 : i32
      %convert_element_type3A_79 = arith.extui %lt3A_78 : i1 to i32
      %cond3A_80 = arith.constant 0 : i32
      %cond3A_81 = arith.cmpi ne, %convert_element_type3A_79, %cond3A_80 : i32
      scf.if %cond3A_81 {
        %add3A_82 = arith.constant 2 : i32
        %add3A_83 = arith.addi %add3A_66, %add3A_82 : i32
        %mul3A_84 = arith.constant 80 : i32
        %mul3A_85 = arith.muli %add3A_83, %mul3A_84 : i32
        %add3A_86 = arith.addi %mul3A_7, %mul3A_85 : i32
        %dma_start3A_87 = arith.constant 0 : i32
        %dma_start3A_88 = tpu.memref_slice %arg2[%arg0, %add3A_86, %dma_start3A_87] : memref<2x160000x128xf32, #tpu.memory_space<hbm>> -> memref<1x80x128xf32, #tpu.memory_space<hbm>>
        %dma_start3A_89 = tpu.memref_squeeze %dma_start3A_88 : memref<1x80x128xf32, #tpu.memory_space<hbm>> -> memref<80x128xf32, #tpu.memory_space<hbm>>
        %dma_start3A_90 = arith.constant 0 : i32
        %dma_start3A_91 = tpu.memref_slice %arg2[%arg0, %add3A_86, %dma_start3A_90] : memref<2x160000x128xf32, #tpu.memory_space<hbm>> -> memref<1x80x128xf32, #tpu.memory_space<hbm>>
        %dma_start3A_92 = tpu.memref_squeeze %dma_start3A_91 : memref<1x80x128xf32, #tpu.memory_space<hbm>> -> memref<80x128xf32, #tpu.memory_space<hbm>>
        tpu.enqueue_dma source(%dma_start3A_92 : memref<80x128xf32, #tpu.memory_space<hbm>>) target(%arg8 : memref<80x128xf32, #tpu.memory_space<vmem>>) target_semaphore(%arg12 : memref<!tpu.dma_semaphore, #tpu.memory_space<semaphore_mem>>)
      } else {
      }
    }
    %scan3A_25 = arith.constant 62 : i32
    %dma_wait3A = arith.constant 0 : i32
    %dma_wait3A_26 = arith.constant 0 : i32
    %dma_wait3A_27 = tpu.memref_slice %arg2[%arg0, %dma_wait3A, %dma_wait3A_26] : memref<2x160000x128xf32, #tpu.memory_space<hbm>> -> memref<1x80x128xf32, #tpu.memory_space<hbm>>
    %dma_wait3A_28 = tpu.memref_squeeze %dma_wait3A_27 : memref<1x80x128xf32, #tpu.memory_space<hbm>> -> memref<80x128xf32, #tpu.memory_space<hbm>>
    %dma_wait3A_29 = arith.constant 0 : i32
    %dma_wait3A_30 = arith.constant 0 : i32
    %dma_wait3A_31 = tpu.memref_slice %arg2[%arg0, %dma_wait3A_29, %dma_wait3A_30] : memref<2x160000x128xf32, #tpu.memory_space<hbm>> -> memref<1x80x128xf32, #tpu.memory_space<hbm>>
    %dma_wait3A_32 = tpu.memref_squeeze %dma_wait3A_31 : memref<1x80x128xf32, #tpu.memory_space<hbm>> -> memref<80x128xf32, #tpu.memory_space<hbm>>
    tpu.wait_dma2 semaphore(%arg11 : memref<!tpu.dma_semaphore, #tpu.memory_space<semaphore_mem>>) src(%dma_wait3A_32 : memref<80x128xf32, #tpu.memory_space<hbm>>) dst(%arg7 : memref<80x128xf32, #tpu.memory_space<vmem>>)
    %run_scoped3A = arith.constant 124 : i32
    "tpu.region"() ({
      %run_scoped3A_45 = tpu.sem_alloc : memref<!tpu.dma_semaphore, #tpu.memory_space<semaphore_mem>>
      %dma_start3A_46 = arith.constant 0 : i32
      %dma_start3A_47 = tpu.memref_slice %arg6[%run_scoped3A, %dma_start3A_46] : memref<125x80xi32, #tpu.memory_space<vmem>> -> memref<1x80xi32, #tpu.memory_space<vmem>>
      %dma_start3A_48 = tpu.memref_squeeze %dma_start3A_47 : memref<1x80xi32, #tpu.memory_space<vmem>> -> memref<80xi32, #tpu.memory_space<vmem>>
      %dma_start3A_49 = arith.constant 0 : i32
      %dma_start3A_50 = arith.constant 0 : i32
      %dma_start3A_51 = tpu.memref_slice %arg10[%dma_start3A_49, %dma_start3A_50] : memref<10000x128xf32, #tpu.memory_space<vmem_shared>> -> memref<10000x128xf32, #tpu.memory_space<vmem_shared>>
      tpu.enqueue_indirect_dma source(%arg7 : memref<80x128xf32, #tpu.memory_space<vmem>>) target(%dma_start3A_51 : memref<10000x128xf32, #tpu.memory_space<vmem_shared>>) offsets(%dma_start3A_48 : memref<80xi32, #tpu.memory_space<vmem>>) semaphore(%run_scoped3A_45 : memref<!tpu.dma_semaphore, #tpu.memory_space<semaphore_mem>>) {add = true}
      %dma_wait3A_52 = arith.constant 0 : i32
      %dma_wait3A_53 = tpu.memref_slice %arg6[%run_scoped3A, %dma_wait3A_52] : memref<125x80xi32, #tpu.memory_space<vmem>> -> memref<1x80xi32, #tpu.memory_space<vmem>>
      %dma_wait3A_54 = tpu.memref_squeeze %dma_wait3A_53 : memref<1x80xi32, #tpu.memory_space<vmem>> -> memref<80xi32, #tpu.memory_space<vmem>>
      %dma_wait3A_55 = arith.constant 0 : i32
      %dma_wait3A_56 = arith.constant 0 : i32
      %dma_wait3A_57 = tpu.memref_slice %arg10[%dma_wait3A_55, %dma_wait3A_56] : memref<10000x128xf32, #tpu.memory_space<vmem_shared>> -> memref<10000x128xf32, #tpu.memory_space<vmem_shared>>
      tpu.wait_indirect_dma semaphore(%run_scoped3A_45 : memref<!tpu.dma_semaphore, #tpu.memory_space<semaphore_mem>>) src(%arg7 : memref<80x128xf32, #tpu.memory_space<vmem>>) dst(%dma_wait3A_57 : memref<10000x128xf32, #tpu.memory_space<vmem_shared>>)
      tpu.yield
    }) : () -> ()
    %barrier3A_33 = arith.constant 0 : index
    tpu.barrier barrier_id(%barrier3A_33)
    %scan3A_34 = arith.constant 0 : i32
    %scan3A_35 = arith.constant 0 : i32
    %scan3A_36 = arith.constant 15 : i32
    %scan3A_37 = arith.addi %scan3A_35, %scan3A_36 : i32
    %scan3A_38 = arith.constant 1 : i32
    scf.for %scan3A_45 = %scan3A_35 to %scan3A_37 step %scan3A_38  : i32 {
      %mul3A_46 = arith.constant 16 : i32
      %mul3A_47 = arith.muli %scan3A_45, %mul3A_46 : i32
      %add3A_48 = arith.addi %arg1, %mul3A_47 : i32
      %mul3A_49 = arith.constant 40 : i32
      %mul3A_50 = arith.muli %add3A_48, %mul3A_49 : i32
      "tpu.region"() ({
        %run_scoped3A_51 = tpu.sem_alloc : memref<!tpu.dma_semaphore, #tpu.memory_space<semaphore_mem>>
        %dma_start3A_52 = arith.constant 0 : i32
        %dma_start3A_53 = tpu.memref_slice %arg10[%mul3A_50, %dma_start3A_52] : memref<10000x128xf32, #tpu.memory_space<vmem_shared>> -> memref<40x128xf32, #tpu.memory_space<vmem_shared>>
        %dma_start3A_54 = arith.constant 0 : i32
        %dma_start3A_55 = tpu.memref_slice %arg10[%mul3A_50, %dma_start3A_54] : memref<10000x128xf32, #tpu.memory_space<vmem_shared>> -> memref<40x128xf32, #tpu.memory_space<vmem_shared>>
        tpu.enqueue_dma source(%dma_start3A_55 : memref<40x128xf32, #tpu.memory_space<vmem_shared>>) target(%arg9 : memref<40x128xf32, #tpu.memory_space<vmem>>) target_semaphore(%run_scoped3A_51 : memref<!tpu.dma_semaphore, #tpu.memory_space<semaphore_mem>>)
        %dma_wait3A_56 = arith.constant 0 : i32
        %dma_wait3A_57 = tpu.memref_slice %arg10[%mul3A_50, %dma_wait3A_56] : memref<10000x128xf32, #tpu.memory_space<vmem_shared>> -> memref<40x128xf32, #tpu.memory_space<vmem_shared>>
        %dma_wait3A_58 = arith.constant 0 : i32
        %dma_wait3A_59 = tpu.memref_slice %arg10[%mul3A_50, %dma_wait3A_58] : memref<10000x128xf32, #tpu.memory_space<vmem_shared>> -> memref<40x128xf32, #tpu.memory_space<vmem_shared>>
        tpu.wait_dma2 semaphore(%run_scoped3A_51 : memref<!tpu.dma_semaphore, #tpu.memory_space<semaphore_mem>>) src(%dma_wait3A_59 : memref<40x128xf32, #tpu.memory_space<vmem_shared>>) dst(%arg9 : memref<40x128xf32, #tpu.memory_space<vmem>>)
        tpu.yield
      }) : () -> ()
      "tpu.region"() ({
        %run_scoped3A_51 = tpu.sem_alloc : memref<!tpu.dma_semaphore, #tpu.memory_space<semaphore_mem>>
        %dma_start3A_52 = arith.constant 0 : i32
        %dma_start3A_53 = tpu.memref_slice %arg5[%arg0, %mul3A_50, %dma_start3A_52] : memref<2x10000x128xf32, #tpu.memory_space<hbm>> -> memref<1x40x128xf32, #tpu.memory_space<hbm>>
        %dma_start3A_54 = tpu.memref_squeeze %dma_start3A_53 : memref<1x40x128xf32, #tpu.memory_space<hbm>> -> memref<40x128xf32, #tpu.memory_space<hbm>>
        %dma_start3A_55 = arith.constant 0 : i32
        %dma_start3A_56 = tpu.memref_slice %arg5[%arg0, %mul3A_50, %dma_start3A_55] : memref<2x10000x128xf32, #tpu.memory_space<hbm>> -> memref<1x40x128xf32, #tpu.memory_space<hbm>>
        %dma_start3A_57 = tpu.memref_squeeze %dma_start3A_56 : memref<1x40x128xf32, #tpu.memory_space<hbm>> -> memref<40x128xf32, #tpu.memory_space<hbm>>
        tpu.enqueue_dma source(%arg9 : memref<40x128xf32, #tpu.memory_space<vmem>>) target(%dma_start3A_57 : memref<40x128xf32, #tpu.memory_space<hbm>>) target_semaphore(%run_scoped3A_51 : memref<!tpu.dma_semaphore, #tpu.memory_space<semaphore_mem>>)
        %dma_wait3A_58 = arith.constant 0 : i32
        %dma_wait3A_59 = tpu.memref_slice %arg5[%arg0, %mul3A_50, %dma_wait3A_58] : memref<2x10000x128xf32, #tpu.memory_space<hbm>> -> memref<1x40x128xf32, #tpu.memory_space<hbm>>
        %dma_wait3A_60 = tpu.memref_squeeze %dma_wait3A_59 : memref<1x40x128xf32, #tpu.memory_space<hbm>> -> memref<40x128xf32, #tpu.memory_space<hbm>>
        %dma_wait3A_61 = arith.constant 0 : i32
        %dma_wait3A_62 = tpu.memref_slice %arg5[%arg0, %mul3A_50, %dma_wait3A_61] : memref<2x10000x128xf32, #tpu.memory_space<hbm>> -> memref<1x40x128xf32, #tpu.memory_space<hbm>>
        %dma_wait3A_63 = tpu.memref_squeeze %dma_wait3A_62 : memref<1x40x128xf32, #tpu.memory_space<hbm>> -> memref<40x128xf32, #tpu.memory_space<hbm>>
        tpu.wait_dma2 semaphore(%run_scoped3A_51 : memref<!tpu.dma_semaphore, #tpu.memory_space<semaphore_mem>>) src(%arg9 : memref<40x128xf32, #tpu.memory_space<vmem>>) dst(%dma_wait3A_63 : memref<40x128xf32, #tpu.memory_space<hbm>>)
        tpu.yield
      }) : () -> ()
    }
    %scan3A_39 = arith.constant 15 : i32
    %lt3A_40 = arith.constant 10 : i32
    %lt3A_41 = arith.cmpi slt, %arg1, %lt3A_40 : i32
    %convert_element_type3A_42 = arith.extui %lt3A_41 : i1 to i32
    %cond3A_43 = arith.constant 0 : i32
    %cond3A_44 = arith.cmpi ne, %convert_element_type3A_42, %cond3A_43 : i32
    scf.if %cond3A_44 {
      %add3A_45 = arith.constant 240 : i32
      %add3A_46 = arith.addi %add3A_45, %arg1 : i32
      %mul3A_47 = arith.constant 40 : i32
      %mul3A_48 = arith.muli %add3A_46, %mul3A_47 : i32
      "tpu.region"() ({
        %run_scoped3A_49 = tpu.sem_alloc : memref<!tpu.dma_semaphore, #tpu.memory_space<semaphore_mem>>
        %dma_start3A_50 = arith.constant 0 : i32
        %dma_start3A_51 = tpu.memref_slice %arg10[%mul3A_48, %dma_start3A_50] : memref<10000x128xf32, #tpu.memory_space<vmem_shared>> -> memref<40x128xf32, #tpu.memory_space<vmem_shared>>
        %dma_start3A_52 = arith.constant 0 : i32
        %dma_start3A_53 = tpu.memref_slice %arg10[%mul3A_48, %dma_start3A_52] : memref<10000x128xf32, #tpu.memory_space<vmem_shared>> -> memref<40x128xf32, #tpu.memory_space<vmem_shared>>
        tpu.enqueue_dma source(%dma_start3A_53 : memref<40x128xf32, #tpu.memory_space<vmem_shared>>) target(%arg9 : memref<40x128xf32, #tpu.memory_space<vmem>>) target_semaphore(%run_scoped3A_49 : memref<!tpu.dma_semaphore, #tpu.memory_space<semaphore_mem>>)
        %dma_wait3A_54 = arith.constant 0 : i32
        %dma_wait3A_55 = tpu.memref_slice %arg10[%mul3A_48, %dma_wait3A_54] : memref<10000x128xf32, #tpu.memory_space<vmem_shared>> -> memref<40x128xf32, #tpu.memory_space<vmem_shared>>
        %dma_wait3A_56 = arith.constant 0 : i32
        %dma_wait3A_57 = tpu.memref_slice %arg10[%mul3A_48, %dma_wait3A_56] : memref<10000x128xf32, #tpu.memory_space<vmem_shared>> -> memref<40x128xf32, #tpu.memory_space<vmem_shared>>
        tpu.wait_dma2 semaphore(%run_scoped3A_49 : memref<!tpu.dma_semaphore, #tpu.memory_space<semaphore_mem>>) src(%dma_wait3A_57 : memref<40x128xf32, #tpu.memory_space<vmem_shared>>) dst(%arg9 : memref<40x128xf32, #tpu.memory_space<vmem>>)
        tpu.yield
      }) : () -> ()
      "tpu.region"() ({
        %run_scoped3A_49 = tpu.sem_alloc : memref<!tpu.dma_semaphore, #tpu.memory_space<semaphore_mem>>
        %dma_start3A_50 = arith.constant 0 : i32
        %dma_start3A_51 = tpu.memref_slice %arg5[%arg0, %mul3A_48, %dma_start3A_50] : memref<2x10000x128xf32, #tpu.memory_space<hbm>> -> memref<1x40x128xf32, #tpu.memory_space<hbm>>
        %dma_start3A_52 = tpu.memref_squeeze %dma_start3A_51 : memref<1x40x128xf32, #tpu.memory_space<hbm>> -> memref<40x128xf32, #tpu.memory_space<hbm>>
        %dma_start3A_53 = arith.constant 0 : i32
        %dma_start3A_54 = tpu.memref_slice %arg5[%arg0, %mul3A_48, %dma_start3A_53] : memref<2x10000x128xf32, #tpu.memory_space<hbm>> -> memref<1x40x128xf32, #tpu.memory_space<hbm>>
        %dma_start3A_55 = tpu.memref_squeeze %dma_start3A_54 : memref<1x40x128xf32, #tpu.memory_space<hbm>> -> memref<40x128xf32, #tpu.memory_space<hbm>>
        tpu.enqueue_dma source(%arg9 : memref<40x128xf32, #tpu.memory_space<vmem>>) target(%dma_start3A_55 : memref<40x128xf32, #tpu.memory_space<hbm>>) target_semaphore(%run_scoped3A_49 : memref<!tpu.dma_semaphore, #tpu.memory_space<semaphore_mem>>)
        %dma_wait3A_56 = arith.constant 0 : i32
        %dma_wait3A_57 = tpu.memref_slice %arg5[%arg0, %mul3A_48, %dma_wait3A_56] : memref<2x10000x128xf32, #tpu.memory_space<hbm>> -> memref<1x40x128xf32, #tpu.memory_space<hbm>>
        %dma_wait3A_58 = tpu.memref_squeeze %dma_wait3A_57 : memref<1x40x128xf32, #tpu.memory_space<hbm>> -> memref<40x128xf32, #tpu.memory_space<hbm>>
        %dma_wait3A_59 = arith.constant 0 : i32
        %dma_wait3A_60 = tpu.memref_slice %arg5[%arg0, %mul3A_48, %dma_wait3A_59] : memref<2x10000x128xf32, #tpu.memory_space<hbm>> -> memref<1x40x128xf32, #tpu.memory_space<hbm>>
        %dma_wait3A_61 = tpu.memref_squeeze %dma_wait3A_60 : memref<1x40x128xf32, #tpu.memory_space<hbm>> -> memref<40x128xf32, #tpu.memory_space<hbm>>
        tpu.wait_dma2 semaphore(%run_scoped3A_49 : memref<!tpu.dma_semaphore, #tpu.memory_space<semaphore_mem>>) src(%arg9 : memref<40x128xf32, #tpu.memory_space<vmem>>) dst(%dma_wait3A_61 : memref<40x128xf32, #tpu.memory_space<hbm>>)
        tpu.yield
      }) : () -> ()
    } else {
    }
    return
  }
}

#map = affine_map<(d0, d1) -> (0, 0)>
#map1 = affine_map<(d0, d1) -> (0)>
module attributes {stable_mosaic.version = 14 : i64} {
  func.func @_gather_body(%arg0: i32, %arg1: i32, %arg2: memref<10000x256xf32, #tpu.memory_space<hbm>>, %arg3: memref<10000x256xf32, #tpu.memory_space<hbm>>, %arg4: memref<160000xi32, #tpu.memory_space<hbm>>, %arg5: memref<160000xi32, #tpu.memory_space<hbm>>, %arg6: memref<160000x256xf32, #tpu.memory_space<hbm>>, %arg7: memref<160000x256xf32, #tpu.memory_space<hbm>>, %arg8: memref<5000xi32, #tpu.memory_space<vmem>>, %arg9: memref<5000xi32, #tpu.memory_space<vmem>>, %arg10: memref<128x256xf32, #tpu.memory_space<vmem>>, %arg11: memref<128x256xf32, #tpu.memory_space<vmem>>, %arg12: memref<!tpu.dma_semaphore, #tpu.memory_space<semaphore_mem>>, %arg13: memref<!tpu.dma_semaphore, #tpu.memory_space<semaphore_mem>>) attributes {dimension_semantics = [#tpu.dimension_semantics<core_parallel>, #tpu.dimension_semantics<subcore_parallel>], iteration_bounds = array<i64: 2, 16>, scalar_prefetch = 0 : i64, scratch_operands = 6 : i64, tpu.core_type = #tpu.core_type<sc_vector_subcore>, window_params = [{transform_indices = #map}, {transform_indices = #map}, {transform_indices = #map1}, {transform_indices = #map1}, {transform_indices = #map}, {transform_indices = #map}]} {
    %mul3A = arith.constant 2 : i32
    %mul3A_0 = arith.muli %arg1, %mul3A : i32
    %add3A = arith.addi %mul3A_0, %arg0 : i32
    %mul3A_1 = arith.constant 5000 : i32
    %mul3A_2 = arith.muli %add3A, %mul3A_1 : i32
    "tpu.region"() ({
      %run_scoped3A = tpu.sem_alloc : memref<!tpu.dma_semaphore, #tpu.memory_space<semaphore_mem>>
      %dma_start3A_52 = tpu.memref_slice %arg4[%mul3A_2] : memref<160000xi32, #tpu.memory_space<hbm>> -> memref<5000xi32, #tpu.memory_space<hbm>>
      %dma_start3A_53 = tpu.memref_slice %arg4[%mul3A_2] : memref<160000xi32, #tpu.memory_space<hbm>> -> memref<5000xi32, #tpu.memory_space<hbm>>
      tpu.enqueue_dma source(%dma_start3A_53 : memref<5000xi32, #tpu.memory_space<hbm>>) target(%arg8 : memref<5000xi32, #tpu.memory_space<vmem>>) target_semaphore(%run_scoped3A : memref<!tpu.dma_semaphore, #tpu.memory_space<semaphore_mem>>)
      %dma_wait3A_54 = tpu.memref_slice %arg4[%mul3A_2] : memref<160000xi32, #tpu.memory_space<hbm>> -> memref<5000xi32, #tpu.memory_space<hbm>>
      %dma_wait3A_55 = tpu.memref_slice %arg4[%mul3A_2] : memref<160000xi32, #tpu.memory_space<hbm>> -> memref<5000xi32, #tpu.memory_space<hbm>>
      tpu.wait_dma2 semaphore(%run_scoped3A : memref<!tpu.dma_semaphore, #tpu.memory_space<semaphore_mem>>) src(%dma_wait3A_55 : memref<5000xi32, #tpu.memory_space<hbm>>) dst(%arg8 : memref<5000xi32, #tpu.memory_space<vmem>>)
      tpu.yield
    }) : () -> ()
    "tpu.region"() ({
      %run_scoped3A = tpu.sem_alloc : memref<!tpu.dma_semaphore, #tpu.memory_space<semaphore_mem>>
      %dma_start3A_52 = tpu.memref_slice %arg5[%mul3A_2] : memref<160000xi32, #tpu.memory_space<hbm>> -> memref<5000xi32, #tpu.memory_space<hbm>>
      %dma_start3A_53 = tpu.memref_slice %arg5[%mul3A_2] : memref<160000xi32, #tpu.memory_space<hbm>> -> memref<5000xi32, #tpu.memory_space<hbm>>
      tpu.enqueue_dma source(%dma_start3A_53 : memref<5000xi32, #tpu.memory_space<hbm>>) target(%arg9 : memref<5000xi32, #tpu.memory_space<vmem>>) target_semaphore(%run_scoped3A : memref<!tpu.dma_semaphore, #tpu.memory_space<semaphore_mem>>)
      %dma_wait3A_54 = tpu.memref_slice %arg5[%mul3A_2] : memref<160000xi32, #tpu.memory_space<hbm>> -> memref<5000xi32, #tpu.memory_space<hbm>>
      %dma_wait3A_55 = tpu.memref_slice %arg5[%mul3A_2] : memref<160000xi32, #tpu.memory_space<hbm>> -> memref<5000xi32, #tpu.memory_space<hbm>>
      tpu.wait_dma2 semaphore(%run_scoped3A : memref<!tpu.dma_semaphore, #tpu.memory_space<semaphore_mem>>) src(%dma_wait3A_55 : memref<5000xi32, #tpu.memory_space<hbm>>) dst(%arg9 : memref<5000xi32, #tpu.memory_space<vmem>>)
      tpu.yield
    }) : () -> ()
    %dma_start3A = arith.constant 0 : i32
    %dma_start3A_3 = tpu.memref_slice %arg8[%dma_start3A] : memref<5000xi32, #tpu.memory_space<vmem>> -> memref<128xi32, #tpu.memory_space<vmem>>
    %dma_start3A_4 = arith.constant 0 : i32
    %dma_start3A_5 = arith.constant 0 : i32
    %dma_start3A_6 = tpu.memref_slice %arg2[%dma_start3A_4, %dma_start3A_5] : memref<10000x256xf32, #tpu.memory_space<hbm>> -> memref<10000x256xf32, #tpu.memory_space<hbm>>
    tpu.enqueue_indirect_dma source(%dma_start3A_6 : memref<10000x256xf32, #tpu.memory_space<hbm>>) target(%arg10 : memref<128x256xf32, #tpu.memory_space<vmem>>) offsets(%dma_start3A_3 : memref<128xi32, #tpu.memory_space<vmem>>) semaphore(%arg12 : memref<!tpu.dma_semaphore, #tpu.memory_space<semaphore_mem>>)
    %dma_start3A_7 = arith.constant 0 : i32
    %dma_start3A_8 = tpu.memref_slice %arg9[%dma_start3A_7] : memref<5000xi32, #tpu.memory_space<vmem>> -> memref<128xi32, #tpu.memory_space<vmem>>
    %dma_start3A_9 = arith.constant 0 : i32
    %dma_start3A_10 = arith.constant 0 : i32
    %dma_start3A_11 = tpu.memref_slice %arg3[%dma_start3A_9, %dma_start3A_10] : memref<10000x256xf32, #tpu.memory_space<hbm>> -> memref<10000x256xf32, #tpu.memory_space<hbm>>
    tpu.enqueue_indirect_dma source(%dma_start3A_11 : memref<10000x256xf32, #tpu.memory_space<hbm>>) target(%arg11 : memref<128x256xf32, #tpu.memory_space<vmem>>) offsets(%dma_start3A_8 : memref<128xi32, #tpu.memory_space<vmem>>) semaphore(%arg13 : memref<!tpu.dma_semaphore, #tpu.memory_space<semaphore_mem>>)
    %scan3A = arith.constant 0 : i32
    %scan3A_12 = arith.constant 0 : i32
    %scan3A_13 = arith.constant 39 : i32
    %scan3A_14 = arith.addi %scan3A_12, %scan3A_13 : i32
    %scan3A_15 = arith.constant 1 : i32
    scf.for %scan3A_52 = %scan3A_12 to %scan3A_14 step %scan3A_15  : i32 {
      %mul3A_53 = arith.constant 128 : i32
      %mul3A_54 = arith.muli %scan3A_52, %mul3A_53 : i32
      %dma_wait3A_55 = arith.constant 0 : i32
      %dma_wait3A_56 = arith.constant 0 : i32
      %dma_wait3A_57 = tpu.memref_slice %arg2[%dma_wait3A_55, %dma_wait3A_56] : memref<10000x256xf32, #tpu.memory_space<hbm>> -> memref<128x256xf32, #tpu.memory_space<hbm>>
      %dma_wait3A_58 = arith.constant 0 : i32
      %dma_wait3A_59 = arith.constant 0 : i32
      %dma_wait3A_60 = tpu.memref_slice %arg2[%dma_wait3A_58, %dma_wait3A_59] : memref<10000x256xf32, #tpu.memory_space<hbm>> -> memref<128x256xf32, #tpu.memory_space<hbm>>
      tpu.wait_dma2 semaphore(%arg12 : memref<!tpu.dma_semaphore, #tpu.memory_space<semaphore_mem>>) src(%dma_wait3A_60 : memref<128x256xf32, #tpu.memory_space<hbm>>) dst(%arg10 : memref<128x256xf32, #tpu.memory_space<vmem>>)
      %add3A_61 = arith.addi %mul3A_2, %mul3A_54 : i32
      "tpu.region"() ({
        %run_scoped3A = tpu.sem_alloc : memref<!tpu.dma_semaphore, #tpu.memory_space<semaphore_mem>>
        %dma_start3A_80 = arith.constant 0 : i32
        %dma_start3A_81 = tpu.memref_slice %arg6[%add3A_61, %dma_start3A_80] : memref<160000x256xf32, #tpu.memory_space<hbm>> -> memref<128x256xf32, #tpu.memory_space<hbm>>
        %dma_start3A_82 = arith.constant 0 : i32
        %dma_start3A_83 = tpu.memref_slice %arg6[%add3A_61, %dma_start3A_82] : memref<160000x256xf32, #tpu.memory_space<hbm>> -> memref<128x256xf32, #tpu.memory_space<hbm>>
        tpu.enqueue_dma source(%arg10 : memref<128x256xf32, #tpu.memory_space<vmem>>) target(%dma_start3A_83 : memref<128x256xf32, #tpu.memory_space<hbm>>) target_semaphore(%run_scoped3A : memref<!tpu.dma_semaphore, #tpu.memory_space<semaphore_mem>>)
        %dma_wait3A_84 = arith.constant 0 : i32
        %dma_wait3A_85 = tpu.memref_slice %arg6[%add3A_61, %dma_wait3A_84] : memref<160000x256xf32, #tpu.memory_space<hbm>> -> memref<128x256xf32, #tpu.memory_space<hbm>>
        %dma_wait3A_86 = arith.constant 0 : i32
        %dma_wait3A_87 = tpu.memref_slice %arg6[%add3A_61, %dma_wait3A_86] : memref<160000x256xf32, #tpu.memory_space<hbm>> -> memref<128x256xf32, #tpu.memory_space<hbm>>
        tpu.wait_dma2 semaphore(%run_scoped3A : memref<!tpu.dma_semaphore, #tpu.memory_space<semaphore_mem>>) src(%arg10 : memref<128x256xf32, #tpu.memory_space<vmem>>) dst(%dma_wait3A_87 : memref<128x256xf32, #tpu.memory_space<hbm>>)
        tpu.yield
      }) : () -> ()
      %add3A_62 = arith.constant 1 : i32
      %add3A_63 = arith.addi %scan3A_52, %add3A_62 : i32
      %lt3A = arith.constant 39 : i32
      %lt3A_64 = arith.cmpi slt, %add3A_63, %lt3A : i32
      %convert_element_type3A = arith.extui %lt3A_64 : i1 to i32
      %cond3A = arith.constant 0 : i32
      %cond3A_65 = arith.cmpi ne, %convert_element_type3A, %cond3A : i32
      scf.if %cond3A_65 {
        %add3A_80 = arith.constant 128 : i32
        %add3A_81 = arith.addi %mul3A_54, %add3A_80 : i32
        %dma_start3A_82 = tpu.memref_slice %arg8[%add3A_81] : memref<5000xi32, #tpu.memory_space<vmem>> -> memref<128xi32, #tpu.memory_space<vmem>>
        %dma_start3A_83 = arith.constant 0 : i32
        %dma_start3A_84 = arith.constant 0 : i32
        %dma_start3A_85 = tpu.memref_slice %arg2[%dma_start3A_83, %dma_start3A_84] : memref<10000x256xf32, #tpu.memory_space<hbm>> -> memref<10000x256xf32, #tpu.memory_space<hbm>>
        tpu.enqueue_indirect_dma source(%dma_start3A_85 : memref<10000x256xf32, #tpu.memory_space<hbm>>) target(%arg10 : memref<128x256xf32, #tpu.memory_space<vmem>>) offsets(%dma_start3A_82 : memref<128xi32, #tpu.memory_space<vmem>>) semaphore(%arg12 : memref<!tpu.dma_semaphore, #tpu.memory_space<semaphore_mem>>)
      } else {
      }
      %dma_wait3A_66 = arith.constant 0 : i32
      %dma_wait3A_67 = arith.constant 0 : i32
      %dma_wait3A_68 = tpu.memref_slice %arg3[%dma_wait3A_66, %dma_wait3A_67] : memref<10000x256xf32, #tpu.memory_space<hbm>> -> memref<128x256xf32, #tpu.memory_space<hbm>>
      %dma_wait3A_69 = arith.constant 0 : i32
      %dma_wait3A_70 = arith.constant 0 : i32
      %dma_wait3A_71 = tpu.memref_slice %arg3[%dma_wait3A_69, %dma_wait3A_70] : memref<10000x256xf32, #tpu.memory_space<hbm>> -> memref<128x256xf32, #tpu.memory_space<hbm>>
      tpu.wait_dma2 semaphore(%arg13 : memref<!tpu.dma_semaphore, #tpu.memory_space<semaphore_mem>>) src(%dma_wait3A_71 : memref<128x256xf32, #tpu.memory_space<hbm>>) dst(%arg11 : memref<128x256xf32, #tpu.memory_space<vmem>>)
      %add3A_72 = arith.addi %mul3A_2, %mul3A_54 : i32
      "tpu.region"() ({
        %run_scoped3A = tpu.sem_alloc : memref<!tpu.dma_semaphore, #tpu.memory_space<semaphore_mem>>
        %dma_start3A_80 = arith.constant 0 : i32
        %dma_start3A_81 = tpu.memref_slice %arg7[%add3A_72, %dma_start3A_80] : memref<160000x256xf32, #tpu.memory_space<hbm>> -> memref<128x256xf32, #tpu.memory_space<hbm>>
        %dma_start3A_82 = arith.constant 0 : i32
        %dma_start3A_83 = tpu.memref_slice %arg7[%add3A_72, %dma_start3A_82] : memref<160000x256xf32, #tpu.memory_space<hbm>> -> memref<128x256xf32, #tpu.memory_space<hbm>>
        tpu.enqueue_dma source(%arg11 : memref<128x256xf32, #tpu.memory_space<vmem>>) target(%dma_start3A_83 : memref<128x256xf32, #tpu.memory_space<hbm>>) target_semaphore(%run_scoped3A : memref<!tpu.dma_semaphore, #tpu.memory_space<semaphore_mem>>)
        %dma_wait3A_84 = arith.constant 0 : i32
        %dma_wait3A_85 = tpu.memref_slice %arg7[%add3A_72, %dma_wait3A_84] : memref<160000x256xf32, #tpu.memory_space<hbm>> -> memref<128x256xf32, #tpu.memory_space<hbm>>
        %dma_wait3A_86 = arith.constant 0 : i32
        %dma_wait3A_87 = tpu.memref_slice %arg7[%add3A_72, %dma_wait3A_86] : memref<160000x256xf32, #tpu.memory_space<hbm>> -> memref<128x256xf32, #tpu.memory_space<hbm>>
        tpu.wait_dma2 semaphore(%run_scoped3A : memref<!tpu.dma_semaphore, #tpu.memory_space<semaphore_mem>>) src(%arg11 : memref<128x256xf32, #tpu.memory_space<vmem>>) dst(%dma_wait3A_87 : memref<128x256xf32, #tpu.memory_space<hbm>>)
        tpu.yield
      }) : () -> ()
      %add3A_73 = arith.constant 1 : i32
      %add3A_74 = arith.addi %scan3A_52, %add3A_73 : i32
      %lt3A_75 = arith.constant 39 : i32
      %lt3A_76 = arith.cmpi slt, %add3A_74, %lt3A_75 : i32
      %convert_element_type3A_77 = arith.extui %lt3A_76 : i1 to i32
      %cond3A_78 = arith.constant 0 : i32
      %cond3A_79 = arith.cmpi ne, %convert_element_type3A_77, %cond3A_78 : i32
      scf.if %cond3A_79 {
        %add3A_80 = arith.constant 128 : i32
        %add3A_81 = arith.addi %mul3A_54, %add3A_80 : i32
        %dma_start3A_82 = tpu.memref_slice %arg9[%add3A_81] : memref<5000xi32, #tpu.memory_space<vmem>> -> memref<128xi32, #tpu.memory_space<vmem>>
        %dma_start3A_83 = arith.constant 0 : i32
        %dma_start3A_84 = arith.constant 0 : i32
        %dma_start3A_85 = tpu.memref_slice %arg3[%dma_start3A_83, %dma_start3A_84] : memref<10000x256xf32, #tpu.memory_space<hbm>> -> memref<10000x256xf32, #tpu.memory_space<hbm>>
        tpu.enqueue_indirect_dma source(%dma_start3A_85 : memref<10000x256xf32, #tpu.memory_space<hbm>>) target(%arg11 : memref<128x256xf32, #tpu.memory_space<vmem>>) offsets(%dma_start3A_82 : memref<128xi32, #tpu.memory_space<vmem>>) semaphore(%arg13 : memref<!tpu.dma_semaphore, #tpu.memory_space<semaphore_mem>>)
      } else {
      }
    }
    %scan3A_16 = arith.constant 39 : i32
    %dma_start3A_17 = arith.constant 0 : i32
    %dma_start3A_18 = arith.constant 0 : i32
    %dma_start3A_19 = tpu.memref_slice %arg10[%dma_start3A_17, %dma_start3A_18] : memref<128x256xf32, #tpu.memory_space<vmem>> -> memref<8x256xf32, #tpu.memory_space<vmem>>
    %dma_start3A_20 = arith.constant 4992 : i32
    %dma_start3A_21 = tpu.memref_slice %arg8[%dma_start3A_20] : memref<5000xi32, #tpu.memory_space<vmem>> -> memref<8xi32, #tpu.memory_space<vmem>>
    %dma_start3A_22 = arith.constant 0 : i32
    %dma_start3A_23 = arith.constant 0 : i32
    %dma_start3A_24 = tpu.memref_slice %arg2[%dma_start3A_22, %dma_start3A_23] : memref<10000x256xf32, #tpu.memory_space<hbm>> -> memref<10000x256xf32, #tpu.memory_space<hbm>>
    tpu.enqueue_indirect_dma source(%dma_start3A_24 : memref<10000x256xf32, #tpu.memory_space<hbm>>) target(%dma_start3A_19 : memref<8x256xf32, #tpu.memory_space<vmem>>) offsets(%dma_start3A_21 : memref<8xi32, #tpu.memory_space<vmem>>) semaphore(%arg12 : memref<!tpu.dma_semaphore, #tpu.memory_space<semaphore_mem>>)
    %dma_wait3A = arith.constant 0 : i32
    %dma_wait3A_25 = arith.constant 0 : i32
    %dma_wait3A_26 = tpu.memref_slice %arg10[%dma_wait3A, %dma_wait3A_25] : memref<128x256xf32, #tpu.memory_space<vmem>> -> memref<8x256xf32, #tpu.memory_space<vmem>>
    %dma_wait3A_27 = arith.constant 4992 : i32
    %dma_wait3A_28 = tpu.memref_slice %arg8[%dma_wait3A_27] : memref<5000xi32, #tpu.memory_space<vmem>> -> memref<8xi32, #tpu.memory_space<vmem>>
    %dma_wait3A_29 = arith.constant 0 : i32
    %dma_wait3A_30 = arith.constant 0 : i32
    %dma_wait3A_31 = tpu.memref_slice %arg2[%dma_wait3A_29, %dma_wait3A_30] : memref<10000x256xf32, #tpu.memory_space<hbm>> -> memref<10000x256xf32, #tpu.memory_space<hbm>>
    tpu.wait_indirect_dma semaphore(%arg12 : memref<!tpu.dma_semaphore, #tpu.memory_space<semaphore_mem>>) src(%dma_wait3A_31 : memref<10000x256xf32, #tpu.memory_space<hbm>>) dst(%dma_wait3A_26 : memref<8x256xf32, #tpu.memory_space<vmem>>)
    %add3A_32 = arith.constant 4992 : i32
    %add3A_33 = arith.addi %mul3A_2, %add3A_32 : i32
    "tpu.region"() ({
      %run_scoped3A = tpu.sem_alloc : memref<!tpu.dma_semaphore, #tpu.memory_space<semaphore_mem>>
      %dma_start3A_52 = arith.constant 0 : i32
      %dma_start3A_53 = arith.constant 0 : i32
      %dma_start3A_54 = tpu.memref_slice %arg10[%dma_start3A_52, %dma_start3A_53] : memref<128x256xf32, #tpu.memory_space<vmem>> -> memref<8x256xf32, #tpu.memory_space<vmem>>
      %dma_start3A_55 = arith.constant 0 : i32
      %dma_start3A_56 = tpu.memref_slice %arg6[%add3A_33, %dma_start3A_55] : memref<160000x256xf32, #tpu.memory_space<hbm>> -> memref<8x256xf32, #tpu.memory_space<hbm>>
      %dma_start3A_57 = arith.constant 0 : i32
      %dma_start3A_58 = tpu.memref_slice %arg6[%add3A_33, %dma_start3A_57] : memref<160000x256xf32, #tpu.memory_space<hbm>> -> memref<8x256xf32, #tpu.memory_space<hbm>>
      %dma_start3A_59 = arith.constant 0 : i32
      %dma_start3A_60 = arith.constant 0 : i32
      %dma_start3A_61 = tpu.memref_slice %arg10[%dma_start3A_59, %dma_start3A_60] : memref<128x256xf32, #tpu.memory_space<vmem>> -> memref<8x256xf32, #tpu.memory_space<vmem>>
      tpu.enqueue_dma source(%dma_start3A_61 : memref<8x256xf32, #tpu.memory_space<vmem>>) target(%dma_start3A_58 : memref<8x256xf32, #tpu.memory_space<hbm>>) target_semaphore(%run_scoped3A : memref<!tpu.dma_semaphore, #tpu.memory_space<semaphore_mem>>)
      %dma_wait3A_62 = arith.constant 0 : i32
      %dma_wait3A_63 = arith.constant 0 : i32
      %dma_wait3A_64 = tpu.memref_slice %arg10[%dma_wait3A_62, %dma_wait3A_63] : memref<128x256xf32, #tpu.memory_space<vmem>> -> memref<8x256xf32, #tpu.memory_space<vmem>>
      %dma_wait3A_65 = arith.constant 0 : i32
      %dma_wait3A_66 = tpu.memref_slice %arg6[%add3A_33, %dma_wait3A_65] : memref<160000x256xf32, #tpu.memory_space<hbm>> -> memref<8x256xf32, #tpu.memory_space<hbm>>
      %dma_wait3A_67 = arith.constant 0 : i32
      %dma_wait3A_68 = tpu.memref_slice %arg6[%add3A_33, %dma_wait3A_67] : memref<160000x256xf32, #tpu.memory_space<hbm>> -> memref<8x256xf32, #tpu.memory_space<hbm>>
      %dma_wait3A_69 = arith.constant 0 : i32
      %dma_wait3A_70 = arith.constant 0 : i32
      %dma_wait3A_71 = tpu.memref_slice %arg10[%dma_wait3A_69, %dma_wait3A_70] : memref<128x256xf32, #tpu.memory_space<vmem>> -> memref<8x256xf32, #tpu.memory_space<vmem>>
      tpu.wait_dma2 semaphore(%run_scoped3A : memref<!tpu.dma_semaphore, #tpu.memory_space<semaphore_mem>>) src(%dma_wait3A_71 : memref<8x256xf32, #tpu.memory_space<vmem>>) dst(%dma_wait3A_68 : memref<8x256xf32, #tpu.memory_space<hbm>>)
      tpu.yield
    }) : () -> ()
    %dma_start3A_34 = arith.constant 0 : i32
    %dma_start3A_35 = arith.constant 0 : i32
    %dma_start3A_36 = tpu.memref_slice %arg11[%dma_start3A_34, %dma_start3A_35] : memref<128x256xf32, #tpu.memory_space<vmem>> -> memref<8x256xf32, #tpu.memory_space<vmem>>
    %dma_start3A_37 = arith.constant 4992 : i32
    %dma_start3A_38 = tpu.memref_slice %arg9[%dma_start3A_37] : memref<5000xi32, #tpu.memory_space<vmem>> -> memref<8xi32, #tpu.memory_space<vmem>>
    %dma_start3A_39 = arith.constant 0 : i32
    %dma_start3A_40 = arith.constant 0 : i32
    %dma_start3A_41 = tpu.memref_slice %arg3[%dma_start3A_39, %dma_start3A_40] : memref<10000x256xf32, #tpu.memory_space<hbm>> -> memref<10000x256xf32, #tpu.memory_space<hbm>>
    tpu.enqueue_indirect_dma source(%dma_start3A_41 : memref<10000x256xf32, #tpu.memory_space<hbm>>) target(%dma_start3A_36 : memref<8x256xf32, #tpu.memory_space<vmem>>) offsets(%dma_start3A_38 : memref<8xi32, #tpu.memory_space<vmem>>) semaphore(%arg13 : memref<!tpu.dma_semaphore, #tpu.memory_space<semaphore_mem>>)
    %dma_wait3A_42 = arith.constant 0 : i32
    %dma_wait3A_43 = arith.constant 0 : i32
    %dma_wait3A_44 = tpu.memref_slice %arg11[%dma_wait3A_42, %dma_wait3A_43] : memref<128x256xf32, #tpu.memory_space<vmem>> -> memref<8x256xf32, #tpu.memory_space<vmem>>
    %dma_wait3A_45 = arith.constant 4992 : i32
    %dma_wait3A_46 = tpu.memref_slice %arg9[%dma_wait3A_45] : memref<5000xi32, #tpu.memory_space<vmem>> -> memref<8xi32, #tpu.memory_space<vmem>>
    %dma_wait3A_47 = arith.constant 0 : i32
    %dma_wait3A_48 = arith.constant 0 : i32
    %dma_wait3A_49 = tpu.memref_slice %arg3[%dma_wait3A_47, %dma_wait3A_48] : memref<10000x256xf32, #tpu.memory_space<hbm>> -> memref<10000x256xf32, #tpu.memory_space<hbm>>
    tpu.wait_indirect_dma semaphore(%arg13 : memref<!tpu.dma_semaphore, #tpu.memory_space<semaphore_mem>>) src(%dma_wait3A_49 : memref<10000x256xf32, #tpu.memory_space<hbm>>) dst(%dma_wait3A_44 : memref<8x256xf32, #tpu.memory_space<vmem>>)
    %add3A_50 = arith.constant 4992 : i32
    %add3A_51 = arith.addi %mul3A_2, %add3A_50 : i32
    "tpu.region"() ({
      %run_scoped3A = tpu.sem_alloc : memref<!tpu.dma_semaphore, #tpu.memory_space<semaphore_mem>>
      %dma_start3A_52 = arith.constant 0 : i32
      %dma_start3A_53 = arith.constant 0 : i32
      %dma_start3A_54 = tpu.memref_slice %arg11[%dma_start3A_52, %dma_start3A_53] : memref<128x256xf32, #tpu.memory_space<vmem>> -> memref<8x256xf32, #tpu.memory_space<vmem>>
      %dma_start3A_55 = arith.constant 0 : i32
      %dma_start3A_56 = tpu.memref_slice %arg7[%add3A_51, %dma_start3A_55] : memref<160000x256xf32, #tpu.memory_space<hbm>> -> memref<8x256xf32, #tpu.memory_space<hbm>>
      %dma_start3A_57 = arith.constant 0 : i32
      %dma_start3A_58 = tpu.memref_slice %arg7[%add3A_51, %dma_start3A_57] : memref<160000x256xf32, #tpu.memory_space<hbm>> -> memref<8x256xf32, #tpu.memory_space<hbm>>
      %dma_start3A_59 = arith.constant 0 : i32
      %dma_start3A_60 = arith.constant 0 : i32
      %dma_start3A_61 = tpu.memref_slice %arg11[%dma_start3A_59, %dma_start3A_60] : memref<128x256xf32, #tpu.memory_space<vmem>> -> memref<8x256xf32, #tpu.memory_space<vmem>>
      tpu.enqueue_dma source(%dma_start3A_61 : memref<8x256xf32, #tpu.memory_space<vmem>>) target(%dma_start3A_58 : memref<8x256xf32, #tpu.memory_space<hbm>>) target_semaphore(%run_scoped3A : memref<!tpu.dma_semaphore, #tpu.memory_space<semaphore_mem>>)
      %dma_wait3A_62 = arith.constant 0 : i32
      %dma_wait3A_63 = arith.constant 0 : i32
      %dma_wait3A_64 = tpu.memref_slice %arg11[%dma_wait3A_62, %dma_wait3A_63] : memref<128x256xf32, #tpu.memory_space<vmem>> -> memref<8x256xf32, #tpu.memory_space<vmem>>
      %dma_wait3A_65 = arith.constant 0 : i32
      %dma_wait3A_66 = tpu.memref_slice %arg7[%add3A_51, %dma_wait3A_65] : memref<160000x256xf32, #tpu.memory_space<hbm>> -> memref<8x256xf32, #tpu.memory_space<hbm>>
      %dma_wait3A_67 = arith.constant 0 : i32
      %dma_wait3A_68 = tpu.memref_slice %arg7[%add3A_51, %dma_wait3A_67] : memref<160000x256xf32, #tpu.memory_space<hbm>> -> memref<8x256xf32, #tpu.memory_space<hbm>>
      %dma_wait3A_69 = arith.constant 0 : i32
      %dma_wait3A_70 = arith.constant 0 : i32
      %dma_wait3A_71 = tpu.memref_slice %arg11[%dma_wait3A_69, %dma_wait3A_70] : memref<128x256xf32, #tpu.memory_space<vmem>> -> memref<8x256xf32, #tpu.memory_space<vmem>>
      tpu.wait_dma2 semaphore(%run_scoped3A : memref<!tpu.dma_semaphore, #tpu.memory_space<semaphore_mem>>) src(%dma_wait3A_71 : memref<8x256xf32, #tpu.memory_space<vmem>>) dst(%dma_wait3A_68 : memref<8x256xf32, #tpu.memory_space<hbm>>)
      tpu.yield
    }) : () -> ()
    return
  }
}

module attributes {stable_mosaic.version = 14 : i64} {
  func.func @_node_proj_body(%arg0: i32, %arg1: memref<1000x256xf32, #tpu.memory_space<vmem>>, %arg2: memref<256x512xf32, #tpu.memory_space<vmem>>, %arg3: memref<1000x256xf32, #tpu.memory_space<vmem>>, %arg4: memref<1000x256xf32, #tpu.memory_space<vmem>>) attributes {dimension_semantics = [#tpu.dimension_semantics<arbitrary>], iteration_bounds = array<i64: 10>, scalar_prefetch = 0 : i64, scratch_operands = 0 : i64, tpu.core_type = #tpu.core_type<tc>, window_params = [{transform_indices = @transform_0, window_bounds = array<i64: 1000, 256>}, {pipeline_mode = #tpu.pipeline_mode<synchronous>, transform_indices = @transform_1, window_bounds = array<i64: 256, 512>}, {transform_indices = @transform_2, window_bounds = array<i64: 1000, 256>}, {transform_indices = @transform_3, window_bounds = array<i64: 1000, 256>}]} {
    %get3A = arith.constant 0 : index
    %get3A_0 = arith.constant 0 : index
    %get3A_1 = vector.load %arg1[%get3A, %get3A_0] : memref<1000x256xf32, #tpu.memory_space<vmem>>, vector<1000x256xf32>
    %get3A_2 = arith.constant 0 : index
    %get3A_3 = arith.constant 0 : index
    %get3A_4 = vector.load %arg2[%get3A_2, %get3A_3] : memref<256x512xf32, #tpu.memory_space<vmem>>, vector<256x512xf32>
    %dot_general3A = arith.constant dense<0.000000e+00> : vector<1000x512xf32>
    %dot_general3A_5 = tpu.matmul %get3A_1, %get3A_4, %dot_general3A {dimension_numbers = #tpu.dot_dimension_numbers<[1], [0], [0], [1], [0, 0, 1, 1], [], []>, transpose_lhs_hint = false} : vector<1000x256xf32>, vector<256x512xf32>, vector<1000x512xf32> -> vector<1000x512xf32>
    %slice3A = vector.extract_strided_slice %dot_general3A_5 {offsets = [0, 0], sizes = [1000, 256], strides = [1, 1]} : vector<1000x512xf32> to vector<1000x256xf32>
    %swap3A = arith.constant 0 : index
    %swap3A_6 = arith.constant 0 : index
    %swap3A_7 = vector.load %arg3[%swap3A, %swap3A_6] : memref<1000x256xf32, #tpu.memory_space<vmem>>, vector<1000x256xf32>
    tpu.vector_store %arg3[%swap3A, %swap3A_6], %slice3A {strides = array<i32>} : memref<1000x256xf32, #tpu.memory_space<vmem>>, vector<1000x256xf32>,
    %slice3A_8 = vector.extract_strided_slice %dot_general3A_5 {offsets = [0, 256], sizes = [1000, 256], strides = [1, 1]} : vector<1000x512xf32> to vector<1000x256xf32>
    %swap3A_9 = arith.constant 0 : index
    %swap3A_10 = arith.constant 0 : index
    %swap3A_11 = vector.load %arg4[%swap3A_9, %swap3A_10] : memref<1000x256xf32, #tpu.memory_space<vmem>>, vector<1000x256xf32>
    tpu.vector_store %arg4[%swap3A_9, %swap3A_10], %slice3A_8 {strides = array<i32>} : memref<1000x256xf32, #tpu.memory_space<vmem>>, vector<1000x256xf32>,
    return
  }
  func.func @transform_0(%arg0: i32) -> (i32, i32) {
    %c0_i32 = arith.constant 0 : i32
    %c0_i32_0 = arith.constant 0 : i32
    return %arg0, %c0_i32 : i32, i32
  }
  func.func @transform_1(%arg0: i32) -> (i32, i32) {
    %c0_i32 = arith.constant 0 : i32
    %c0_i32_0 = arith.constant 0 : i32
    %c0_i32_1 = arith.constant 0 : i32
    return %c0_i32, %c0_i32_0 : i32, i32
  }
  func.func @transform_2(%arg0: i32) -> (i32, i32) {
    %c0_i32 = arith.constant 0 : i32
    %c0_i32_0 = arith.constant 0 : i32
    return %arg0, %c0_i32 : i32, i32
  }
  func.func @transform_3(%arg0: i32) -> (i32, i32) {
    %c0_i32 = arith.constant 0 : i32
    %c0_i32_0 = arith.constant 0 : i32
    return %arg0, %c0_i32 : i32, i32
  }
}

module attributes {stable_mosaic.version = 14 : i64} {
  func.func @_edge_mlp_body(%arg0: i32, %arg1: memref<2000x256xf32, #tpu.memory_space<vmem>>, %arg2: memref<2000x256xf32, #tpu.memory_space<vmem>>, %arg3: memref<2000x256xf32, #tpu.memory_space<vmem>>, %arg4: memref<256x256xf32, #tpu.memory_space<vmem>>, %arg5: memref<256xf32, #tpu.memory_space<vmem>>, %arg6: memref<256x256xf32, #tpu.memory_space<vmem>>, %arg7: memref<256xf32, #tpu.memory_space<vmem>>, %arg8: memref<256x256xf32, #tpu.memory_space<vmem>>, %arg9: memref<256xf32, #tpu.memory_space<vmem>>, %arg10: memref<2x2000x128xf32, #tpu.memory_space<vmem>>) attributes {dimension_semantics = [#tpu.dimension_semantics<arbitrary>], iteration_bounds = array<i64: 80>, scalar_prefetch = 0 : i64, scratch_operands = 0 : i64, tpu.core_type = #tpu.core_type<tc>, window_params = [{transform_indices = @transform_0, window_bounds = array<i64: 2000, 256>}, {transform_indices = @transform_1, window_bounds = array<i64: 2000, 256>}, {transform_indices = @transform_2, window_bounds = array<i64: 2000, 256>}, {pipeline_mode = #tpu.pipeline_mode<synchronous>, transform_indices = @transform_3, window_bounds = array<i64: 256, 256>}, {pipeline_mode = #tpu.pipeline_mode<synchronous>, transform_indices = @transform_4, window_bounds = array<i64: 256>}, {pipeline_mode = #tpu.pipeline_mode<synchronous>, transform_indices = @transform_5, window_bounds = array<i64: 256, 256>}, {pipeline_mode = #tpu.pipeline_mode<synchronous>, transform_indices = @transform_6, window_bounds = array<i64: 256>}, {pipeline_mode = #tpu.pipeline_mode<synchronous>, transform_indices = @transform_7, window_bounds = array<i64: 256, 256>}, {pipeline_mode = #tpu.pipeline_mode<synchronous>, transform_indices = @transform_8, window_bounds = array<i64: 256>}, {transform_indices = @transform_9, window_bounds = array<i64: 2, 2000, 128>}]} {
    %get3A = arith.constant 0 : index
    %get3A_0 = arith.constant 0 : index
    %get3A_1 = vector.load %arg2[%get3A, %get3A_0] : memref<2000x256xf32, #tpu.memory_space<vmem>>, vector<2000x256xf32>
    %get3A_2 = arith.constant 0 : index
    %get3A_3 = arith.constant 0 : index
    %get3A_4 = vector.load %arg3[%get3A_2, %get3A_3] : memref<2000x256xf32, #tpu.memory_space<vmem>>, vector<2000x256xf32>
    %add3A = arith.addf %get3A_1, %get3A_4 : vector<2000x256xf32>
    %get3A_5 = arith.constant 0 : index
    %get3A_6 = vector.load %arg5[%get3A_5] : memref<256xf32, #tpu.memory_space<vmem>>, vector<256xf32>
    %broadcast_in_dim3A = vector.shape_cast %get3A_6 : vector<256xf32> to vector<1x256xf32>
    %add3A_7 = vector.broadcast %broadcast_in_dim3A : vector<1x256xf32> to vector<2000x256xf32>
    %add3A_8 = arith.addf %add3A, %add3A_7 : vector<2000x256xf32>
    %get3A_9 = arith.constant 0 : index
    %get3A_10 = arith.constant 0 : index
    %get3A_11 = vector.load %arg1[%get3A_9, %get3A_10] : memref<2000x256xf32, #tpu.memory_space<vmem>>, vector<2000x256xf32>
    %get3A_12 = arith.constant 0 : index
    %get3A_13 = arith.constant 0 : index
    %get3A_14 = vector.load %arg4[%get3A_12, %get3A_13] : memref<256x256xf32, #tpu.memory_space<vmem>>, vector<256x256xf32>
    %dot_general3A = arith.constant dense<0.000000e+00> : vector<2000x256xf32>
    %dot_general3A_15 = tpu.matmul %get3A_11, %get3A_14, %dot_general3A {dimension_numbers = #tpu.dot_dimension_numbers<[1], [0], [0], [1], [0, 0, 1, 1], [], []>, transpose_lhs_hint = false} : vector<2000x256xf32>, vector<256x256xf32>, vector<2000x256xf32> -> vector<2000x256xf32>
    %add3A_16 = arith.addf %add3A_8, %dot_general3A_15 : vector<2000x256xf32>
    %mul3A = arith.constant 5.000000e-01 : f32
    %mul3A_17 = vector.broadcast %mul3A : f32 to vector<2000x256xf32>
    %mul3A_18 = arith.mulf %mul3A_17, %add3A_16 : vector<2000x256xf32>
    %mul3A_19 = arith.constant 0.707106769 : f32
    %mul3A_20 = vector.broadcast %mul3A_19 : f32 to vector<2000x256xf32>
    %mul3A_21 = arith.mulf %add3A_16, %mul3A_20 : vector<2000x256xf32>
    %erf3A = math.erf %mul3A_21 : vector<2000x256xf32>
    %add3A_22 = arith.constant 1.000000e+00 : f32
    %add3A_23 = vector.broadcast %add3A_22 : f32 to vector<2000x256xf32>
    %add3A_24 = arith.addf %add3A_23, %erf3A : vector<2000x256xf32>
    %mul3A_25 = arith.mulf %mul3A_18, %add3A_24 : vector<2000x256xf32>
    %get3A_26 = arith.constant 0 : index
    %get3A_27 = arith.constant 0 : index
    %get3A_28 = vector.load %arg6[%get3A_26, %get3A_27] : memref<256x256xf32, #tpu.memory_space<vmem>>, vector<256x256xf32>
    %dot_general3A_29 = arith.constant dense<0.000000e+00> : vector<2000x256xf32>
    %dot_general3A_30 = tpu.matmul %mul3A_25, %get3A_28, %dot_general3A_29 {dimension_numbers = #tpu.dot_dimension_numbers<[1], [0], [0], [1], [0, 0, 1, 1], [], []>, transpose_lhs_hint = false} : vector<2000x256xf32>, vector<256x256xf32>, vector<2000x256xf32> -> vector<2000x256xf32>
    %get3A_31 = arith.constant 0 : index
    %get3A_32 = vector.load %arg7[%get3A_31] : memref<256xf32, #tpu.memory_space<vmem>>, vector<256xf32>
    %broadcast_in_dim3A_33 = vector.shape_cast %get3A_32 : vector<256xf32> to vector<1x256xf32>
    %add3A_34 = vector.broadcast %broadcast_in_dim3A_33 : vector<1x256xf32> to vector<2000x256xf32>
    %add3A_35 = arith.addf %dot_general3A_30, %add3A_34 : vector<2000x256xf32>
    %mul3A_36 = arith.constant 5.000000e-01 : f32
    %mul3A_37 = vector.broadcast %mul3A_36 : f32 to vector<2000x256xf32>
    %mul3A_38 = arith.mulf %mul3A_37, %add3A_35 : vector<2000x256xf32>
    %mul3A_39 = arith.constant 0.707106769 : f32
    %mul3A_40 = vector.broadcast %mul3A_39 : f32 to vector<2000x256xf32>
    %mul3A_41 = arith.mulf %add3A_35, %mul3A_40 : vector<2000x256xf32>
    %erf3A_42 = math.erf %mul3A_41 : vector<2000x256xf32>
    %add3A_43 = arith.constant 1.000000e+00 : f32
    %add3A_44 = vector.broadcast %add3A_43 : f32 to vector<2000x256xf32>
    %add3A_45 = arith.addf %add3A_44, %erf3A_42 : vector<2000x256xf32>
    %mul3A_46 = arith.mulf %mul3A_38, %add3A_45 : vector<2000x256xf32>
    %get3A_47 = arith.constant 0 : index
    %get3A_48 = arith.constant 0 : index
    %get3A_49 = vector.load %arg8[%get3A_47, %get3A_48] : memref<256x256xf32, #tpu.memory_space<vmem>>, vector<256x256xf32>
    %dot_general3A_50 = arith.constant dense<0.000000e+00> : vector<2000x256xf32>
    %dot_general3A_51 = tpu.matmul %mul3A_46, %get3A_49, %dot_general3A_50 {dimension_numbers = #tpu.dot_dimension_numbers<[1], [0], [0], [1], [0, 0, 1, 1], [], []>, transpose_lhs_hint = false} : vector<2000x256xf32>, vector<256x256xf32>, vector<2000x256xf32> -> vector<2000x256xf32>
    %get3A_52 = arith.constant 0 : index
    %get3A_53 = vector.load %arg9[%get3A_52] : memref<256xf32, #tpu.memory_space<vmem>>, vector<256xf32>
    %broadcast_in_dim3A_54 = vector.shape_cast %get3A_53 : vector<256xf32> to vector<1x256xf32>
    %add3A_55 = vector.broadcast %broadcast_in_dim3A_54 : vector<1x256xf32> to vector<2000x256xf32>
    %add3A_56 = arith.addf %dot_general3A_51, %add3A_55 : vector<2000x256xf32>
    %slice3A = vector.extract_strided_slice %add3A_56 {offsets = [0, 0], sizes = [2000, 128], strides = [1, 1]} : vector<2000x256xf32> to vector<2000x128xf32>
    %swap3A = arith.constant 0 : index
    %swap3A_57 = arith.constant 0 : index
    %swap3A_58 = arith.constant 0 : index
    %swap3A_59 = vector.load %arg10[%swap3A, %swap3A_57, %swap3A_58] : memref<2x2000x128xf32, #tpu.memory_space<vmem>>, vector<1x2000x128xf32>
    %swap3A_60 = vector.shape_cast %swap3A_59 : vector<1x2000x128xf32> to vector<2000x128xf32>
    %swap3A_61 = vector.shape_cast %slice3A : vector<2000x128xf32> to vector<1x2000x128xf32>
    tpu.vector_store %arg10[%swap3A, %swap3A_57, %swap3A_58], %swap3A_61 {strides = array<i32>} : memref<2x2000x128xf32, #tpu.memory_space<vmem>>, vector<1x2000x128xf32>,
    %slice3A_62 = vector.extract_strided_slice %add3A_56 {offsets = [0, 128], sizes = [2000, 128], strides = [1, 1]} : vector<2000x256xf32> to vector<2000x128xf32>
    %swap3A_63 = arith.constant 1 : index
    %swap3A_64 = arith.constant 0 : index
    %swap3A_65 = arith.constant 0 : index
    %swap3A_66 = vector.load %arg10[%swap3A_63, %swap3A_64, %swap3A_65] : memref<2x2000x128xf32, #tpu.memory_space<vmem>>, vector<1x2000x128xf32>
    %swap3A_67 = vector.shape_cast %swap3A_66 : vector<1x2000x128xf32> to vector<2000x128xf32>
    %swap3A_68 = vector.shape_cast %slice3A_62 : vector<2000x128xf32> to vector<1x2000x128xf32>
    tpu.vector_store %arg10[%swap3A_63, %swap3A_64, %swap3A_65], %swap3A_68 {strides = array<i32>} : memref<2x2000x128xf32, #tpu.memory_space<vmem>>, vector<1x2000x128xf32>,
    return
  }
  func.func @transform_0(%arg0: i32) -> (i32, i32) {
    %c0_i32 = arith.constant 0 : i32
    %c0_i32_0 = arith.constant 0 : i32
    return %arg0, %c0_i32 : i32, i32
  }
  func.func @transform_1(%arg0: i32) -> (i32, i32) {
    %c0_i32 = arith.constant 0 : i32
    %c0_i32_0 = arith.constant 0 : i32
    return %arg0, %c0_i32 : i32, i32
  }
  func.func @transform_2(%arg0: i32) -> (i32, i32) {
    %c0_i32 = arith.constant 0 : i32
    %c0_i32_0 = arith.constant 0 : i32
    return %arg0, %c0_i32 : i32, i32
  }
  func.func @transform_3(%arg0: i32) -> (i32, i32) {
    %c0_i32 = arith.constant 0 : i32
    %c0_i32_0 = arith.constant 0 : i32
    %c0_i32_1 = arith.constant 0 : i32
    return %c0_i32, %c0_i32_0 : i32, i32
  }
  func.func @transform_4(%arg0: i32) -> i32 {
    %c0_i32 = arith.constant 0 : i32
    %c0_i32_0 = arith.constant 0 : i32
    return %c0_i32 : i32
  }
  func.func @transform_5(%arg0: i32) -> (i32, i32) {
    %c0_i32 = arith.constant 0 : i32
    %c0_i32_0 = arith.constant 0 : i32
    %c0_i32_1 = arith.constant 0 : i32
    return %c0_i32, %c0_i32_0 : i32, i32
  }
  func.func @transform_6(%arg0: i32) -> i32 {
    %c0_i32 = arith.constant 0 : i32
    %c0_i32_0 = arith.constant 0 : i32
    return %c0_i32 : i32
  }
  func.func @transform_7(%arg0: i32) -> (i32, i32) {
    %c0_i32 = arith.constant 0 : i32
    %c0_i32_0 = arith.constant 0 : i32
    %c0_i32_1 = arith.constant 0 : i32
    return %c0_i32, %c0_i32_0 : i32, i32
  }
  func.func @transform_8(%arg0: i32) -> i32 {
    %c0_i32 = arith.constant 0 : i32
    %c0_i32_0 = arith.constant 0 : i32
    return %c0_i32 : i32
  }
  func.func @transform_9(%arg0: i32) -> (i32, i32, i32) {
    %c0_i32 = arith.constant 0 : i32
    %c0_i32_0 = arith.constant 0 : i32
    %c0_i32_1 = arith.constant 0 : i32
    return %c0_i32, %arg0, %c0_i32_0 : i32, i32, i32
  }
}

module attributes {stable_mosaic.version = 14 : i64} {
  func.func @_node_update_body(%arg0: i32, %arg1: memref<2000x256xf32, #tpu.memory_space<vmem>>, %arg2: memref<2000x128xf32, #tpu.memory_space<vmem>>, %arg3: memref<2000x128xf32, #tpu.memory_space<vmem>>, %arg4: memref<2x2000x128xf32, #tpu.memory_space<vmem>>, %arg5: memref<256x1024xf32, #tpu.memory_space<vmem>>, %arg6: memref<1024xf32, #tpu.memory_space<vmem>>, %arg7: memref<1024x256xf32, #tpu.memory_space<vmem>>, %arg8: memref<256xf32, #tpu.memory_space<vmem>>, %arg9: memref<256xf32, #tpu.memory_space<vmem>>, %arg10: memref<256xf32, #tpu.memory_space<vmem>>, %arg11: memref<256xf32, #tpu.memory_space<vmem>>, %arg12: memref<256xf32, #tpu.memory_space<vmem>>, %arg13: memref<2000x256xf32, #tpu.memory_space<vmem>>) attributes {dimension_semantics = [#tpu.dimension_semantics<arbitrary>], iteration_bounds = array<i64: 5>, scalar_prefetch = 0 : i64, scratch_operands = 0 : i64, tpu.core_type = #tpu.core_type<tc>, window_params = [{transform_indices = @transform_0, window_bounds = array<i64: 2000, 256>}, {transform_indices = @transform_1, window_bounds = array<i64: 2000, 128>}, {transform_indices = @transform_2, window_bounds = array<i64: 2000, 128>}, {transform_indices = @transform_3, window_bounds = array<i64: 2, 2000, 128>}, {pipeline_mode = #tpu.pipeline_mode<synchronous>, transform_indices = @transform_4, window_bounds = array<i64: 256, 1024>}, {pipeline_mode = #tpu.pipeline_mode<synchronous>, transform_indices = @transform_5, window_bounds = array<i64: 1024>}, {pipeline_mode = #tpu.pipeline_mode<synchronous>, transform_indices = @transform_6, window_bounds = array<i64: 1024, 256>}, {pipeline_mode = #tpu.pipeline_mode<synchronous>, transform_indices = @transform_7, window_bounds = array<i64: 256>}, {pipeline_mode = #tpu.pipeline_mode<synchronous>, transform_indices = @transform_8, window_bounds = array<i64: 256>}, {pipeline_mode = #tpu.pipeline_mode<synchronous>, transform_indices = @transform_9, window_bounds = array<i64: 256>}, {pipeline_mode = #tpu.pipeline_mode<synchronous>, transform_indices = @transform_10, window_bounds = array<i64: 256>}, {pipeline_mode = #tpu.pipeline_mode<synchronous>, transform_indices = @transform_11, window_bounds = array<i64: 256>}, {transform_indices = @transform_12, window_bounds = array<i64: 2000, 256>}]} {
    %get3A = arith.constant 0 : index
    %get3A_0 = arith.constant 0 : index
    %get3A_1 = vector.load %arg2[%get3A, %get3A_0] : memref<2000x128xf32, #tpu.memory_space<vmem>>, vector<2000x128xf32>
    %get3A_2 = arith.constant 0 : index
    %get3A_3 = arith.constant 0 : index
    %get3A_4 = vector.load %arg3[%get3A_2, %get3A_3] : memref<2000x128xf32, #tpu.memory_space<vmem>>, vector<2000x128xf32>
    %concatenate3A = tpu.concatenate %get3A_1, %get3A_4 in 1 : vector<2000x128xf32>, vector<2000x128xf32> -> vector<2000x256xf32>
    %get3A_5 = arith.constant 0 : index
    %get3A_6 = arith.constant 0 : index
    %get3A_7 = arith.constant 0 : index
    %get3A_8 = vector.load %arg4[%get3A_5, %get3A_6, %get3A_7] : memref<2x2000x128xf32, #tpu.memory_space<vmem>>, vector<1x2000x128xf32>
    %get3A_9 = vector.shape_cast %get3A_8 : vector<1x2000x128xf32> to vector<2000x128xf32>
    %get3A_10 = arith.constant 1 : index
    %get3A_11 = arith.constant 0 : index
    %get3A_12 = arith.constant 0 : index
    %get3A_13 = vector.load %arg4[%get3A_10, %get3A_11, %get3A_12] : memref<2x2000x128xf32, #tpu.memory_space<vmem>>, vector<1x2000x128xf32>
    %get3A_14 = vector.shape_cast %get3A_13 : vector<1x2000x128xf32> to vector<2000x128xf32>
    %add3A = arith.addf %get3A_9, %get3A_14 : vector<2000x128xf32>
    %slice3A = vector.extract_strided_slice %add3A {offsets = [0, 0], sizes = [2000, 1], strides = [1, 1]} : vector<2000x128xf32> to vector<2000x1xf32>
    %max3A = arith.constant 1.000000e+00 : f32
    %max3A_15 = vector.broadcast %max3A : f32 to vector<2000x1xf32>
    %max3A_16 = arith.maximumf %slice3A, %max3A_15 : vector<2000x1xf32>
    %div3A = vector.broadcast %max3A_16 : vector<2000x1xf32> to vector<2000x256xf32>
    %div3A_17 = arith.divf %concatenate3A, %div3A : vector<2000x256xf32>
    %get3A_18 = arith.constant 0 : index
    %get3A_19 = arith.constant 0 : index
    %get3A_20 = vector.load %arg1[%get3A_18, %get3A_19] : memref<2000x256xf32, #tpu.memory_space<vmem>>, vector<2000x256xf32>
    %mul3A = arith.constant 0.0333333351 : f32
    %mul3A_21 = vector.broadcast %mul3A : f32 to vector<2000x256xf32>
    %mul3A_22 = arith.mulf %div3A_17, %mul3A_21 : vector<2000x256xf32>
    %add3A_23 = arith.addf %get3A_20, %mul3A_22 : vector<2000x256xf32>
    %get3A_24 = arith.constant 0 : index
    %get3A_25 = vector.load %arg9[%get3A_24] : memref<256xf32, #tpu.memory_space<vmem>>, vector<256xf32>
    %get3A_26 = arith.constant 0 : index
    %get3A_27 = vector.load %arg10[%get3A_26] : memref<256xf32, #tpu.memory_space<vmem>>, vector<256xf32>
    %reduce_sum3A = arith.constant dense<0.000000e+00> : vector<2000xf32>
    %reduce_sum3A_28 = vector.multi_reduction <add>, %add3A_23, %reduce_sum3A [1] : vector<2000x256xf32> to vector<2000xf32>
    %broadcast_in_dim3A = vector.shape_cast %reduce_sum3A_28 : vector<2000xf32> to vector<2000x1xf32>
    %div3A_29 = arith.constant 2.560000e+02 : f32
    %div3A_30 = vector.broadcast %div3A_29 : f32 to vector<2000x1xf32>
    %div3A_31 = arith.divf %broadcast_in_dim3A, %div3A_30 : vector<2000x1xf32>
    %sub3A = vector.broadcast %div3A_31 : vector<2000x1xf32> to vector<2000x256xf32>
    %sub3A_32 = arith.subf %add3A_23, %sub3A : vector<2000x256xf32>
    %integer_pow3A = arith.mulf %sub3A_32, %sub3A_32 : vector<2000x256xf32>
    %reduce_sum3A_33 = arith.constant dense<0.000000e+00> : vector<2000xf32>
    %reduce_sum3A_34 = vector.multi_reduction <add>, %integer_pow3A, %reduce_sum3A_33 [1] : vector<2000x256xf32> to vector<2000xf32>
    %broadcast_in_dim3A_35 = vector.shape_cast %reduce_sum3A_34 : vector<2000xf32> to vector<2000x1xf32>
    %div3A_36 = arith.constant 2.560000e+02 : f32
    %div3A_37 = vector.broadcast %div3A_36 : f32 to vector<2000x1xf32>
    %div3A_38 = arith.divf %broadcast_in_dim3A_35, %div3A_37 : vector<2000x1xf32>
    %sub3A_39 = vector.broadcast %div3A_31 : vector<2000x1xf32> to vector<2000x256xf32>
    %sub3A_40 = arith.subf %add3A_23, %sub3A_39 : vector<2000x256xf32>
    %add3A_41 = arith.constant 9.99999974E-6 : f32
    %add3A_42 = vector.broadcast %add3A_41 : f32 to vector<2000x1xf32>
    %add3A_43 = arith.addf %div3A_38, %add3A_42 : vector<2000x1xf32>
    %rsqrt3A = math.rsqrt %add3A_43 : vector<2000x1xf32>
    %mul3A_44 = vector.broadcast %rsqrt3A : vector<2000x1xf32> to vector<2000x256xf32>
    %mul3A_45 = arith.mulf %sub3A_40, %mul3A_44 : vector<2000x256xf32>
    %broadcast_in_dim3A_46 = vector.shape_cast %get3A_25 : vector<256xf32> to vector<1x256xf32>
    %mul3A_47 = vector.broadcast %broadcast_in_dim3A_46 : vector<1x256xf32> to vector<2000x256xf32>
    %mul3A_48 = arith.mulf %mul3A_45, %mul3A_47 : vector<2000x256xf32>
    %broadcast_in_dim3A_49 = vector.shape_cast %get3A_27 : vector<256xf32> to vector<1x256xf32>
    %add3A_50 = vector.broadcast %broadcast_in_dim3A_49 : vector<1x256xf32> to vector<2000x256xf32>
    %add3A_51 = arith.addf %mul3A_48, %add3A_50 : vector<2000x256xf32>
    %get3A_52 = arith.constant 0 : index
    %get3A_53 = arith.constant 0 : index
    %get3A_54 = vector.load %arg5[%get3A_52, %get3A_53] : memref<256x1024xf32, #tpu.memory_space<vmem>>, vector<256x1024xf32>
    %dot_general3A = arith.constant dense<0.000000e+00> : vector<2000x1024xf32>
    %dot_general3A_55 = tpu.matmul %add3A_51, %get3A_54, %dot_general3A {dimension_numbers = #tpu.dot_dimension_numbers<[1], [0], [0], [1], [0, 0, 1, 1], [], []>, transpose_lhs_hint = false} : vector<2000x256xf32>, vector<256x1024xf32>, vector<2000x1024xf32> -> vector<2000x1024xf32>
    %get3A_56 = arith.constant 0 : index
    %get3A_57 = vector.load %arg6[%get3A_56] : memref<1024xf32, #tpu.memory_space<vmem>>, vector<1024xf32>
    %broadcast_in_dim3A_58 = vector.shape_cast %get3A_57 : vector<1024xf32> to vector<1x1024xf32>
    %add3A_59 = vector.broadcast %broadcast_in_dim3A_58 : vector<1x1024xf32> to vector<2000x1024xf32>
    %add3A_60 = arith.addf %dot_general3A_55, %add3A_59 : vector<2000x1024xf32>
    %max3A_61 = arith.constant 0.000000e+00 : f32
    %max3A_62 = vector.broadcast %max3A_61 : f32 to vector<2000x1024xf32>
    %max3A_63 = arith.maximumf %add3A_60, %max3A_62 : vector<2000x1024xf32>
    %get3A_64 = arith.constant 0 : index
    %get3A_65 = arith.constant 0 : index
    %get3A_66 = vector.load %arg7[%get3A_64, %get3A_65] : memref<1024x256xf32, #tpu.memory_space<vmem>>, vector<1024x256xf32>
    %dot_general3A_67 = arith.constant dense<0.000000e+00> : vector<2000x256xf32>
    %dot_general3A_68 = tpu.matmul %max3A_63, %get3A_66, %dot_general3A_67 {dimension_numbers = #tpu.dot_dimension_numbers<[1], [0], [0], [1], [0, 0, 1, 1], [], []>, transpose_lhs_hint = false} : vector<2000x1024xf32>, vector<1024x256xf32>, vector<2000x256xf32> -> vector<2000x256xf32>
    %get3A_69 = arith.constant 0 : index
    %get3A_70 = vector.load %arg8[%get3A_69] : memref<256xf32, #tpu.memory_space<vmem>>, vector<256xf32>
    %broadcast_in_dim3A_71 = vector.shape_cast %get3A_70 : vector<256xf32> to vector<1x256xf32>
    %add3A_72 = vector.broadcast %broadcast_in_dim3A_71 : vector<1x256xf32> to vector<2000x256xf32>
    %add3A_73 = arith.addf %dot_general3A_68, %add3A_72 : vector<2000x256xf32>
    %add3A_74 = arith.addf %add3A_51, %add3A_73 : vector<2000x256xf32>
    %get3A_75 = arith.constant 0 : index
    %get3A_76 = vector.load %arg11[%get3A_75] : memref<256xf32, #tpu.memory_space<vmem>>, vector<256xf32>
    %get3A_77 = arith.constant 0 : index
    %get3A_78 = vector.load %arg12[%get3A_77] : memref<256xf32, #tpu.memory_space<vmem>>, vector<256xf32>
    %reduce_sum3A_79 = arith.constant dense<0.000000e+00> : vector<2000xf32>
    %reduce_sum3A_80 = vector.multi_reduction <add>, %add3A_74, %reduce_sum3A_79 [1] : vector<2000x256xf32> to vector<2000xf32>
    %broadcast_in_dim3A_81 = vector.shape_cast %reduce_sum3A_80 : vector<2000xf32> to vector<2000x1xf32>
    %div3A_82 = arith.constant 2.560000e+02 : f32
    %div3A_83 = vector.broadcast %div3A_82 : f32 to vector<2000x1xf32>
    %div3A_84 = arith.divf %broadcast_in_dim3A_81, %div3A_83 : vector<2000x1xf32>
    %sub3A_85 = vector.broadcast %div3A_84 : vector<2000x1xf32> to vector<2000x256xf32>
    %sub3A_86 = arith.subf %add3A_74, %sub3A_85 : vector<2000x256xf32>
    %integer_pow3A_87 = arith.mulf %sub3A_86, %sub3A_86 : vector<2000x256xf32>
    %reduce_sum3A_88 = arith.constant dense<0.000000e+00> : vector<2000xf32>
    %reduce_sum3A_89 = vector.multi_reduction <add>, %integer_pow3A_87, %reduce_sum3A_88 [1] : vector<2000x256xf32> to vector<2000xf32>
    %broadcast_in_dim3A_90 = vector.shape_cast %reduce_sum3A_89 : vector<2000xf32> to vector<2000x1xf32>
    %div3A_91 = arith.constant 2.560000e+02 : f32
    %div3A_92 = vector.broadcast %div3A_91 : f32 to vector<2000x1xf32>
    %div3A_93 = arith.divf %broadcast_in_dim3A_90, %div3A_92 : vector<2000x1xf32>
    %sub3A_94 = vector.broadcast %div3A_84 : vector<2000x1xf32> to vector<2000x256xf32>
    %sub3A_95 = arith.subf %add3A_74, %sub3A_94 : vector<2000x256xf32>
    %add3A_96 = arith.constant 9.99999974E-6 : f32
    %add3A_97 = vector.broadcast %add3A_96 : f32 to vector<2000x1xf32>
    %add3A_98 = arith.addf %div3A_93, %add3A_97 : vector<2000x1xf32>
    %rsqrt3A_99 = math.rsqrt %add3A_98 : vector<2000x1xf32>
    %mul3A_100 = vector.broadcast %rsqrt3A_99 : vector<2000x1xf32> to vector<2000x256xf32>
    %mul3A_101 = arith.mulf %sub3A_95, %mul3A_100 : vector<2000x256xf32>
    %broadcast_in_dim3A_102 = vector.shape_cast %get3A_76 : vector<256xf32> to vector<1x256xf32>
    %mul3A_103 = vector.broadcast %broadcast_in_dim3A_102 : vector<1x256xf32> to vector<2000x256xf32>
    %mul3A_104 = arith.mulf %mul3A_101, %mul3A_103 : vector<2000x256xf32>
    %broadcast_in_dim3A_105 = vector.shape_cast %get3A_78 : vector<256xf32> to vector<1x256xf32>
    %add3A_106 = vector.broadcast %broadcast_in_dim3A_105 : vector<1x256xf32> to vector<2000x256xf32>
    %add3A_107 = arith.addf %mul3A_104, %add3A_106 : vector<2000x256xf32>
    %swap3A = arith.constant 0 : index
    %swap3A_108 = arith.constant 0 : index
    %swap3A_109 = vector.load %arg13[%swap3A, %swap3A_108] : memref<2000x256xf32, #tpu.memory_space<vmem>>, vector<2000x256xf32>
    tpu.vector_store %arg13[%swap3A, %swap3A_108], %add3A_107 {strides = array<i32>} : memref<2000x256xf32, #tpu.memory_space<vmem>>, vector<2000x256xf32>,
    return
  }
  func.func @transform_0(%arg0: i32) -> (i32, i32) {
    %c0_i32 = arith.constant 0 : i32
    %c0_i32_0 = arith.constant 0 : i32
    return %arg0, %c0_i32 : i32, i32
  }
  func.func @transform_1(%arg0: i32) -> (i32, i32) {
    %c0_i32 = arith.constant 0 : i32
    %c0_i32_0 = arith.constant 0 : i32
    return %arg0, %c0_i32 : i32, i32
  }
  func.func @transform_2(%arg0: i32) -> (i32, i32) {
    %c0_i32 = arith.constant 0 : i32
    %c0_i32_0 = arith.constant 0 : i32
    return %arg0, %c0_i32 : i32, i32
  }
  func.func @transform_3(%arg0: i32) -> (i32, i32, i32) {
    %c0_i32 = arith.constant 0 : i32
    %c0_i32_0 = arith.constant 0 : i32
    %c0_i32_1 = arith.constant 0 : i32
    return %c0_i32, %arg0, %c0_i32_0 : i32, i32, i32
  }
  func.func @transform_4(%arg0: i32) -> (i32, i32) {
    %c0_i32 = arith.constant 0 : i32
    %c0_i32_0 = arith.constant 0 : i32
    %c0_i32_1 = arith.constant 0 : i32
    return %c0_i32, %c0_i32_0 : i32, i32
  }
  func.func @transform_5(%arg0: i32) -> i32 {
    %c0_i32 = arith.constant 0 : i32
    %c0_i32_0 = arith.constant 0 : i32
    return %c0_i32 : i32
  }
  func.func @transform_6(%arg0: i32) -> (i32, i32) {
    %c0_i32 = arith.constant 0 : i32
    %c0_i32_0 = arith.constant 0 : i32
    %c0_i32_1 = arith.constant 0 : i32
    return %c0_i32, %c0_i32_0 : i32, i32
  }
  func.func @transform_7(%arg0: i32) -> i32 {
    %c0_i32 = arith.constant 0 : i32
    %c0_i32_0 = arith.constant 0 : i32
    return %c0_i32 : i32
  }
  func.func @transform_8(%arg0: i32) -> i32 {
    %c0_i32 = arith.constant 0 : i32
    %c0_i32_0 = arith.constant 0 : i32
    return %c0_i32 : i32
  }
  func.func @transform_9(%arg0: i32) -> i32 {
    %c0_i32 = arith.constant 0 : i32
    %c0_i32_0 = arith.constant 0 : i32
    return %c0_i32 : i32
  }
  func.func @transform_10(%arg0: i32) -> i32 {
    %c0_i32 = arith.constant 0 : i32
    %c0_i32_0 = arith.constant 0 : i32
    return %c0_i32 : i32
  }
  func.func @transform_11(%arg0: i32) -> i32 {
    %c0_i32 = arith.constant 0 : i32
    %c0_i32_0 = arith.constant 0 : i32
    return %c0_i32 : i32
  }
  func.func @transform_12(%arg0: i32) -> (i32, i32) {
    %c0_i32 = arith.constant 0 : i32
    %c0_i32_0 = arith.constant 0 : i32
    return %arg0, %c0_i32 : i32, i32
  }
}

</mosaic_0001>

<sc_bundles>
// kernel: kernel.11.cloned.1.call-start
scs
__scs_entry_jumppad:
0x0: {  	(pc) =	sbr.rel $0x88, $3  }
0x1: {  	(tag) =	ssettag $0x0;
	lr =	simm.s32 $0x1  }
0x2: {  	[smem:$0x3F8F] =	sst lr;
	_ =	strace $0xD0000000  }
0x3: {  	_ = 	snop  }
0x4: {  	_ = 	snop  }
0x5: {  	_ = 	snop  }
0x6: {  	_ = 	snop  }
0x7: {  	_ = 	snop  }
__scs_overlays_trampoline_lowered:
0x8: {  	[smem:$0x3F9E] =	sst s0  }
0x9: {  	[smem:$0x3F9F] =	sst s1  }
0xa: {  	[smem:$0x3FA0] =	sst s2  }
0xb: {  	[smem:$0x3FA1] =	sst s3  }
0xc: {  	[smem:$0x3FA2] =	sst s4  }
0xd: {  	[smem:$0x3FA3] =	sst s5  }
0xe: {  	[smem:$0x3FA4] =	sst s6  }
0xf: {  	[smem:$0x3FA5] =	sst s7  }
0x10: {  	[smem:$0x3FA6] =	sst s8  }
0x11: {  	[smem:$0x3FA7] =	sst s9;
	s0 =	simm.s32 @!p0 $0x0  }
0x12: {  	s1 =	sld [smem:$0x3F8D];
	s0 =	simm.s32 @p0 $0x1  }
0x13: {  	[smem:$0x3FA8] =	sst s0;
	s0 =	simm.s32 @!p1 $0x0  }
0x14: {  	s2 =	sld [smem:$0x3F8C];
	s0 =	simm.s32 @p1 $0x1  }
0x15: {  	[smem:$0x3FA9] =	sst s0;
	s0 =	simm.s32 @!p2 $0x0  }
0x16: {  	s3 =	sld [smem:$0x3FDB];
	s0 =	simm.s32 @p2 $0x1  }
0x17: {  	s4 =	simm.s32 $0x1BF5;
	[smem:$0x3FAB] =	sst s0  }
0x18: {  	s0 =	sld [smem:$0x3F8E];
	_ =	swait.ge [sflag:s4], $0x0  }
0x19: {  	s7 =	sld [smem:$0x3F8F]  }
0x1a: {  	s8 =	sadd.s32 $0xFFFFE003, lr  }
0x1b: {  	s9 =	sadd.s32 $0xFFFFFEF7, lr;
	s5 =	simm.s32 $0xFFFFFFFF;
	p2 =	slt.u32 s8, $0xFFFFF086  }
0x1c: {  	p1 =	slt.u32 s9, $0xF7A;
	s5 =	simm.s32 @!p2 $0x0  }
0x1d: {  	s5 =	simm.s32 @p1 $0x1;
	p0 =	seq.s32 s7, s2  }
0x1e: {  	s7 =	smul.u32 @!p0 $0xF7A, s2;
	p2 =	seq.s32 @!p0 s5, $0x0  }
0x1f: {  	s9 =	smul.u32 $0xF7A, s1;
	s8 =	simm.s32 @!p0 $0x1BF5;
	p2 =	por !p2, p0  }
0x20: {  	[sflag:s8] =	ssyncset.s32 @!p0 $0xFFFFF086;
	s6 =	sadd.s32 @!p0 s3, s7;
	s7 =	simm.s32 @!p0 $0x108  }
0x21: {  	s3 =	sadd.s32 s3, s9;
	s6 =	sadd.s32 @!p0 $0x88, s6;
	s7 =	simm.s32 @p2 $0x1082  }
0x22: {  	[simem:s7], [sflag:s8] =	dma.local @!p0 [hbm:s6], $0xF7A  }
0x23: {  	s9 =	sor.u32 $0xD0000000, s2;
	s6 =	simm.s32 $0x108;
	_ =	swait.ge @!p0 [sflag:s8], $0x0  }
0x24: {  	s3 =	sadd.s32 $0x88, s3;
	s6 =	simm.s32 @!p1 $0x1082;
	[sflag:s4] =	ssyncset.s32 $0xFFFFF086  }
0x25: {  	[simem:s6], [sflag:s4] =	dma.local [hbm:s3], $0xF7A  }
0x26: {  	[smem:$0x3F8F] =	sst s1;
	(tag) =	ssettag s2;
	_ =	strace s9  }
0x27: {  	s1 =	sld [smem:$0x3F9F]  }
0x28: {  	s2 =	sld [smem:$0x3FA0]  }
0x29: {  	s4 =	sld [smem:$0x3FA2]  }
0x2a: {  	p0 =	seq.s32 s5, $0x0;
	s5 =	sld [smem:$0x3FA3]  }
0x2b: {  	s6 =	sld [smem:$0x3FA4]  }
0x2c: {  	s7 =	sld [smem:$0x3FA5]  }
0x2d: {  	s3 =	simm.s32 $0x108;
	s8 =	sld [smem:$0x3FA6]  }
0x2e: {  	s3 =	simm.s32 @!p0 $0x1082;
	s9 =	sld [smem:$0x3FA7]  }
0x2f: {  	lr =	sadd.s32 s0, s3;
	s0 =	sld [smem:$0x3F9E]  }
0x30: {  	s3 =	sld [smem:$0x3FA1]  }
0x31: {  	[smem:$0x3FAA] =	sst s10  }
0x32: {  	s10 =	sld [smem:$0x3FA8];
	_ =	sdelay $0x3  }
0x33: {  	p0 =	seq.s32 s10, $0x1;
	s10 =	sld [smem:$0x3FAA];
	_ =	sdelay $0x3  }
0x34: {  	[smem:$0x3FAA] =	sst s10  }
0x35: {  	s10 =	sld [smem:$0x3FA9];
	_ =	sdelay $0x3  }
0x36: {  	p1 =	seq.s32 s10, $0x1;
	s10 =	sld [smem:$0x3FAA];
	_ =	sdelay $0x3  }
0x37: {  	[smem:$0x3FAA] =	sst s10  }
0x38: {  	s10 =	sld [smem:$0x3FAB]  }
0x39: {  	_ = 	snop;
	(pc) =	sbr.ind lr, $3  }
0x3a: {  	_ = 	snop  }
0x3b: {  	_ = 	snop  }
0x3c: {  	p2 =	seq.s32 s10, $0x1;
	s10 =	sld [smem:$0x3FAA]  }
0x3d: {  	_ =	shalt  }
0x3e: {  	_ =	shalt  }
0x3f: {  	_ =	shalt  }
0x40: {  	_ =	shalt  }
0x41: {  	_ =	shalt  }
0x42: {  	_ =	shalt  }
0x43: {  	_ =	shalt  }
0x44: {  	_ =	shalt  }
0x45: {  	_ =	shalt  }
0x46: {  	_ =	shalt  }
0x47: {  	_ =	shalt  }
0x48: {  	_ =	shalt  }
0x49: {  	_ =	shalt  }
0x4a: {  	_ =	shalt  }
0x4b: {  	_ =	shalt  }
0x4c: {  	_ =	shalt  }
0x4d: {  	_ =	shalt  }
0x4e: {  	_ =	shalt  }
0x4f: {  	_ =	shalt  }
0x50: {  	_ =	shalt  }
0x51: {  	_ =	shalt  }
0x52: {  	_ =	shalt  }
0x53: {  	_ =	shalt  }
0x54: {  	_ =	shalt  }
0x55: {  	_ =	shalt  }
0x56: {  	_ =	shalt  }
0x57: {  	_ =	shalt  }
0x58: {  	_ =	shalt  }
0x59: {  	_ =	shalt  }
0x5a: {  	_ =	shalt  }
0x5b: {  	_ =	shalt  }
0x5c: {  	_ =	shalt  }
0x5d: {  	_ =	shalt  }
0x5e: {  	_ =	shalt  }
0x5f: {  	_ =	shalt  }
0x60: {  	_ =	shalt  }
0x61: {  	_ =	shalt  }
0x62: {  	_ =	shalt  }
0x63: {  	_ =	shalt  }
0x64: {  	_ =	shalt  }
0x65: {  	_ =	shalt  }
0x66: {  	_ =	shalt  }
0x67: {  	_ =	shalt  }
0x68: {  	_ =	shalt  }
0x69: {  	_ =	shalt  }
0x6a: {  	_ =	shalt  }
0x6b: {  	_ =	shalt  }
0x6c: {  	_ =	shalt  }
0x6d: {  	_ =	shalt  }
0x6e: {  	_ =	shalt  }
0x6f: {  	_ =	shalt  }
0x70: {  	_ =	shalt  }
0x71: {  	_ =	shalt  }
0x72: {  	_ =	shalt  }
0x73: {  	_ =	shalt  }
0x74: {  	_ =	shalt  }
0x75: {  	_ =	shalt  }
0x76: {  	_ =	shalt  }
0x77: {  	_ =	shalt  }
0x78: {  	_ =	shalt  }
0x79: {  	_ =	shalt  }
0x7a: {  	_ =	shalt  }
0x7b: {  	_ =	shalt  }
0x7c: {  	_ =	shalt  }
0x7d: {  	_ =	shalt  }
0x7e: {  	_ =	shalt  }
0x7f: {  	_ =	shalt  }
0x80: {  	_ =	shalt  }
0x81: {  	_ =	shalt  }
0x82: {  	_ =	shalt  }
0x83: {  	_ =	shalt  }
0x84: {  	_ =	shalt  }
0x85: {  	_ =	shalt  }
0x86: {  	_ =	shalt  }
0x87: {  	_ =	shalt  }
.Lfunc_end0:
.L_simem_size_0:
called_computation.1_lowered:
.L_overlay_start_0:
0x88: {  	s2 =	sld [smem:$0x3FD9]  }
0x89: {  	s3 =	sld [smem:$0x3FFE];
	_ =	sdelay $0x1  }
0x8a: {  	s1 =	srdreg.scid  }
0x8b: {  	s0 =	sand.u32 $0x1, s1  }
0x8c: {  	s17 =	sshll.u32 s0, $0xA;
	s2 =	sadd.s32 s3, s2  }
0x8d: {  	s2 =	sadd.s32 s2, s17  }
0x8e: {  	[smem:$0x3FB6] =	sst s2  }
0x8f: {  	_ = 	snop  }
0x90: {  	s2 =	sld [smem:$0x3FD0];
	(tm) =	ssettm $0x1  }
0x91: {  	s18 =	sld [smem:$0x3FFB];
	_ =	sdelay $0x3  }
0x92: {  	_ =	strace s18  }
0x93: {  	s3 =	sld [smem:$0x3FFC];
	_ =	sdelay $0x3  }
0x94: {  	_ =	strace s3  }
0x95: {  	s3 =	sld [smem:$0x3FFD];
	_ =	sdelay $0x3  }
0x96: {  	_ =	strace s3  }
0x97: {  	_ =	strace $0x8FFFFFFF  }
0x98: {  	s19 =	sld [smem:$0x3FDB];
	_ =	sdelay $0x1  }
0x99: {  	s4 =	simm.s32 $_scs_section_size  }
0x9a: {  	s5 =	simm.s32 $_size__tile_overlayer_lowered;
	s6 =	simm.s32 $_tile_overlayer_lowered  }
0x9b: {  	s22 =	simm.s32 $0x1BFF;
	s21 =	sshll.u32 s6, $0x1;
	s3 =	sadd.s32 s4, s19  }
0x9c: {  	s7 =	simm.s32 $0x0;
	s20 =	sshll.u32 s5, $0x1;
	s5 =	sadd.s32 s21, s3  }
0x9d: {  	[timem:s7], [sflag:s22] =	dma.local [hbm:s5], s20  }
0x9e: {  	_ =	swait.ge [sflag:s22], s20  }
0x9f: {  	s4 =	ssub.s32 $0x0, s20;
	[sflag:s22] =	ssyncset.done $0x0  }
0xa0: {  	[sflag:s22] =	ssyncadd.s32 s4;
	_ =	sdelay $0x1  }
0xa1: {  	s23 =	simm.s32 $0x1B8B  }
0xa2: {  	_ =	swait.ge [sflag:s23], $0x1  }
0xa3: {  	[sflag:s23] =	ssyncset.done $0x0  }
0xa4: {  	s25 =	simm.s32 $0x1B8E;
	s24 =	sld [smem:$0x3FFE];
	[sflag:s23] =	ssyncadd.s32 $0xFFFFFFFF  }
0xa5: {  	s26 =	simm.s32 $execute0_lowered;
	[smem:$0x3FD2] =	sst s25  }
0xa6: {  	s5 =	sshll.u32 s26, $0x1;
	_ =	strace $0x80000049;
	[dreg:$0x1] =	wrdreg $0xFFFFFFFF  }
0xa7: {  	s28 =	simm.s32 $_size_execute0_lowered;
	s3 =	sadd.s32 s3, s5;
	[dreg:$0x0] =	wrdreg $0x0  }
0xa8: {  	s5 =	sshll.u32 s28, $0x1;
	[dreg:$0x2] =	wrdreg s3  }
0xa9: {  	[dreg:$0x3] =	wrdreg s5  }
0xaa: {  	[dreg:$0x4] =	wrdreg $0xC0  }
0xab: {  	_ =	task [dreg:s7], $0x5FFFF  }
0xac: {  	[dreg:$0x1] =	wrdreg $0xFFFFFFFF  }
0xad: {  	[dreg:$0x0] =	wrdreg $0x60  }
0xae: {  	[dreg:$0x2] =	wrdreg s24  }
0xaf: {  	[dreg:$0x3] =	wrdreg s2  }
0xb0: {  	[dreg:$0x4] =	wrdreg $0xA4000  }
0xb1: {  	[dreg:$0x5] =	wrdreg $0x9  }
0xb2: {  	_ =	task.clear_ibuf [dreg:s7], $0x6FFFF;
	_ =	strace $0x90000049  }
0xb3: {  	s29 =	simm.s32 $0x9;
	_ =	strace $0x8000004B  }
0xb4: {  	_ =	swait.ge [sflag:s29], $0x1  }
0xb5: {  	[sflag:s29] =	ssyncadd.s32 $0xFFFFFFFF  }
0xb6: {  	_ =	strace $0x9000004B  }
0xb7: {  	_ =	sfence  }
0xb8: {  	s30 =	sld [smem:$0x0];
	_ =	sdelay $0x2  }
0xb9: {  	s31 =	sshll.u32 s1, $0xD;
	s1 =	sshrl.u32 s1, $0x2  }
0xba: {  	s3 =	sand.u32 $0x4000, s31;
	s1 =	sadd.s32 s1, s30  }
0xbb: {  	s0 =	sor.u32 s3, s0;
	s1 =	sshll.u32 s1, $0x11  }
0xbc: {  	s0 =	sor.u32 s1, s0  }
0xbd: {  	s0 =	sadd.s32 $0x8F2B, s0  }
0xbe: {  	[sflag:s0] =	ssyncadd.remote.s32 $0x1  }
0xbf: {  	_ =	sfence.sel $0xFFFF  }
0xc0: {  	[dreg:$0x0] =	wrdreg $0xFFFFFFFF;
	(pc) =	sbr.abs _section_cstart, $3  }
0xc1: {  	[dreg:$0x1] =	wrdreg $0xFFFFFFFF  }
0xc2: {  	_ =	task.clear_ibuf [dreg:s7], $0x2FFFF;
	_ =	strace $0x9FFFFFFF  }
0xc3: {  	(tm) =	ssettm $0x7FFFFFFF  }
tec
execute0_lowered:
.L_overlay_start_1:
0x0: {  	(tag) =	ssettag $0x1  }
0x1: {  	s0 =	rddreg [dreg:$0x0]  }
0x2: {  	s2 =	rddreg [dreg:$0x1]  }
0x3: {  	s1 =	rddreg [dreg:$0x2]  }
0x4: {  	s3 =	simm.s32 $0x0;
	s12 =	stileid.u32;
	s5 =	srdreg.scid  }
0x5: {  	[smem:$0x7FF] =	sst s3;
	s4 =	sadd.s32 $0xA1E600, s0;
	s7 =	smul.u32 $0x5000, s12  }
0x6: {  	s6 =	sshll.u32 s12, $0xB;
	s5 =	sand.u32 $0x1, s5;
	s10 =	smul.u32 $0x138800, s12  }
0x7: {  	s15 =	smul.u32 $0x1400, s12;
	p0 =	sgt.u32 s12, $0x9;
	s12 =	simm.s32 $0x2  }
0x8: {  	_ =	strace $0x8000004A;
	s6 =	sadd.s32 s6, s0;
	s9 =	smul.u32 $0x1388000, s5  }
0x9: {  	s8 =	ssub.s32 $0x2, s5;
	s0 =	sadd.s32 $0x4400, s0;
	s5 =	smul.u32 $0x138800, s5  }
0xa: {  	[dreg:$0x4] =	wrdreg s0;
	s14 =	sshrl.u32 s8, $0x1;
	s6 =	sadd.s32 $0xA16600, s6  }
0xb: {  	s7 =	sshrl.u32 s7, $0x2;
	s17 =	sadd.s32 $0x12C000, s15;
	s0 =	ssub.s32 s8, s14  }
0xc: {  	[dreg:$0x5] =	wrdreg s6;
	s16 =	sadd.s32 s10, s9;
	s7 =	sadd.s32 s7, s1  }
0xd: {  	s18 =	sadd.s32 s5, s17;
	s10 =	sadd.s32 s17, s1;
	s25 =	sadd.s32 s15, s5  }
0xe: {  	s6 =	simm.s32 $0x4000;
	s8 =	simm.s32 $0x6800;
	s9 =	sshrl.u32 s16, $0x3  }
0xf: {  	s11 =	sadd.s32 $0x12C000, s7;
	[dreg:$0x8] =	wrdreg s10;
	s19 =	sshrl.u32 s18, $0x3  }
0x10: {  	s0 =	smax.u32 s0, $0x1;
	s20 =	sadd.s32 $0x14000, s7;
	[dreg:$0x6] =	wrdreg s11  }
0x11: {  	s21 =	sadd.s32 $0x28000, s7;
	s22 =	sadd.s32 $0x3C000, s7;
	[dreg:$0xa] =	wrdreg s0  }
0x12: {  	s23 =	sadd.s32 $0x50000, s7;
	s24 =	sadd.s32 $0x64000, s7;
	[dreg:$0xb] =	wrdreg s20  }
0x13: {  	s26 =	sadd.s32 $0x7800, s16;
	s28 =	sadd.s32 $0xDC000, s7;
	[dreg:$0xc] =	wrdreg s21  }
0x14: {  	s29 =	sadd.s32 $0xF0000, s7;
	s30 =	sadd.s32 $0x104000, s7;
	[dreg:$0xd] =	wrdreg s22  }
0x15: {  	s31 =	sadd.s32 $0x118000, s7;
	s9 =	sadd.s32 s4, s9;
	[dreg:$0xe] =	wrdreg s23  }
0x16: {  	s10 =	sadd.s32 s2, s19;
	[dreg:$0xf] =	wrdreg s24;
	s19 =	sadd.s32 $0x78000, s7  }
0x17: {  	s20 =	sadd.s32 $0x8C000, s7;
	s0 =	sshrl.u32 s25, $0x3;
	s21 =	sadd.s32 $0xA0000, s7  }
0x18: {  	s5 =	sshrl.u32 s26, $0x3;
	s23 =	sadd.s32 $0xB4000, s7;
	s25 =	sadd.s32 $0x5000, s16  }
0x19: {  	s26 =	sadd.s32 $0xC8000, s7;
	s11 =	simm.s32 $0x50;
	s13 =	sadd.s32 $0x500, s9  }
0x1a: {  	[dreg:$0x9] =	wrdreg s10;
	s22 =	sadd.s32 s0, s2;
	s24 =	sadd.s32 s5, s4  }
0x1b: {  	s0 =	sadd.s32 $0x26C00, s9;
	s2 =	simm.s32 $0x9000;
	s5 =	simm.s32 $0x3  }
0x1c: {  	s10 =	simm.s32 $0x1;
	[dreg:$0x7] =	wrdreg s13;
	s13 =	simm.s32 $0x0  }
.LBB2_1:
0x1d: {  	s14 =	rddreg [dreg:$0x4]  }
0x1e: {  	[tilespmem:s2], [sflag:$0x3] =	stream.linear.gather [hbm4b:s14+s3], $0x1400, $0x38;
	[tilespmem:$0x1DC80] =	vst v63  }
0x1f: {  	_ =	swait.ge [sflag:s5], $0x1400  }
0x20: {  	[sflag:s5] =	ssyncset.done $0x0  }
0x21: {  	s17 =	rddreg [dreg:$0x5];
	[sflag:s5] =	ssyncadd.s32 $0xFFFFEC00  }
0x22: {  	[tilespmem:s3], [sflag:$0x3] =	stream.linear.gather [hbm4b:s17+s3], $0x3E80, $0x38;
	[tilespmem:$0x1DC80] =	vst v63  }
0x23: {  	_ =	swait.ge [sflag:s5], $0x3E80  }
0x24: {  	[sflag:s5] =	ssyncset.done $0x0  }
0x25: {  	[sflag:s5] =	ssyncadd.s32 $0xFFFFC180  }
0x26: {  	[spmem:s7] =	stream.linear.scatter [tilespmem:s2], [sflag:$0x3], $0x1400, $0x38;
	[tilespmem:$0x1DC80] =	vst v63  }
0x27: {  	_ =	swait.ge [sflag:s5], $0x1400  }
0x28: {  	[sflag:s5] =	ssyncset.done $0x0  }
0x29: {  	s18 =	rddreg [dreg:$0xb];
	[sflag:s5] =	ssyncadd.s32 $0xFFFFEC00  }
0x2a: {  	[spmem:s18] =	stream.linear.scatter [tilespmem:s2], [sflag:$0x3], $0x1400, $0x38;
	[tilespmem:$0x1DC80] =	vst v63  }
0x2b: {  	_ =	swait.ge [sflag:s5], $0x1400  }
0x2c: {  	[sflag:s5] =	ssyncset.done $0x0  }
0x2d: {  	s15 =	rddreg [dreg:$0xc];
	[sflag:s5] =	ssyncadd.s32 $0xFFFFEC00  }
0x2e: {  	[spmem:s15] =	stream.linear.scatter [tilespmem:s2], [sflag:$0x3], $0x1400, $0x38;
	[tilespmem:$0x1DC80] =	vst v63  }
0x2f: {  	_ =	swait.ge [sflag:s5], $0x1400  }
0x30: {  	[sflag:s5] =	ssyncset.done $0x0  }
0x31: {  	s16 =	rddreg [dreg:$0xd];
	[sflag:s5] =	ssyncadd.s32 $0xFFFFEC00  }
0x32: {  	[spmem:s16] =	stream.linear.scatter [tilespmem:s2], [sflag:$0x3], $0x1400, $0x38;
	[tilespmem:$0x1DC80] =	vst v63  }
0x33: {  	_ =	swait.ge [sflag:s5], $0x1400  }
0x34: {  	[sflag:s5] =	ssyncset.done $0x0  }
0x35: {  	s17 =	rddreg [dreg:$0xe];
	[sflag:s5] =	ssyncadd.s32 $0xFFFFEC00  }
0x36: {  	[spmem:s17] =	stream.linear.scatter [tilespmem:s2], [sflag:$0x3], $0x1400, $0x38;
	[tilespmem:$0x1DC80] =	vst v63  }
0x37: {  	_ =	swait.ge [sflag:s5], $0x1400  }
0x38: {  	[sflag:s5] =	ssyncset.done $0x0  }
0x39: {  	s18 =	rddreg [dreg:$0xf];
	[sflag:s5] =	ssyncadd.s32 $0xFFFFEC00  }
0x3a: {  	[spmem:s18] =	stream.linear.scatter [tilespmem:s2], [sflag:$0x3], $0x1400, $0x38;
	[tilespmem:$0x1DC80] =	vst v63  }
0x3b: {  	_ =	swait.ge [sflag:s5], $0x1400  }
0x3c: {  	[sflag:s5] =	ssyncset.done $0x0  }
0x3d: {  	[sflag:s5] =	ssyncadd.s32 $0xFFFFEC00  }
0x3e: {  	[spmem:s19] =	stream.linear.scatter [tilespmem:s2], [sflag:$0x3], $0x1400, $0x38;
	[tilespmem:$0x1DC80] =	vst v63  }
0x3f: {  	_ =	swait.ge [sflag:s5], $0x1400  }
0x40: {  	[sflag:s5] =	ssyncset.done $0x0  }
0x41: {  	[sflag:s5] =	ssyncadd.s32 $0xFFFFEC00  }
0x42: {  	[spmem:s20] =	stream.linear.scatter [tilespmem:s2], [sflag:$0x3], $0x1400, $0x38;
	[tilespmem:$0x1DC80] =	vst v63  }
0x43: {  	_ =	swait.ge [sflag:s5], $0x1400  }
0x44: {  	[sflag:s5] =	ssyncset.done $0x0  }
0x45: {  	[sflag:s5] =	ssyncadd.s32 $0xFFFFEC00  }
0x46: {  	[spmem:s21] =	stream.linear.scatter [tilespmem:s2], [sflag:$0x3], $0x1400, $0x38;
	[tilespmem:$0x1DC80] =	vst v63  }
0x47: {  	_ =	swait.ge [sflag:s5], $0x1400  }
0x48: {  	[sflag:s5] =	ssyncset.done $0x0  }
0x49: {  	[sflag:s5] =	ssyncadd.s32 $0xFFFFEC00  }
0x4a: {  	[spmem:s23] =	stream.linear.scatter [tilespmem:s2], [sflag:$0x3], $0x1400, $0x38;
	[tilespmem:$0x1DC80] =	vst v63  }
0x4b: {  	_ =	swait.ge [sflag:s5], $0x1400  }
0x4c: {  	[sflag:s5] =	ssyncset.done $0x0  }
0x4d: {  	[sflag:s5] =	ssyncadd.s32 $0xFFFFEC00  }
0x4e: {  	[spmem:s26] =	stream.linear.scatter [tilespmem:s2], [sflag:$0x3], $0x1400, $0x38;
	[tilespmem:$0x1DC80] =	vst v63  }
0x4f: {  	_ =	swait.ge [sflag:s5], $0x1400  }
0x50: {  	[sflag:s5] =	ssyncset.done $0x0  }
0x51: {  	[sflag:s5] =	ssyncadd.s32 $0xFFFFEC00  }
0x52: {  	[spmem:s28] =	stream.linear.scatter [tilespmem:s2], [sflag:$0x3], $0x1400, $0x38;
	[tilespmem:$0x1DC80] =	vst v63  }
0x53: {  	_ =	swait.ge [sflag:s5], $0x1400  }
0x54: {  	[sflag:s5] =	ssyncset.done $0x0  }
0x55: {  	[sflag:s5] =	ssyncadd.s32 $0xFFFFEC00  }
0x56: {  	[spmem:s29] =	stream.linear.scatter [tilespmem:s2], [sflag:$0x3], $0x1400, $0x38;
	[tilespmem:$0x1DC80] =	vst v63  }
0x57: {  	_ =	swait.ge [sflag:s5], $0x1400  }
0x58: {  	[sflag:s5] =	ssyncset.done $0x0  }
0x59: {  	[sflag:s5] =	ssyncadd.s32 $0xFFFFEC00  }
0x5a: {  	[spmem:s30] =	stream.linear.scatter [tilespmem:s2], [sflag:$0x3], $0x1400, $0x38;
	[tilespmem:$0x1DC80] =	vst v63  }
0x5b: {  	_ =	swait.ge [sflag:s5], $0x1400  }
0x5c: {  	[sflag:s5] =	ssyncset.done $0x0  }
0x5d: {  	[sflag:s5] =	ssyncadd.s32 $0xFFFFEC00  }
0x5e: {  	[spmem:s31] =	stream.linear.scatter [tilespmem:s2], [sflag:$0x3], $0x1400, $0x38;
	[tilespmem:$0x1DC80] =	vst v63  }
0x5f: {  	_ =	swait.ge [sflag:s5], $0x1400  }
0x60: {  	[sflag:s5] =	ssyncset.done $0x0  }
0x61: {  	s14 =	simm.s32 @!p0 $0x9000;
	s15 =	rddreg [dreg:$0x6];
	[sflag:s5] =	ssyncadd.s32 $0xFFFFEC00  }
0x62: {  	[spmem:s15] =	stream.linear.scatter @!p0 [tilespmem:s14], [sflag:$0x3], $0x1400, $0x38;
	[tilespmem:$0x1DC80] =	vst v63  }
0x63: {  	s14 =	simm.s32 @!p0 $0x3  }
0x64: {  	_ =	swait.ge @!p0 [sflag:s14], $0x1400  }
0x65: {  	[sflag:s14] =	ssyncset.done @!p0 $0x0  }
0x66: {  	[sflag:s14] =	ssyncadd.s32 @!p0 $0xFFFFEC00  }
0x67: {  	[bflag:$0x0] =	sbarrier.arrive $0xFFFF  }
0x68: {  	[tilespmem:s6], [sflag:$0x1] =	stream.linear.gather [hbm4b:s9+s3], $0x2800, $0x38;
	[tilespmem:$0x1DC80] =	vst v63  }
0x69: {  	s15 =	rddreg [dreg:$0x7]  }
0x6a: {  	[tilespmem:s8], [sflag:$0x2] =	stream.linear.gather [hbm4b:s15+s3], $0x2800, $0x38;
	[tilespmem:$0x1DC80] =	vst v63  }
0x6b: {  	_ =	swait.ge [sflag:s10], $0x2800  }
0x6c: {  	[sflag:s10] =	ssyncset.done $0x0  }
0x6d: {  	s16 =	simm.s32 $0x0;
	[sflag:s10] =	ssyncadd.s32 $0xFFFFD800  }
0x6e: {  	[spmem:s1] =	stream.indirect.scatter.add.f32 [tilespmem:s6], [sflag:$0x3], $0x80, s16, s11, $0xb8;
	[tilespmem:$0x1DC80] =	vst v63  }
0x6f: {  	_ =	swait.ge [sflag:s5], $0x2800  }
0x70: {  	s17 =	sshrl.u32 s25, $0x3;
	[sflag:s5] =	ssyncset.done $0x0  }
0x71: {  	s14 =	sadd.s32 s4, s17;
	[sflag:s5] =	ssyncadd.s32 $0xFFFFD800  }
0x72: {  	[tilespmem:s6], [sflag:$0x1] =	stream.linear.gather [hbm4b:s14+s3], $0x2800, $0x38;
	[tilespmem:$0x1DC80] =	vst v63  }
0x73: {  	_ =	swait.ge [sflag:s12], $0x2800  }
0x74: {  	[sflag:s12] =	ssyncset.done $0x0  }
0x75: {  	s18 =	simm.s32 $0x80;
	[sflag:s12] =	ssyncadd.s32 $0xFFFFD800  }
0x76: {  	[spmem:s1] =	stream.indirect.scatter.add.f32 [tilespmem:s8], [sflag:$0x3], $0x80, s18, s11, $0xb8;
	[tilespmem:$0x1DC80] =	vst v63  }
0x77: {  	_ =	swait.ge [sflag:s5], $0x2800  }
0x78: {  	s17 =	sadd.s32 $0x0, s24;
	s15 =	sadd.s32 $0x5000, s25;
	[sflag:s5] =	ssyncset.done $0x0  }
0x79: {  	s16 =	simm.s32 $0x180;
	s14 =	simm.s32 $0xA00;
	[sflag:s5] =	ssyncadd.s32 $0xFFFFD800  }
.LBB2_2:
0x7a: {  	[tilespmem:s8], [sflag:$0x2] =	stream.linear.gather [hbm4b:s17+s3], $0x2800, $0x38;
	[tilespmem:$0x1DC80] =	vst v63  }
0x7b: {  	s17 =	smov.u32 s14  }
0x7c: {  	p1 =	sne.s32 s14, $0x25800;
	s14 =	sadd.s32 $0xA00, s14;
	_ =	swait.ge [sflag:s10], $0x2800  }
0x7d: {  	[sflag:s10] =	ssyncset.done $0x0  }
0x7e: {  	s18 =	sadd.s32 $0xFFFFFF80, s16;
	[sflag:s10] =	ssyncadd.s32 $0xFFFFD800  }
0x7f: {  	[spmem:s1] =	stream.indirect.scatter.add.f32 [tilespmem:s6], [sflag:$0x3], $0x80, s18, s11, $0xb8;
	[tilespmem:$0x1DC80] =	vst v63  }
0x80: {  	_ =	swait.ge [sflag:s5], $0x2800  }
0x81: {  	s18 =	sshrl.u32 s15, $0x3;
	[sflag:s5] =	ssyncset.done $0x0  }
0x82: {  	s18 =	sadd.s32 s4, s18;
	[sflag:s5] =	ssyncadd.s32 $0xFFFFD800  }
0x83: {  	[tilespmem:s6], [sflag:$0x1] =	stream.linear.gather [hbm4b:s18+s3], $0x2800, $0x38;
	[tilespmem:$0x1DC80] =	vst v63  }
0x84: {  	_ =	swait.ge [sflag:s12], $0x2800  }
0x85: {  	[sflag:s12] =	ssyncset.done $0x0  }
.Ltmp0:
0x86: {  	[sflag:s12] =	ssyncadd.s32 $0xFFFFD800;
	(pc) =	sbr.rel @p1 .LBB2_2-.Ltmp0, $4  }
0x87: {  	[spmem:s1] =	stream.indirect.scatter.add.f32 [tilespmem:s8], [sflag:$0x3], $0x80, s16, s11, $0xb8;
	[tilespmem:$0x1DC80] =	vst v63  }
0x88: {  	_ =	swait.ge [sflag:s5], $0x2800  }
0x89: {  	s15 =	sadd.s32 $0x5000, s15;
	[sflag:s5] =	ssyncset.done $0x0  }
0x8a: {  	s17 =	sadd.s32 s17, s24;
	s16 =	sadd.s32 $0x100, s16;
	[sflag:s5] =	ssyncadd.s32 $0xFFFFD800  }
0x8b: {  	[tilespmem:s8], [sflag:$0x2] =	stream.linear.gather [hbm4b:s17+s3], $0x2800, $0x38;
	[tilespmem:$0x1DC80] =	vst v63  }
0x8c: {  	_ =	swait.ge [sflag:s10], $0x2800  }
0x8d: {  	[sflag:s10] =	ssyncset.done $0x0  }
0x8e: {  	s14 =	simm.s32 $0x3D00;
	[sflag:s10] =	ssyncadd.s32 $0xFFFFD800  }
0x8f: {  	[spmem:s1] =	stream.indirect.scatter.add.f32 [tilespmem:s6], [sflag:$0x3], $0x80, s14, s11, $0xb8;
	[tilespmem:$0x1DC80] =	vst v63  }
0x90: {  	_ =	swait.ge [sflag:s5], $0x2800  }
0x91: {  	[sflag:s5] =	ssyncset.done $0x0  }
0x92: {  	s15 =	simm.s32 $0x0;
	[sflag:s5] =	ssyncadd.s32 $0xFFFFD800  }
0x93: {  	[tilespmem:s6], [sflag:$0x1] =	stream.linear.gather [hbm4b:s0+s15], $0x2800, $0x38;
	[tilespmem:$0x1DC80] =	vst v63  }
0x94: {  	_ =	swait.ge [sflag:s12], $0x2800  }
0x95: {  	[sflag:s12] =	ssyncset.done $0x0  }
0x96: {  	s16 =	simm.s32 $0x3D80;
	[sflag:s12] =	ssyncadd.s32 $0xFFFFD800  }
0x97: {  	[spmem:s1] =	stream.indirect.scatter.add.f32 [tilespmem:s8], [sflag:$0x3], $0x80, s16, s11, $0xb8;
	[tilespmem:$0x1DC80] =	vst v63  }
0x98: {  	_ =	swait.ge [sflag:s5], $0x2800  }
0x99: {  	[sflag:s5] =	ssyncset.done $0x0  }
0x9a: {  	[sflag:s5] =	ssyncadd.s32 $0xFFFFD800  }
0x9b: {  	_ =	swait.ge [sflag:s10], $0x2800  }
0x9c: {  	[sflag:s10] =	ssyncset.done $0x0  }
0x9d: {  	s17 =	simm.s32 $0x3E00;
	[sflag:s10] =	ssyncadd.s32 $0xFFFFD800  }
0x9e: {  	[spmem:s1] =	stream.indirect.scatter.add.f32 [tilespmem:s6], [sflag:$0x3], $0x80, s17, s11, $0xb8;
	[tilespmem:$0x1DC80] =	vst v63  }
0x9f: {  	_ =	swait.ge [sflag:s5], $0x2800  }
0xa0: {  	[sflag:s5] =	ssyncset.done $0x0  }
0xa1: {  	[sflag:s5] =	ssyncadd.s32 $0xFFFFD800  }
0xa2: {  	[bflag:$0x0] =	sbarrier.arrive $0xFFFF  }
0xa3: {  	[tilespmem:s2], [sflag:$0x3] =	stream.linear.gather [spmem:s7], $0x1400, $0x38;
	[tilespmem:$0x1DC80] =	vst v63  }
0xa4: {  	_ =	swait.ge [sflag:s5], $0x1400  }
0xa5: {  	[sflag:s5] =	ssyncset.done $0x0  }
0xa6: {  	s18 =	sadd.s32 $0x0, s22;
	[sflag:s5] =	ssyncadd.s32 $0xFFFFEC00  }
0xa7: {  	[hbm4b:s18+s3] =	stream.linear.scatter [tilespmem:s2], [sflag:$0x3], $0x1400, $0x38;
	[tilespmem:$0x1DC80] =	vst v63  }
0xa8: {  	_ =	swait.ge [sflag:s5], $0x1400  }
0xa9: {  	s14 =	simm.s32 $0x2800;
	s15 =	smov.u32 s7;
	[sflag:s5] =	ssyncset.done $0x0  }
.LBB2_4:
0xaa: {  	p1 =	sne.s32 s14, $0x23000;
	[sflag:s5] =	ssyncadd.s32 $0xFFFFEC00;
	s15 =	sadd.s32 $0x14000, s15  }
0xab: {  	[tilespmem:s2], [sflag:$0x3] =	stream.linear.gather [spmem:s15], $0x1400, $0x38;
	[tilespmem:$0x1DC80] =	vst v63  }
0xac: {  	s16 =	smov.u32 s14;
	s14 =	sadd.s32 $0x2800, s14;
	_ =	swait.ge [sflag:s5], $0x1400  }
.Ltmp1:
0xad: {  	[sflag:s5] =	ssyncset.done $0x0;
	(pc) =	sbr.rel @p1 .LBB2_4-.Ltmp1, $4  }
0xae: {  	s16 =	sadd.s32 s16, s22;
	[sflag:s5] =	ssyncadd.s32 $0xFFFFEC00  }
0xaf: {  	[hbm4b:s16+s3] =	stream.linear.scatter [tilespmem:s2], [sflag:$0x3], $0x1400, $0x38;
	[tilespmem:$0x1DC80] =	vst v63  }
0xb0: {  	_ =	swait.ge [sflag:s5], $0x1400  }
0xb1: {  	[sflag:s5] =	ssyncset.done $0x0  }
0xb2: {  	[sflag:s5] =	ssyncadd.s32 $0xFFFFEC00;
	s14 =	simm.s32 @!p0 $0x9000;
	s15 =	rddreg [dreg:$0x8]  }
0xb3: {  	[tilespmem:s14], [sflag:$0x3] =	stream.linear.gather @!p0 [spmem:s15], $0x1400, $0x38;
	[tilespmem:$0x1DC80] =	vst v63  }
0xb4: {  	s15 =	simm.s32 @!p0 $0x3  }
0xb5: {  	_ =	swait.ge @!p0 [sflag:s15], $0x1400  }
0xb6: {  	[sflag:s15] =	ssyncset.done @!p0 $0x0  }
0xb7: {  	s16 =	simm.s32 @!p0 $0x0;
	s17 =	rddreg [dreg:$0x9];
	[sflag:s15] =	ssyncadd.s32 @!p0 $0xFFFFEC00  }
0xb8: {  	[hbm4b:s17+s16] =	stream.linear.scatter @!p0 [tilespmem:s14], [sflag:$0x3], $0x1400, $0x38;
	[tilespmem:$0x1DC80] =	vst v63  }
0xb9: {  	_ =	swait.ge @!p0 [sflag:s15], $0x1400  }
0xba: {  	s13 =	sadd.s32 $0x1, s13;
	s18 =	rddreg [dreg:$0xa]  }
0xbb: {  	p1 =	sne.s32 s13, s18  }
.Ltmp2:
0xbc: {  	_ = 	snop;
	(pc) =	sbr.rel @p1 .LBB2_1-.Ltmp2, $3  }
0xbd: {  	_ =	sdelay $0x1  }
0xbe: {  	[sflag:s15] =	ssyncset.done @!p0 $0x0  }
0xbf: {  	[sflag:s15] =	ssyncadd.s32 @!p0 $0xFFFFEC00  }
0xc0: {  	_ =	sfence.sel $0x180000  }
0xc1: {  	[bflag:$0x0] =	sbarrier.arrive $0xFFFF  }
0xc2: {  	_ =	strace $0x9000004A  }
0xc3: {  	s0 =	stileid.u32;
	[bflag:$0x2] =	sbarrier.arrive $0xFFFF  }
0xc4: {  	p0 =	sne.s32 s0, $0x0;
	s0 =	rddreg [dreg:$0x3]  }
0xc5: {  	s0 =	sadd.s32 @!p0 $0x100000, s0  }
0xc6: {  	[sflag:s0] =	ssyncadd.tile.s32 @!p0 $0x1;
	_ =	shalt  }
.Lfunc_end2:
_tile_overlayer_lowered:
.L_overlay_start_2:
0xc7: {  	(tag) =	ssettag $0x2  }
0xc8: {  	s0 =	rddreg [dreg:$0x0];
	s2 =	stileid.u32  }
0xc9: {  	s1 =	rddreg [dreg:$0x1];
	p0 =	sne.s32 s2, $0x0  }
0xca: {  	s3 =	rddreg [dreg:$0x2];
	[bflag:$0x3] =	sbarrier.arrive $0xFFFF;
	s2 =	simm.s32 @!p0 $0x1C03  }
0xcb: {  	[timem:s3], [sflag:s2] =	dma.local @!p0 [hbm:s0], s1  }
0xcc: {  	s0 =	simm.s32 @!p0 $0x3  }
0xcd: {  	_ =	swait.ge @!p0 [sflag:s0], s1  }
0xce: {  	s1 =	ssub.s32 @!p0 $0x0, s1;
	[sflag:s0] =	ssyncset.done @!p0 $0x0  }
0xcf: {  	[sflag:s0] =	ssyncadd.s32 @!p0 s1  }
0xd0: {  	[bflag:$0x3] =	sbarrier.arrive $0xFFFF  }
0xd1: {  	_ =	shalt  }

// kernel: kernel.14.cloned.1.call-start
scs
__scs_entry_jumppad:
0x0: {  	(pc) =	sbr.rel $0x88, $3  }
0x1: {  	(tag) =	ssettag $0x0;
	lr =	simm.s32 $0x1  }
0x2: {  	[smem:$0x3F8F] =	sst lr;
	_ =	strace $0xD0000000  }
0x3: {  	_ = 	snop  }
0x4: {  	_ = 	snop  }
0x5: {  	_ = 	snop  }
0x6: {  	_ = 	snop  }
0x7: {  	_ = 	snop  }
__scs_overlays_trampoline_lowered:
0x8: {  	[smem:$0x3F9E] =	sst s0  }
0x9: {  	[smem:$0x3F9F] =	sst s1  }
0xa: {  	[smem:$0x3FA0] =	sst s2  }
0xb: {  	[smem:$0x3FA1] =	sst s3  }
0xc: {  	[smem:$0x3FA2] =	sst s4  }
0xd: {  	[smem:$0x3FA3] =	sst s5  }
0xe: {  	[smem:$0x3FA4] =	sst s6  }
0xf: {  	[smem:$0x3FA5] =	sst s7  }
0x10: {  	[smem:$0x3FA6] =	sst s8  }
0x11: {  	[smem:$0x3FA7] =	sst s9;
	s0 =	simm.s32 @!p0 $0x0  }
0x12: {  	s1 =	sld [smem:$0x3F8D];
	s0 =	simm.s32 @p0 $0x1  }
0x13: {  	[smem:$0x3FA8] =	sst s0;
	s0 =	simm.s32 @!p1 $0x0  }
0x14: {  	s2 =	sld [smem:$0x3F8C];
	s0 =	simm.s32 @p1 $0x1  }
0x15: {  	[smem:$0x3FA9] =	sst s0;
	s0 =	simm.s32 @!p2 $0x0  }
0x16: {  	s3 =	sld [smem:$0x3FDB];
	s0 =	simm.s32 @p2 $0x1  }
0x17: {  	s4 =	simm.s32 $0x1BF5;
	[smem:$0x3FAB] =	sst s0  }
0x18: {  	s0 =	sld [smem:$0x3F8E];
	_ =	swait.ge [sflag:s4], $0x0  }
0x19: {  	s7 =	sld [smem:$0x3F8F]  }
0x1a: {  	s8 =	sadd.s32 $0xFFFFE003, lr  }
0x1b: {  	s9 =	sadd.s32 $0xFFFFFEF7, lr;
	s5 =	simm.s32 $0xFFFFFFFF;
	p2 =	slt.u32 s8, $0xFFFFF086  }
0x1c: {  	p1 =	slt.u32 s9, $0xF7A;
	s5 =	simm.s32 @!p2 $0x0  }
0x1d: {  	s5 =	simm.s32 @p1 $0x1;
	p0 =	seq.s32 s7, s2  }
0x1e: {  	s7 =	smul.u32 @!p0 $0xF7A, s2;
	p2 =	seq.s32 @!p0 s5, $0x0  }
0x1f: {  	s9 =	smul.u32 $0xF7A, s1;
	s8 =	simm.s32 @!p0 $0x1BF5;
	p2 =	por !p2, p0  }
0x20: {  	[sflag:s8] =	ssyncset.s32 @!p0 $0xFFFFF086;
	s6 =	sadd.s32 @!p0 s3, s7;
	s7 =	simm.s32 @!p0 $0x108  }
0x21: {  	s3 =	sadd.s32 s3, s9;
	s6 =	sadd.s32 @!p0 $0x88, s6;
	s7 =	simm.s32 @p2 $0x1082  }
0x22: {  	[simem:s7], [sflag:s8] =	dma.local @!p0 [hbm:s6], $0xF7A  }
0x23: {  	s9 =	sor.u32 $0xD0000000, s2;
	s6 =	simm.s32 $0x108;
	_ =	swait.ge @!p0 [sflag:s8], $0x0  }
0x24: {  	s3 =	sadd.s32 $0x88, s3;
	s6 =	simm.s32 @!p1 $0x1082;
	[sflag:s4] =	ssyncset.s32 $0xFFFFF086  }
0x25: {  	[simem:s6], [sflag:s4] =	dma.local [hbm:s3], $0xF7A  }
0x26: {  	[smem:$0x3F8F] =	sst s1;
	(tag) =	ssettag s2;
	_ =	strace s9  }
0x27: {  	s1 =	sld [smem:$0x3F9F]  }
0x28: {  	s2 =	sld [smem:$0x3FA0]  }
0x29: {  	s4 =	sld [smem:$0x3FA2]  }
0x2a: {  	p0 =	seq.s32 s5, $0x0;
	s5 =	sld [smem:$0x3FA3]  }
0x2b: {  	s6 =	sld [smem:$0x3FA4]  }
0x2c: {  	s7 =	sld [smem:$0x3FA5]  }
0x2d: {  	s3 =	simm.s32 $0x108;
	s8 =	sld [smem:$0x3FA6]  }
0x2e: {  	s3 =	simm.s32 @!p0 $0x1082;
	s9 =	sld [smem:$0x3FA7]  }
0x2f: {  	lr =	sadd.s32 s0, s3;
	s0 =	sld [smem:$0x3F9E]  }
0x30: {  	s3 =	sld [smem:$0x3FA1]  }
0x31: {  	[smem:$0x3FAA] =	sst s10  }
0x32: {  	s10 =	sld [smem:$0x3FA8];
	_ =	sdelay $0x3  }
0x33: {  	p0 =	seq.s32 s10, $0x1;
	s10 =	sld [smem:$0x3FAA];
	_ =	sdelay $0x3  }
0x34: {  	[smem:$0x3FAA] =	sst s10  }
0x35: {  	s10 =	sld [smem:$0x3FA9];
	_ =	sdelay $0x3  }
0x36: {  	p1 =	seq.s32 s10, $0x1;
	s10 =	sld [smem:$0x3FAA];
	_ =	sdelay $0x3  }
0x37: {  	[smem:$0x3FAA] =	sst s10  }
0x38: {  	s10 =	sld [smem:$0x3FAB]  }
0x39: {  	_ = 	snop;
	(pc) =	sbr.ind lr, $3  }
0x3a: {  	_ = 	snop  }
0x3b: {  	_ = 	snop  }
0x3c: {  	p2 =	seq.s32 s10, $0x1;
	s10 =	sld [smem:$0x3FAA]  }
0x3d: {  	_ =	shalt  }
0x3e: {  	_ =	shalt  }
0x3f: {  	_ =	shalt  }
0x40: {  	_ =	shalt  }
0x41: {  	_ =	shalt  }
0x42: {  	_ =	shalt  }
0x43: {  	_ =	shalt  }
0x44: {  	_ =	shalt  }
0x45: {  	_ =	shalt  }
0x46: {  	_ =	shalt  }
0x47: {  	_ =	shalt  }
0x48: {  	_ =	shalt  }
0x49: {  	_ =	shalt  }
0x4a: {  	_ =	shalt  }
0x4b: {  	_ =	shalt  }
0x4c: {  	_ =	shalt  }
0x4d: {  	_ =	shalt  }
0x4e: {  	_ =	shalt  }
0x4f: {  	_ =	shalt  }
0x50: {  	_ =	shalt  }
0x51: {  	_ =	shalt  }
0x52: {  	_ =	shalt  }
0x53: {  	_ =	shalt  }
0x54: {  	_ =	shalt  }
0x55: {  	_ =	shalt  }
0x56: {  	_ =	shalt  }
0x57: {  	_ =	shalt  }
0x58: {  	_ =	shalt  }
0x59: {  	_ =	shalt  }
0x5a: {  	_ =	shalt  }
0x5b: {  	_ =	shalt  }
0x5c: {  	_ =	shalt  }
0x5d: {  	_ =	shalt  }
0x5e: {  	_ =	shalt  }
0x5f: {  	_ =	shalt  }
0x60: {  	_ =	shalt  }
0x61: {  	_ =	shalt  }
0x62: {  	_ =	shalt  }
0x63: {  	_ =	shalt  }
0x64: {  	_ =	shalt  }
0x65: {  	_ =	shalt  }
0x66: {  	_ =	shalt  }
0x67: {  	_ =	shalt  }
0x68: {  	_ =	shalt  }
0x69: {  	_ =	shalt  }
0x6a: {  	_ =	shalt  }
0x6b: {  	_ =	shalt  }
0x6c: {  	_ =	shalt  }
0x6d: {  	_ =	shalt  }
0x6e: {  	_ =	shalt  }
0x6f: {  	_ =	shalt  }
0x70: {  	_ =	shalt  }
0x71: {  	_ =	shalt  }
0x72: {  	_ =	shalt  }
0x73: {  	_ =	shalt  }
0x74: {  	_ =	shalt  }
0x75: {  	_ =	shalt  }
0x76: {  	_ =	shalt  }
0x77: {  	_ =	shalt  }
0x78: {  	_ =	shalt  }
0x79: {  	_ =	shalt  }
0x7a: {  	_ =	shalt  }
0x7b: {  	_ =	shalt  }
0x7c: {  	_ =	shalt  }
0x7d: {  	_ =	shalt  }
0x7e: {  	_ =	shalt  }
0x7f: {  	_ =	shalt  }
0x80: {  	_ =	shalt  }
0x81: {  	_ =	shalt  }
0x82: {  	_ =	shalt  }
0x83: {  	_ =	shalt  }
0x84: {  	_ =	shalt  }
0x85: {  	_ =	shalt  }
0x86: {  	_ =	shalt  }
0x87: {  	_ =	shalt  }
.Lfunc_end0:
.L_simem_size_0:
called_computation.2_lowered:
.L_overlay_start_0:
0x88: {  	s2 =	sld [smem:$0x3FD9]  }
0x89: {  	s3 =	sld [smem:$0x3FFE];
	_ =	sdelay $0x1  }
0x8a: {  	s1 =	srdreg.scid  }
0x8b: {  	s0 =	sand.u32 $0x1, s1  }
0x8c: {  	s17 =	sshll.u32 s0, $0xA;
	s2 =	sadd.s32 s3, s2  }
0x8d: {  	s2 =	sadd.s32 s2, s17  }
0x8e: {  	[smem:$0x3FB6] =	sst s2  }
0x8f: {  	_ = 	snop  }
0x90: {  	(tm) =	ssettm $0x1  }
0x91: {  	s18 =	sld [smem:$0x3FFB];
	_ =	sdelay $0x3  }
0x92: {  	_ =	strace s18  }
0x93: {  	s2 =	sld [smem:$0x3FFC];
	_ =	sdelay $0x3  }
0x94: {  	_ =	strace s2  }
0x95: {  	s2 =	sld [smem:$0x3FFD];
	_ =	sdelay $0x3  }
0x96: {  	_ =	strace s2  }
0x97: {  	_ =	strace $0x8FFFFFFF  }
0x98: {  	s19 =	sld [smem:$0x3FDB];
	_ =	sdelay $0x1  }
0x99: {  	s20 =	simm.s32 $_scs_section_size  }
0x9a: {  	s4 =	simm.s32 $_size__tile_overlayer_lowered;
	s5 =	simm.s32 $_tile_overlayer_lowered  }
0x9b: {  	s6 =	simm.s32 $0x1BFF;
	s21 =	sshll.u32 s5, $0x1;
	s3 =	sadd.s32 s20, s19  }
0x9c: {  	s22 =	simm.s32 $0x0;
	s4 =	sshll.u32 s4, $0x1;
	s5 =	sadd.s32 s21, s3  }
0x9d: {  	[timem:s22], [sflag:s6] =	dma.local [hbm:s5], s4  }
0x9e: {  	_ =	swait.ge [sflag:s6], s4  }
0x9f: {  	s4 =	ssub.s32 $0x0, s4;
	[sflag:s6] =	ssyncset.done $0x0  }
0xa0: {  	[sflag:s6] =	ssyncadd.s32 s4;
	_ =	sdelay $0x1  }
0xa1: {  	s23 =	simm.s32 $0x1B8B  }
0xa2: {  	_ =	swait.ge [sflag:s23], $0x1  }
0xa3: {  	[sflag:s23] =	ssyncset.done $0x0  }
0xa4: {  	[sflag:s23] =	ssyncadd.s32 $0xFFFFFFFF  }
0xa5: {  	s4 =	sld [smem:$0x0]  }
0xa6: {  	s5 =	sand.u32 $0xFFFFFFFE, s1  }
0xa7: {  	p0 =	sne.s32 s1, s5  }
0xa8: {  	s5 =	sshll.u32 @p0 s5, $0xE  }
0xa9: {  	s5 =	sadd.s32 @p0 $0x11B8D, s5;
	s6 =	sshll.u32 @p0 s4, $0x11  }
0xaa: {  	s5 =	sor.u32 @p0 s6, s5  }
0xab: {  	[sflag:s5] =	ssyncadd.remote.s32 @p0 $0x1;
	_ =	sdelay $0x1  }
0xac: {  	s5 =	simm.s32 @p0 $0x1B8D  }
0xad: {  	_ =	swait.eq @p0 [sflag:s5], $0x1  }
0xae: {  	[sflag:s5] =	ssyncadd.s32 @p0 $0xFFFFFFFF  }
0xaf: {  	s6 =	sshll.u32 @!p0 s1, $0xE  }
0xb0: {  	s6 =	sor.u32 @!p0 $0x4000, s6;
	s5 =	simm.s32 @!p0 $0x1B8D  }
0xb1: {  	s4 =	sshll.u32 @!p0 s4, $0x11;
	s6 =	sadd.s32 @!p0 $0x11B8D, s6;
	_ =	swait.eq @!p0 [sflag:s5], $0x1  }
0xb2: {  	s4 =	sor.u32 @!p0 s4, s6;
	[sflag:s5] =	ssyncadd.s32 @!p0 $0xFFFFFFFF  }
0xb3: {  	s25 =	simm.s32 $0x1B8E;
	s24 =	sld [smem:$0x3FFE];
	[sflag:s4] =	ssyncadd.remote.s32 @!p0 $0x1  }
0xb4: {  	s26 =	simm.s32 $execute0_lowered;
	[smem:$0x3FD2] =	sst s25  }
0xb5: {  	s5 =	sshll.u32 s26, $0x1;
	_ =	strace $0x8000004C;
	[dreg:$0x1] =	wrdreg $0xFFFFFFFF  }
0xb6: {  	s28 =	simm.s32 $_size_execute0_lowered;
	s3 =	sadd.s32 s3, s5;
	[dreg:$0x0] =	wrdreg $0x0  }
0xb7: {  	s5 =	sshll.u32 s28, $0x1;
	[dreg:$0x2] =	wrdreg s3  }
0xb8: {  	[dreg:$0x3] =	wrdreg s5  }
0xb9: {  	[dreg:$0x4] =	wrdreg $0xC0  }
0xba: {  	_ =	task [dreg:s22], $0x5FFFF  }
0xbb: {  	[dreg:$0x1] =	wrdreg $0xFFFFFFFF  }
0xbc: {  	[dreg:$0x0] =	wrdreg $0x60  }
0xbd: {  	[dreg:$0x2] =	wrdreg s24  }
0xbe: {  	[dreg:$0x3] =	wrdreg $0x68000  }
0xbf: {  	[dreg:$0x4] =	wrdreg $0xA  }
0xc0: {  	_ =	task.clear_ibuf [dreg:s22], $0x5FFFF;
	_ =	strace $0x9000004C  }
0xc1: {  	s29 =	simm.s32 $0xA;
	_ =	strace $0x8000004E  }
0xc2: {  	_ =	swait.ge [sflag:s29], $0x1  }
0xc3: {  	[sflag:s29] =	ssyncadd.s32 $0xFFFFFFFF  }
0xc4: {  	_ =	strace $0x9000004E  }
0xc5: {  	_ =	sfence  }
0xc6: {  	s30 =	sld [smem:$0x0];
	_ =	sdelay $0x2  }
0xc7: {  	s31 =	sshll.u32 s1, $0xD;
	s1 =	sshrl.u32 s1, $0x2  }
0xc8: {  	s4 =	sand.u32 $0x4000, s31;
	s1 =	sadd.s32 s1, s30  }
0xc9: {  	s0 =	sor.u32 s4, s0;
	s1 =	sshll.u32 s1, $0x11  }
0xca: {  	s0 =	sor.u32 s1, s0  }
0xcb: {  	s0 =	sadd.s32 $0x8F2B, s0  }
0xcc: {  	[sflag:s0] =	ssyncadd.remote.s32 $0x1  }
0xcd: {  	_ =	sfence.sel $0xFFFF  }
0xce: {  	[dreg:$0x0] =	wrdreg $0xFFFFFFFF;
	(pc) =	sbr.abs _section_cstart, $3  }
0xcf: {  	[dreg:$0x1] =	wrdreg $0xFFFFFFFF  }
0xd0: {  	_ =	task.clear_ibuf [dreg:s22], $0x2FFFF;
	_ =	strace $0x9FFFFFFF  }
0xd1: {  	(tm) =	ssettm $0x7FFFFFFF  }
tec
execute0_lowered:
.L_overlay_start_1:
0x0: {  	(tag) =	ssettag $0x1  }
0x1: {  	s0 =	rddreg [dreg:$0x0]  }
0x2: {  	s2 =	rddreg [dreg:$0x1]  }
0x3: {  	s3 =	simm.s32 $0x0;
	s5 =	stileid.u32;
	s4 =	srdreg.scid  }
0x4: {  	s28 =	simm.s32 $0x5400;
	s29 =	simm.s32 $0x1;
	s30 =	simm.s32 $0x4000  }
0x5: {  	s31 =	simm.s32 $0x28;
	[smem:$0x7FF] =	sst s3;
	s1 =	sshll.u32 s5, $0xB  }
0x6: {  	s6 =	sadd.s32 $0x4400, s0;
	s4 =	sand.u32 $0x1, s4;
	s19 =	smul.u32 $0x5000, s5  }
0x7: {  	s7 =	sadd.s32 $0x14800, s0;
	s22 =	smul.u32 $0x1400, s5;
	p0 =	sgt.u32 s5, $0x9  }
0x8: {  	_ =	strace $0x8000004D;
	s1 =	sadd.s32 s1, s0;
	[dreg:$0x3] =	wrdreg s6  }
0x9: {  	[dreg:$0x4] =	wrdreg s7;
	s20 =	ssub.s32 $0x2, s4;
	s0 =	sadd.s32 $0x14C00, s0  }
0xa: {  	s23 =	smul.u32 $0x138800, s4;
	s4 =	sshll.u32 s4, $0xF;
	s8 =	sshrl.u32 s20, $0x1  }
0xb: {  	s9 =	sadd.s32 $0x12C000, s22;
	s1 =	sadd.s32 s4, s1;
	s21 =	sshrl.u32 s19, $0x2  }
0xc: {  	s7 =	ssub.s32 s20, s8;
	s24 =	sadd.s32 s23, s9;
	s6 =	sadd.s32 $0x4800, s1  }
0xd: {  	s4 =	sadd.s32 s21, s2;
	s9 =	sadd.s32 s9, s2;
	s26 =	sadd.s32 s22, s23  }
0xe: {  	s25 =	sshrl.u32 s24, $0x3;
	s8 =	sadd.s32 $0x12C000, s4;
	s11 =	smax.u32 s7, $0x1  }
0xf: {  	s12 =	sadd.s32 $0x14000, s4;
	s13 =	sadd.s32 $0x28000, s4;
	s14 =	sadd.s32 $0x3C000, s4  }
0x10: {  	s15 =	sadd.s32 $0x50000, s4;
	s16 =	sadd.s32 $0x64000, s4;
	s17 =	sadd.s32 $0x78000, s4  }
0x11: {  	s18 =	sadd.s32 $0x8C000, s4;
	s19 =	sadd.s32 $0xA0000, s4;
	s20 =	sadd.s32 $0xB4000, s4  }
0x12: {  	s21 =	sadd.s32 $0xC8000, s4;
	s22 =	sadd.s32 $0xDC000, s4;
	s23 =	sadd.s32 $0xF0000, s4  }
0x13: {  	s1 =	sshrl.u32 s26, $0x3;
	s26 =	sadd.s32 $0x118000, s4;
	s10 =	sadd.s32 s0, s25  }
0x14: {  	s24 =	sadd.s32 s1, s0;
	s25 =	sadd.s32 $0x104000, s4;
	s0 =	simm.s32 $0x0  }
.LBB2_1:
0x15: {  	s1 =	rddreg [dreg:$0x3]  }
0x16: {  	[tilespmem:s28], [sflag:$0x1] =	stream.linear.gather [hbm4b:s1+s3], $0x1400, $0x38;
	[tilespmem:$0x1A080] =	vst v63  }
0x17: {  	_ =	swait.ge [sflag:s29], $0x1400  }
0x18: {  	[sflag:s29] =	ssyncset.done $0x0  }
0x19: {  	s5 =	rddreg [dreg:$0x4];
	[sflag:s29] =	ssyncadd.s32 $0xFFFFEC00  }
0x1a: {  	[tilespmem:s30], [sflag:$0x1] =	stream.linear.gather [hbm4b:s5+s3], $0x1400, $0x38;
	[tilespmem:$0x1A080] =	vst v63  }
0x1b: {  	_ =	swait.ge [sflag:s29], $0x1400  }
0x1c: {  	[sflag:s29] =	ssyncset.done $0x0  }
0x1d: {  	[sflag:s29] =	ssyncadd.s32 $0xFFFFEC00  }
0x1e: {  	[tilespmem:s3], [sflag:$0x1] =	stream.linear.gather [hbm4b:s6+s3], $0x3E80, $0x38;
	[tilespmem:$0x1A080] =	vst v63  }
0x1f: {  	_ =	swait.ge [sflag:s29], $0x3E80  }
0x20: {  	[sflag:s29] =	ssyncset.done $0x0  }
0x21: {  	[sflag:s29] =	ssyncadd.s32 $0xFFFFC180  }
0x22: {  	[spmem:s4] =	stream.linear.scatter [tilespmem:s28], [sflag:$0x1], $0x1400, $0x38;
	[tilespmem:$0x1A080] =	vst v63  }
0x23: {  	_ =	swait.ge [sflag:s29], $0x1400  }
0x24: {  	[sflag:s29] =	ssyncset.done $0x0  }
0x25: {  	[sflag:s29] =	ssyncadd.s32 $0xFFFFEC00  }
0x26: {  	[spmem:s12] =	stream.linear.scatter [tilespmem:s28], [sflag:$0x1], $0x1400, $0x38;
	[tilespmem:$0x1A080] =	vst v63  }
0x27: {  	_ =	swait.ge [sflag:s29], $0x1400  }
0x28: {  	[sflag:s29] =	ssyncset.done $0x0  }
0x29: {  	[sflag:s29] =	ssyncadd.s32 $0xFFFFEC00  }
0x2a: {  	[spmem:s13] =	stream.linear.scatter [tilespmem:s28], [sflag:$0x1], $0x1400, $0x38;
	[tilespmem:$0x1A080] =	vst v63  }
0x2b: {  	_ =	swait.ge [sflag:s29], $0x1400  }
0x2c: {  	[sflag:s29] =	ssyncset.done $0x0  }
0x2d: {  	[sflag:s29] =	ssyncadd.s32 $0xFFFFEC00  }
0x2e: {  	[spmem:s14] =	stream.linear.scatter [tilespmem:s28], [sflag:$0x1], $0x1400, $0x38;
	[tilespmem:$0x1A080] =	vst v63  }
0x2f: {  	_ =	swait.ge [sflag:s29], $0x1400  }
0x30: {  	[sflag:s29] =	ssyncset.done $0x0  }
0x31: {  	[sflag:s29] =	ssyncadd.s32 $0xFFFFEC00  }
0x32: {  	[spmem:s15] =	stream.linear.scatter [tilespmem:s28], [sflag:$0x1], $0x1400, $0x38;
	[tilespmem:$0x1A080] =	vst v63  }
0x33: {  	_ =	swait.ge [sflag:s29], $0x1400  }
0x34: {  	[sflag:s29] =	ssyncset.done $0x0  }
0x35: {  	[sflag:s29] =	ssyncadd.s32 $0xFFFFEC00  }
0x36: {  	[spmem:s16] =	stream.linear.scatter [tilespmem:s28], [sflag:$0x1], $0x1400, $0x38;
	[tilespmem:$0x1A080] =	vst v63  }
0x37: {  	_ =	swait.ge [sflag:s29], $0x1400  }
0x38: {  	[sflag:s29] =	ssyncset.done $0x0  }
0x39: {  	[sflag:s29] =	ssyncadd.s32 $0xFFFFEC00  }
0x3a: {  	[spmem:s17] =	stream.linear.scatter [tilespmem:s28], [sflag:$0x1], $0x1400, $0x38;
	[tilespmem:$0x1A080] =	vst v63  }
0x3b: {  	_ =	swait.ge [sflag:s29], $0x1400  }
0x3c: {  	[sflag:s29] =	ssyncset.done $0x0  }
0x3d: {  	[sflag:s29] =	ssyncadd.s32 $0xFFFFEC00  }
0x3e: {  	[spmem:s18] =	stream.linear.scatter [tilespmem:s28], [sflag:$0x1], $0x1400, $0x38;
	[tilespmem:$0x1A080] =	vst v63  }
0x3f: {  	_ =	swait.ge [sflag:s29], $0x1400  }
0x40: {  	[sflag:s29] =	ssyncset.done $0x0  }
0x41: {  	[sflag:s29] =	ssyncadd.s32 $0xFFFFEC00  }
0x42: {  	[spmem:s19] =	stream.linear.scatter [tilespmem:s28], [sflag:$0x1], $0x1400, $0x38;
	[tilespmem:$0x1A080] =	vst v63  }
0x43: {  	_ =	swait.ge [sflag:s29], $0x1400  }
0x44: {  	[sflag:s29] =	ssyncset.done $0x0  }
0x45: {  	[sflag:s29] =	ssyncadd.s32 $0xFFFFEC00  }
0x46: {  	[spmem:s20] =	stream.linear.scatter [tilespmem:s28], [sflag:$0x1], $0x1400, $0x38;
	[tilespmem:$0x1A080] =	vst v63  }
0x47: {  	_ =	swait.ge [sflag:s29], $0x1400  }
0x48: {  	[sflag:s29] =	ssyncset.done $0x0  }
0x49: {  	[sflag:s29] =	ssyncadd.s32 $0xFFFFEC00  }
0x4a: {  	[spmem:s21] =	stream.linear.scatter [tilespmem:s28], [sflag:$0x1], $0x1400, $0x38;
	[tilespmem:$0x1A080] =	vst v63  }
0x4b: {  	_ =	swait.ge [sflag:s29], $0x1400  }
0x4c: {  	[sflag:s29] =	ssyncset.done $0x0  }
0x4d: {  	[sflag:s29] =	ssyncadd.s32 $0xFFFFEC00  }
0x4e: {  	[spmem:s22] =	stream.linear.scatter [tilespmem:s28], [sflag:$0x1], $0x1400, $0x38;
	[tilespmem:$0x1A080] =	vst v63  }
0x4f: {  	_ =	swait.ge [sflag:s29], $0x1400  }
0x50: {  	[sflag:s29] =	ssyncset.done $0x0  }
0x51: {  	[sflag:s29] =	ssyncadd.s32 $0xFFFFEC00  }
0x52: {  	[spmem:s23] =	stream.linear.scatter [tilespmem:s28], [sflag:$0x1], $0x1400, $0x38;
	[tilespmem:$0x1A080] =	vst v63  }
0x53: {  	_ =	swait.ge [sflag:s29], $0x1400  }
0x54: {  	[sflag:s29] =	ssyncset.done $0x0  }
0x55: {  	[sflag:s29] =	ssyncadd.s32 $0xFFFFEC00  }
0x56: {  	[spmem:s25] =	stream.linear.scatter [tilespmem:s28], [sflag:$0x1], $0x1400, $0x38;
	[tilespmem:$0x1A080] =	vst v63  }
0x57: {  	_ =	swait.ge [sflag:s29], $0x1400  }
0x58: {  	[sflag:s29] =	ssyncset.done $0x0  }
0x59: {  	[sflag:s29] =	ssyncadd.s32 $0xFFFFEC00  }
0x5a: {  	[spmem:s26] =	stream.linear.scatter [tilespmem:s28], [sflag:$0x1], $0x1400, $0x38;
	[tilespmem:$0x1A080] =	vst v63  }
0x5b: {  	_ =	swait.ge [sflag:s29], $0x1400  }
0x5c: {  	[sflag:s29] =	ssyncset.done $0x0  }
0x5d: {  	s1 =	simm.s32 @!p0 $0x5400;
	[sflag:s29] =	ssyncadd.s32 $0xFFFFEC00  }
0x5e: {  	[spmem:s8] =	stream.linear.scatter @!p0 [tilespmem:s1], [sflag:$0x1], $0x1400, $0x38;
	[tilespmem:$0x1A080] =	vst v63  }
0x5f: {  	s1 =	simm.s32 @!p0 $0x1  }
0x60: {  	_ =	swait.ge @!p0 [sflag:s1], $0x1400  }
0x61: {  	[sflag:s1] =	ssyncset.done @!p0 $0x0  }
0x62: {  	[sflag:s1] =	ssyncadd.s32 @!p0 $0xFFFFEC00  }
0x63: {  	s7 =	simm.s32 $0x0;
	[bflag:$0x0] =	sbarrier.arrive $0xFFFF  }
0x64: {  	[spmem:s2] =	stream.indirect.scatter.add.f32 [tilespmem:s30], [sflag:$0x1], $0x80, s7, s31, $0xb8;
	[tilespmem:$0x1A080] =	vst v63  }
0x65: {  	_ =	swait.ge [sflag:s29], $0x1400  }
0x66: {  	s1 =	simm.s32 $0x200;
	[sflag:s29] =	ssyncset.done $0x0  }
.LBB2_2:
0x67: {  	s7 =	sshra.s32 s1, $0x2;
	[sflag:s29] =	ssyncadd.s32 $0xFFFFEC00;
	p1 =	sne.s32 s1, $0xF800  }
0x68: {  	[spmem:s2] =	stream.indirect.scatter.add.f32 [tilespmem:s30], [sflag:$0x1], $0x80, s7, s31, $0xb8;
	[tilespmem:$0x1A080] =	vst v63  }
.Ltmp0:
0x69: {  	_ = 	snop;
	(pc) =	sbr.rel @p1 .LBB2_2-.Ltmp0, $4  }
0x6a: {  	_ = 	snop  }
0x6b: {  	s1 =	sadd.s32 $0x200, s1  }
0x6c: {  	_ =	swait.ge [sflag:s29], $0x1400  }
0x6d: {  	[sflag:s29] =	ssyncset.done $0x0  }
0x6e: {  	[sflag:s29] =	ssyncadd.s32 $0xFFFFEC00  }
0x6f: {  	[bflag:$0x0] =	sbarrier.arrive $0xFFFF  }
0x70: {  	[tilespmem:s28], [sflag:$0x1] =	stream.linear.gather [spmem:s4], $0x1400, $0x38;
	[tilespmem:$0x1A080] =	vst v63  }
0x71: {  	_ =	swait.ge [sflag:s29], $0x1400  }
0x72: {  	[sflag:s29] =	ssyncset.done $0x0  }
0x73: {  	s1 =	sadd.s32 $0x0, s24;
	[sflag:s29] =	ssyncadd.s32 $0xFFFFEC00  }
0x74: {  	[hbm4b:s1+s3] =	stream.linear.scatter [tilespmem:s28], [sflag:$0x1], $0x1400, $0x38;
	[tilespmem:$0x1A080] =	vst v63  }
0x75: {  	_ =	swait.ge [sflag:s29], $0x1400  }
0x76: {  	s7 =	smov.u32 s4;
	s1 =	simm.s32 $0x2800;
	[sflag:s29] =	ssyncset.done $0x0  }
.LBB2_4:
0x77: {  	p1 =	sne.s32 s1, $0x23000;
	[sflag:s29] =	ssyncadd.s32 $0xFFFFEC00;
	s7 =	sadd.s32 $0x14000, s7  }
0x78: {  	[tilespmem:s28], [sflag:$0x1] =	stream.linear.gather [spmem:s7], $0x1400, $0x38;
	[tilespmem:$0x1A080] =	vst v63  }
0x79: {  	s5 =	smov.u32 s1;
	s1 =	sadd.s32 $0x2800, s1;
	_ =	swait.ge [sflag:s29], $0x1400  }
.Ltmp1:
0x7a: {  	[sflag:s29] =	ssyncset.done $0x0;
	(pc) =	sbr.rel @p1 .LBB2_4-.Ltmp1, $4  }
0x7b: {  	s5 =	sadd.s32 s5, s24;
	[sflag:s29] =	ssyncadd.s32 $0xFFFFEC00  }
0x7c: {  	[hbm4b:s5+s3] =	stream.linear.scatter [tilespmem:s28], [sflag:$0x1], $0x1400, $0x38;
	[tilespmem:$0x1A080] =	vst v63  }
0x7d: {  	_ =	swait.ge [sflag:s29], $0x1400  }
0x7e: {  	[sflag:s29] =	ssyncset.done $0x0  }
0x7f: {  	[sflag:s29] =	ssyncadd.s32 $0xFFFFEC00;
	s1 =	simm.s32 @!p0 $0x5400;
	s5 =	simm.s32 @!p0 $0x1  }
0x80: {  	[tilespmem:s1], [sflag:$0x1] =	stream.linear.gather @!p0 [spmem:s9], $0x1400, $0x38;
	[tilespmem:$0x1A080] =	vst v63  }
0x81: {  	s0 =	sadd.s32 $0x1, s0;
	_ =	swait.ge @!p0 [sflag:s5], $0x1400  }
0x82: {  	p1 =	sne.s32 s0, s11;
	[sflag:s5] =	ssyncset.done @!p0 $0x0  }
.Ltmp2:
0x83: {  	s7 =	simm.s32 @!p0 $0x0;
	[sflag:s5] =	ssyncadd.s32 @!p0 $0xFFFFEC00;
	(pc) =	sbr.rel @p1 .LBB2_1-.Ltmp2, $4  }
0x84: {  	[hbm4b:s10+s7] =	stream.linear.scatter @!p0 [tilespmem:s1], [sflag:$0x1], $0x1400, $0x38;
	[tilespmem:$0x1A080] =	vst v63  }
0x85: {  	_ =	swait.ge @!p0 [sflag:s5], $0x1400  }
0x86: {  	[sflag:s5] =	ssyncset.done @!p0 $0x0  }
0x87: {  	[sflag:s5] =	ssyncadd.s32 @!p0 $0xFFFFEC00  }
0x88: {  	_ =	sfence.sel $0x180000  }
0x89: {  	[bflag:$0x0] =	sbarrier.arrive $0xFFFF  }
0x8a: {  	_ =	strace $0x9000004D  }
0x8b: {  	s0 =	stileid.u32;
	[bflag:$0x2] =	sbarrier.arrive $0xFFFF  }
0x8c: {  	p0 =	sne.s32 s0, $0x0;
	s0 =	rddreg [dreg:$0x2]  }
0x8d: {  	s0 =	sadd.s32 @!p0 $0x100000, s0  }
0x8e: {  	[sflag:s0] =	ssyncadd.tile.s32 @!p0 $0x1;
	_ =	shalt  }
.Lfunc_end2:
_tile_overlayer_lowered:
.L_overlay_start_2:
0x8f: {  	(tag) =	ssettag $0x2  }
0x90: {  	s0 =	rddreg [dreg:$0x0];
	s2 =	stileid.u32  }
0x91: {  	s1 =	rddreg [dreg:$0x1];
	p0 =	sne.s32 s2, $0x0  }
0x92: {  	s3 =	rddreg [dreg:$0x2];
	[bflag:$0x3] =	sbarrier.arrive $0xFFFF;
	s2 =	simm.s32 @!p0 $0x1C01  }
0x93: {  	[timem:s3], [sflag:s2] =	dma.local @!p0 [hbm:s0], s1  }
0x94: {  	s0 =	simm.s32 @!p0 $0x1  }
0x95: {  	_ =	swait.ge @!p0 [sflag:s0], s1  }
0x96: {  	s1 =	ssub.s32 @!p0 $0x0, s1;
	[sflag:s0] =	ssyncset.done @!p0 $0x0  }
0x97: {  	[sflag:s0] =	ssyncadd.s32 @!p0 s1  }
0x98: {  	[bflag:$0x3] =	sbarrier.arrive $0xFFFF  }
0x99: {  	_ =	shalt  }

// kernel: kernel.8.cloned.1.call-start
scs
__scs_entry_jumppad:
0x0: {  	(pc) =	sbr.rel $0x88, $3  }
0x1: {  	(tag) =	ssettag $0x0;
	lr =	simm.s32 $0x1  }
0x2: {  	[smem:$0x3F8F] =	sst lr;
	_ =	strace $0xD0000000  }
0x3: {  	_ = 	snop  }
0x4: {  	_ = 	snop  }
0x5: {  	_ = 	snop  }
0x6: {  	_ = 	snop  }
0x7: {  	_ = 	snop  }
__scs_overlays_trampoline_lowered:
0x8: {  	[smem:$0x3F9E] =	sst s0  }
0x9: {  	[smem:$0x3F9F] =	sst s1  }
0xa: {  	[smem:$0x3FA0] =	sst s2  }
0xb: {  	[smem:$0x3FA1] =	sst s3  }
0xc: {  	[smem:$0x3FA2] =	sst s4  }
0xd: {  	[smem:$0x3FA3] =	sst s5  }
0xe: {  	[smem:$0x3FA4] =	sst s6  }
0xf: {  	[smem:$0x3FA5] =	sst s7  }
0x10: {  	[smem:$0x3FA6] =	sst s8  }
0x11: {  	[smem:$0x3FA7] =	sst s9;
	s0 =	simm.s32 @!p0 $0x0  }
0x12: {  	s1 =	sld [smem:$0x3F8D];
	s0 =	simm.s32 @p0 $0x1  }
0x13: {  	[smem:$0x3FA8] =	sst s0;
	s0 =	simm.s32 @!p1 $0x0  }
0x14: {  	s2 =	sld [smem:$0x3F8C];
	s0 =	simm.s32 @p1 $0x1  }
0x15: {  	[smem:$0x3FA9] =	sst s0;
	s0 =	simm.s32 @!p2 $0x0  }
0x16: {  	s3 =	sld [smem:$0x3FDB];
	s0 =	simm.s32 @p2 $0x1  }
0x17: {  	s4 =	simm.s32 $0x1BF5;
	[smem:$0x3FAB] =	sst s0  }
0x18: {  	s0 =	sld [smem:$0x3F8E];
	_ =	swait.ge [sflag:s4], $0x0  }
0x19: {  	s7 =	sld [smem:$0x3F8F]  }
0x1a: {  	s8 =	sadd.s32 $0xFFFFE003, lr  }
0x1b: {  	s9 =	sadd.s32 $0xFFFFFEF7, lr;
	s5 =	simm.s32 $0xFFFFFFFF;
	p2 =	slt.u32 s8, $0xFFFFF086  }
0x1c: {  	p1 =	slt.u32 s9, $0xF7A;
	s5 =	simm.s32 @!p2 $0x0  }
0x1d: {  	s5 =	simm.s32 @p1 $0x1;
	p0 =	seq.s32 s7, s2  }
0x1e: {  	s7 =	smul.u32 @!p0 $0xF7A, s2;
	p2 =	seq.s32 @!p0 s5, $0x0  }
0x1f: {  	s9 =	smul.u32 $0xF7A, s1;
	s8 =	simm.s32 @!p0 $0x1BF5;
	p2 =	por !p2, p0  }
0x20: {  	[sflag:s8] =	ssyncset.s32 @!p0 $0xFFFFF086;
	s6 =	sadd.s32 @!p0 s3, s7;
	s7 =	simm.s32 @!p0 $0x108  }
0x21: {  	s3 =	sadd.s32 s3, s9;
	s6 =	sadd.s32 @!p0 $0x88, s6;
	s7 =	simm.s32 @p2 $0x1082  }
0x22: {  	[simem:s7], [sflag:s8] =	dma.local @!p0 [hbm:s6], $0xF7A  }
0x23: {  	s9 =	sor.u32 $0xD0000000, s2;
	s6 =	simm.s32 $0x108;
	_ =	swait.ge @!p0 [sflag:s8], $0x0  }
0x24: {  	s3 =	sadd.s32 $0x88, s3;
	s6 =	simm.s32 @!p1 $0x1082;
	[sflag:s4] =	ssyncset.s32 $0xFFFFF086  }
0x25: {  	[simem:s6], [sflag:s4] =	dma.local [hbm:s3], $0xF7A  }
0x26: {  	[smem:$0x3F8F] =	sst s1;
	(tag) =	ssettag s2;
	_ =	strace s9  }
0x27: {  	s1 =	sld [smem:$0x3F9F]  }
0x28: {  	s2 =	sld [smem:$0x3FA0]  }
0x29: {  	s4 =	sld [smem:$0x3FA2]  }
0x2a: {  	p0 =	seq.s32 s5, $0x0;
	s5 =	sld [smem:$0x3FA3]  }
0x2b: {  	s6 =	sld [smem:$0x3FA4]  }
0x2c: {  	s7 =	sld [smem:$0x3FA5]  }
0x2d: {  	s3 =	simm.s32 $0x108;
	s8 =	sld [smem:$0x3FA6]  }
0x2e: {  	s3 =	simm.s32 @!p0 $0x1082;
	s9 =	sld [smem:$0x3FA7]  }
0x2f: {  	lr =	sadd.s32 s0, s3;
	s0 =	sld [smem:$0x3F9E]  }
0x30: {  	s3 =	sld [smem:$0x3FA1]  }
0x31: {  	[smem:$0x3FAA] =	sst s10  }
0x32: {  	s10 =	sld [smem:$0x3FA8];
	_ =	sdelay $0x3  }
0x33: {  	p0 =	seq.s32 s10, $0x1;
	s10 =	sld [smem:$0x3FAA];
	_ =	sdelay $0x3  }
0x34: {  	[smem:$0x3FAA] =	sst s10  }
0x35: {  	s10 =	sld [smem:$0x3FA9];
	_ =	sdelay $0x3  }
0x36: {  	p1 =	seq.s32 s10, $0x1;
	s10 =	sld [smem:$0x3FAA];
	_ =	sdelay $0x3  }
0x37: {  	[smem:$0x3FAA] =	sst s10  }
0x38: {  	s10 =	sld [smem:$0x3FAB]  }
0x39: {  	_ = 	snop;
	(pc) =	sbr.ind lr, $3  }
0x3a: {  	_ = 	snop  }
0x3b: {  	_ = 	snop  }
0x3c: {  	p2 =	seq.s32 s10, $0x1;
	s10 =	sld [smem:$0x3FAA]  }
0x3d: {  	_ =	shalt  }
0x3e: {  	_ =	shalt  }
0x3f: {  	_ =	shalt  }
0x40: {  	_ =	shalt  }
0x41: {  	_ =	shalt  }
0x42: {  	_ =	shalt  }
0x43: {  	_ =	shalt  }
0x44: {  	_ =	shalt  }
0x45: {  	_ =	shalt  }
0x46: {  	_ =	shalt  }
0x47: {  	_ =	shalt  }
0x48: {  	_ =	shalt  }
0x49: {  	_ =	shalt  }
0x4a: {  	_ =	shalt  }
0x4b: {  	_ =	shalt  }
0x4c: {  	_ =	shalt  }
0x4d: {  	_ =	shalt  }
0x4e: {  	_ =	shalt  }
0x4f: {  	_ =	shalt  }
0x50: {  	_ =	shalt  }
0x51: {  	_ =	shalt  }
0x52: {  	_ =	shalt  }
0x53: {  	_ =	shalt  }
0x54: {  	_ =	shalt  }
0x55: {  	_ =	shalt  }
0x56: {  	_ =	shalt  }
0x57: {  	_ =	shalt  }
0x58: {  	_ =	shalt  }
0x59: {  	_ =	shalt  }
0x5a: {  	_ =	shalt  }
0x5b: {  	_ =	shalt  }
0x5c: {  	_ =	shalt  }
0x5d: {  	_ =	shalt  }
0x5e: {  	_ =	shalt  }
0x5f: {  	_ =	shalt  }
0x60: {  	_ =	shalt  }
0x61: {  	_ =	shalt  }
0x62: {  	_ =	shalt  }
0x63: {  	_ =	shalt  }
0x64: {  	_ =	shalt  }
0x65: {  	_ =	shalt  }
0x66: {  	_ =	shalt  }
0x67: {  	_ =	shalt  }
0x68: {  	_ =	shalt  }
0x69: {  	_ =	shalt  }
0x6a: {  	_ =	shalt  }
0x6b: {  	_ =	shalt  }
0x6c: {  	_ =	shalt  }
0x6d: {  	_ =	shalt  }
0x6e: {  	_ =	shalt  }
0x6f: {  	_ =	shalt  }
0x70: {  	_ =	shalt  }
0x71: {  	_ =	shalt  }
0x72: {  	_ =	shalt  }
0x73: {  	_ =	shalt  }
0x74: {  	_ =	shalt  }
0x75: {  	_ =	shalt  }
0x76: {  	_ =	shalt  }
0x77: {  	_ =	shalt  }
0x78: {  	_ =	shalt  }
0x79: {  	_ =	shalt  }
0x7a: {  	_ =	shalt  }
0x7b: {  	_ =	shalt  }
0x7c: {  	_ =	shalt  }
0x7d: {  	_ =	shalt  }
0x7e: {  	_ =	shalt  }
0x7f: {  	_ =	shalt  }
0x80: {  	_ =	shalt  }
0x81: {  	_ =	shalt  }
0x82: {  	_ =	shalt  }
0x83: {  	_ =	shalt  }
0x84: {  	_ =	shalt  }
0x85: {  	_ =	shalt  }
0x86: {  	_ =	shalt  }
0x87: {  	_ =	shalt  }
.Lfunc_end0:
.L_simem_size_0:
called_computation_lowered:
.L_overlay_start_0:
0x88: {  	s2 =	sld [smem:$0x3FD9]  }
0x89: {  	s3 =	sld [smem:$0x3FFE];
	_ =	sdelay $0x1  }
0x8a: {  	s1 =	srdreg.scid  }
0x8b: {  	s0 =	sand.u32 $0x1, s1  }
0x8c: {  	s17 =	sshll.u32 s0, $0xA;
	s2 =	sadd.s32 s3, s2  }
0x8d: {  	s2 =	sadd.s32 s2, s17  }
0x8e: {  	[smem:$0x3FB6] =	sst s2  }
0x8f: {  	_ = 	snop  }
0x90: {  	s2 =	sld [smem:$0x3FC7]  }
0x91: {  	s18 =	sld [smem:$0x3FC6]  }
0x92: {  	s4 =	sld [smem:$0x3FD0];
	(tm) =	ssettm $0x1  }
0x93: {  	s5 =	sld [smem:$0x3FFB];
	_ =	sdelay $0x3  }
0x94: {  	_ =	strace s5  }
0x95: {  	s5 =	sld [smem:$0x3FFC];
	_ =	sdelay $0x3  }
0x96: {  	_ =	strace s5  }
0x97: {  	s5 =	sld [smem:$0x3FFD];
	_ =	sdelay $0x3  }
0x98: {  	_ =	strace s5  }
0x99: {  	_ =	strace $0x8FFFFFFF  }
0x9a: {  	s19 =	sld [smem:$0x3FDB];
	_ =	sdelay $0x1  }
0x9b: {  	s6 =	simm.s32 $_scs_section_size  }
0x9c: {  	s7 =	simm.s32 $_size__tile_overlayer_lowered;
	s8 =	simm.s32 $_tile_overlayer_lowered  }
0x9d: {  	s22 =	simm.s32 $0x1BFF;
	s21 =	sshll.u32 s8, $0x1;
	s5 =	sadd.s32 s6, s19  }
0x9e: {  	s9 =	simm.s32 $0x0;
	s20 =	sshll.u32 s7, $0x1;
	s7 =	sadd.s32 s21, s5  }
0x9f: {  	[timem:s9], [sflag:s22] =	dma.local [hbm:s7], s20  }
0xa0: {  	_ =	swait.ge [sflag:s22], s20  }
0xa1: {  	s6 =	ssub.s32 $0x0, s20;
	[sflag:s22] =	ssyncset.done $0x0  }
0xa2: {  	[sflag:s22] =	ssyncadd.s32 s6;
	_ =	sdelay $0x1  }
0xa3: {  	s23 =	simm.s32 $0x1B8B  }
0xa4: {  	_ =	swait.ge [sflag:s23], $0x1  }
0xa5: {  	[sflag:s23] =	ssyncset.done $0x0  }
0xa6: {  	s25 =	simm.s32 $0x1B8E;
	s24 =	sld [smem:$0x3FFE];
	[sflag:s23] =	ssyncadd.s32 $0xFFFFFFFF  }
0xa7: {  	s26 =	simm.s32 $execute0_lowered;
	[smem:$0x3FD2] =	sst s25  }
0xa8: {  	s7 =	sshll.u32 s26, $0x1;
	_ =	strace $0x80000046;
	[dreg:$0x1] =	wrdreg $0xFFFFFFFF  }
0xa9: {  	s28 =	simm.s32 $_size_execute0_lowered;
	s5 =	sadd.s32 s5, s7;
	[dreg:$0x0] =	wrdreg $0x0  }
0xaa: {  	s7 =	sshll.u32 s28, $0x1;
	[dreg:$0x2] =	wrdreg s5  }
0xab: {  	[dreg:$0x3] =	wrdreg s7  }
0xac: {  	[dreg:$0x4] =	wrdreg $0xC0  }
0xad: {  	_ =	task [dreg:s9], $0x5FFFF  }
0xae: {  	[dreg:$0x1] =	wrdreg $0xFFFFFFFF  }
0xaf: {  	[dreg:$0x0] =	wrdreg $0x60  }
0xb0: {  	[dreg:$0x2] =	wrdreg s4  }
0xb1: {  	[dreg:$0x3] =	wrdreg s24  }
0xb2: {  	[dreg:$0x4] =	wrdreg s2  }
0xb3: {  	[dreg:$0x5] =	wrdreg s18  }
0xb4: {  	[dreg:$0x6] =	wrdreg $0x9  }
0xb5: {  	_ =	task.clear_ibuf [dreg:s9], $0x7FFFF;
	_ =	strace $0x90000046  }
0xb6: {  	s29 =	simm.s32 $0x9;
	_ =	strace $0x80000048  }
0xb7: {  	_ =	swait.ge [sflag:s29], $0x1  }
0xb8: {  	[sflag:s29] =	ssyncadd.s32 $0xFFFFFFFF  }
0xb9: {  	_ =	strace $0x90000048  }
0xba: {  	_ =	sfence  }
0xbb: {  	s30 =	sld [smem:$0x0];
	_ =	sdelay $0x2  }
0xbc: {  	s31 =	sshll.u32 s1, $0xD;
	s1 =	sshrl.u32 s1, $0x2  }
0xbd: {  	s3 =	sand.u32 $0x4000, s31;
	s1 =	sadd.s32 s1, s30  }
0xbe: {  	s0 =	sor.u32 s3, s0;
	s1 =	sshll.u32 s1, $0x11  }
0xbf: {  	s0 =	sor.u32 s1, s0  }
0xc0: {  	s0 =	sadd.s32 $0x8F2B, s0  }
0xc1: {  	[sflag:s0] =	ssyncadd.remote.s32 $0x1  }
0xc2: {  	_ =	sfence.sel $0xFFFF  }
0xc3: {  	[dreg:$0x0] =	wrdreg $0xFFFFFFFF;
	(pc) =	sbr.abs _section_cstart, $3  }
0xc4: {  	[dreg:$0x1] =	wrdreg $0xFFFFFFFF  }
0xc5: {  	_ =	task.clear_ibuf [dreg:s9], $0x2FFFF;
	_ =	strace $0x9FFFFFFF  }
0xc6: {  	(tm) =	ssettm $0x7FFFFFFF  }
0xc7: {  	_ =	shalt  }
tec
execute0_lowered:
.L_overlay_start_1:
0x0: {  	(tag) =	ssettag $0x1  }
0x1: {  	s1 =	rddreg [dreg:$0x0]  }
0x2: {  	s0 =	rddreg [dreg:$0x1]  }
0x3: {  	s2 =	rddreg [dreg:$0x2]  }
0x4: {  	s5 =	rddreg [dreg:$0x3];
	s4 =	srdreg.scid  }
0x5: {  	s12 =	stileid.u32;
	s3 =	simm.s32 $0x0;
	s14 =	simm.s32 $0x2800  }
0x6: {  	s15 =	simm.s32 $0x3000;
	s16 =	simm.s32 $0x3800;
	s17 =	simm.s32 $0x4000  }
0x7: {  	s18 =	simm.s32 $0x4800;
	s19 =	simm.s32 $0x5000;
	s20 =	simm.s32 $0x5800  }
0x8: {  	s28 =	simm.s32 $0x9000;
	s29 =	simm.s32 $0x9800;
	s30 =	simm.s32 $0xA000  }
0x9: {  	s31 =	simm.s32 $0xA800;
	s13 =	simm.s32 $0x0;
	s6 =	sand.u32 $0x1, s4  }
0xa: {  	s21 =	sshll.u32 s12, $0x1;
	[smem:$0x7FF] =	sst s3;
	s4 =	sadd.s32 $0x4400, s0  }
0xb: {  	s9 =	sadd.s32 $0x52600, s0;
	s0 =	sadd.s32 $0x534600, s0;
	s23 =	smul.u32 $0x4E200, s12  }
0xc: {  	s7 =	sor.u32 s6, s21;
	s10 =	ssub.s32 $0x2, s6;
	s25 =	smul.u32 $0x27100, s6  }
0xd: {  	s12 =	simm.s32 $0x3;
	s8 =	smul.u32 $0x1388, s7;
	s11 =	sshrl.u32 s10, $0x1  }
0xe: {  	_ =	strace $0x80000047;
	s7 =	smul.u32 $0x138800, s7;
	s10 =	ssub.s32 s10, s11  }
0xf: {  	s21 =	simm.s32 $0x6000;
	s8 =	sshrl.u32 s8, $0x3;
	s26 =	smax.u32 s10, $0x1  }
0x10: {  	s22 =	sshrl.u32 s7, $0x3;
	s2 =	sadd.s32 s2, s8;
	[dreg:$0x9] =	wrdreg s26  }
0x11: {  	s5 =	sadd.s32 s5, s8;
	s26 =	simm.s32 $0x8800;
	[dreg:$0x5] =	wrdreg s2  }
0x12: {  	[dreg:$0x6] =	wrdreg s5;
	s2 =	sadd.s32 $0x27000, s22;
	s5 =	sadd.s32 s23, s9  }
.Ltmp0:
0x13: {  	s22 =	simm.s32 $0x6800;
	s24 =	sadd.s32 s9, s2;
	(pc) =	sbr.rel .LBB2_1-.Ltmp0, $4  }
0x14: {  	s2 =	sadd.s32 s0, s2;
	s0 =	sadd.s32 s23, s0;
	[dreg:$0x7] =	wrdreg s24  }
0x15: {  	v2 =	vlaneseq.u32;
	s5 =	sadd.s32 s25, s5;
	s23 =	simm.s32 $0x7000;
	[dreg:$0x8] =	wrdreg s2  }
0x16: {  	vm0 =	vmmov $0xffff;
	v1 =	vshrl.u32 v2, $0x3;
	s0 =	sadd.s32 s25, s0;
	s24 =	simm.s32 $0x7800;
	s25 =	simm.s32 $0x8000  }
0x17: {  	v0 =	vand.u32 $0x7, v2;
	v2 =	vor.u32 $0x8, v2;
	v1 =	vmul.u32 $0x8, v1;
	s2 =	simm.s32 $0x2;
	[dreg:$0xa] =	wrdreg s0;
	s0 =	simm.s32 $0x1  }
.LBB2_5:
0x18: {  	v3 =	vld.msk [tilespmem:$0x1380], $0xff;
	_ =	sdelay $0x4  }
0x19: {  	v4 =	vshll.u32 v3, $0x1  }
0x1a: {  	v3 =	vand.u32 $0x7, v3;
	v4 =	vand.u32 $0xFFFFFFF0, v4  }
0x1b: {  	v3 =	vor.u32 v3, v4  }
0x1c: {  	v3 =	vperm.xlane v3, v0;
	_ =	sdelay $0x1  }
0x1d: {  	v3 =	vadd.s32 v1, v3;
	_ =	sdelay $0x4  }
0x1e: {  	[tilespmem:s14], [sflag:$0x1] =	stream.indirect_vreg.gather [hbm4b:s1+s3], $0x80, v3, vm0, $0xb8;
	[tilespmem:$0x12800] =	vst v63  }
0x1f: {  	_ =	swait.ge [sflag:s0], $0x800  }
0x20: {  	[sflag:s0] =	ssyncset.done $0x0  }
0x21: {  	s6 =	rddreg [dreg:$0x7];
	[sflag:s0] =	ssyncadd.s32 $0xFFFFF800  }
0x22: {  	[hbm4b:s6+s3] =	stream.linear.scatter [tilespmem:s14], [sflag:$0x3], $0x800, $0x38;
	[tilespmem:$0x12800] =	vst v63  }
0x23: {  	_ =	swait.ge [sflag:s12], $0x800  }
0x24: {  	[sflag:s12] =	ssyncset.done $0x0  }
0x25: {  	[sflag:s12] =	ssyncadd.s32 $0xFFFFF800  }
0x26: {  	v3 =	vld.msk [tilespmem:$0x2780], $0xff;
	_ =	sdelay $0x4  }
0x27: {  	v63 =	vshll.u32 v3, $0x1  }
0x28: {  	v3 =	vand.u32 $0x7, v3;
	v4 =	vand.u32 $0xFFFFFFF0, v63  }
0x29: {  	v3 =	vor.u32 v3, v4  }
0x2a: {  	v3 =	vperm.xlane v3, v0;
	_ =	sdelay $0x1  }
0x2b: {  	v3 =	vadd.s32 v1, v3;
	_ =	sdelay $0x4  }
0x2c: {  	[tilespmem:s31], [sflag:$0x2] =	stream.indirect_vreg.gather [hbm4b:s4+s3], $0x80, v3, vm0, $0xb8;
	[tilespmem:$0x12800] =	vst v63  }
0x2d: {  	_ =	swait.ge [sflag:s2], $0x800  }
0x2e: {  	[sflag:s2] =	ssyncset.done $0x0  }
0x2f: {  	s10 =	rddreg [dreg:$0x8];
	[sflag:s2] =	ssyncadd.s32 $0xFFFFF800  }
0x30: {  	[hbm4b:s10+s3] =	stream.linear.scatter [tilespmem:s31], [sflag:$0x3], $0x800, $0x38;
	[tilespmem:$0x12800] =	vst v63  }
0x31: {  	_ =	swait.ge [sflag:s12], $0x800  }
0x32: {  	s13 =	sadd.s32 $0x1, s13;
	s11 =	rddreg [dreg:$0x9]  }
0x33: {  	p0 =	sne.s32 s13, s11  }
.Ltmp1:
0x34: {  	_ = 	snop;
	(pc) =	sbr.rel @!p0 .LBB2_6-.Ltmp1, $3  }
0x35: {  	_ =	sdelay $0x1  }
0x36: {  	[sflag:s12] =	ssyncset.done $0x0  }
0x37: {  	[sflag:s12] =	ssyncadd.s32 $0xFFFFF800  }
.LBB2_1:
0x38: {  	s6 =	rddreg [dreg:$0x5]  }
0x39: {  	[tilespmem:s3], [sflag:$0x3] =	stream.linear.gather [hbm4b:s6+s3], $0x1388, $0x38;
	[tilespmem:$0x12800] =	vst v63  }
0x3a: {  	_ =	swait.ge [sflag:s12], $0x1388  }
0x3b: {  	[sflag:s12] =	ssyncset.done $0x0  }
0x3c: {  	s7 =	simm.s32 $0x1400;
	s11 =	rddreg [dreg:$0x6];
	[sflag:s12] =	ssyncadd.s32 $0xFFFFEC78  }
0x3d: {  	[tilespmem:s7], [sflag:$0x3] =	stream.linear.gather [hbm4b:s11+s3], $0x1388, $0x38;
	[tilespmem:$0x12800] =	vst v63  }
0x3e: {  	_ =	swait.ge [sflag:s12], $0x1388  }
0x3f: {  	[sflag:s12] =	ssyncset.done $0x0  }
0x40: {  	[sflag:s12] =	ssyncadd.s32 $0xFFFFEC78  }
0x41: {  	v3 =	vld [tilespmem:$0x0];
	_ =	sdelay $0x4  }
0x42: {  	v4 =	vshll.u32 v3, $0x1  }
0x43: {  	v3 =	vand.u32 $0x7, v3;
	v4 =	vand.u32 $0xFFFFFFF0, v4  }
0x44: {  	v3 =	vor.u32 v3, v4  }
0x45: {  	v4 =	vperm.xlane v3, v0;
	_ =	sdelay $0x1  }
0x46: {  	v3 =	vperm.xlane v3, v2;
	v4 =	vadd.s32 v1, v4;
	_ =	sdelay $0x1  }
0x47: {  	v3 =	vadd.s32 v1, v3;
	_ =	sdelay $0x2  }
0x48: {  	[tilespmem:s14], [sflag:$0x1] =	stream.indirect_vreg.gather [hbm4b:s1+s3], $0x80, v4, vm0, $0xb8;
	[tilespmem:$0x12800] =	vst v63  }
0x49: {  	_ = 	snop  }
0x4a: {  	[tilespmem:s15], [sflag:$0x1] =	stream.indirect_vreg.gather [hbm4b:s1+s3], $0x80, v3, vm0, $0xb8;
	[tilespmem:$0x12800] =	vst v63  }
0x4b: {  	v3 =	vld [tilespmem:$0x10];
	_ =	sdelay $0x4  }
0x4c: {  	v49 =	vshll.u32 v3, $0x1  }
0x4d: {  	v3 =	vand.u32 $0x7, v3;
	v4 =	vand.u32 $0xFFFFFFF0, v49  }
0x4e: {  	v3 =	vor.u32 v3, v4  }
0x4f: {  	v4 =	vperm.xlane v3, v0;
	_ =	sdelay $0x1  }
0x50: {  	v3 =	vperm.xlane v3, v2;
	v4 =	vadd.s32 v1, v4;
	_ =	sdelay $0x1  }
0x51: {  	v3 =	vadd.s32 v1, v3;
	_ =	sdelay $0x2  }
0x52: {  	[tilespmem:s16], [sflag:$0x1] =	stream.indirect_vreg.gather [hbm4b:s1+s3], $0x80, v4, vm0, $0xb8;
	[tilespmem:$0x12800] =	vst v63  }
0x53: {  	_ = 	snop  }
0x54: {  	[tilespmem:s17], [sflag:$0x1] =	stream.indirect_vreg.gather [hbm4b:s1+s3], $0x80, v3, vm0, $0xb8;
	[tilespmem:$0x12800] =	vst v63  }
0x55: {  	v3 =	vld [tilespmem:$0x20];
	_ =	sdelay $0x4  }
0x56: {  	v50 =	vshll.u32 v3, $0x1  }
0x57: {  	v3 =	vand.u32 $0x7, v3;
	v4 =	vand.u32 $0xFFFFFFF0, v50  }
0x58: {  	v3 =	vor.u32 v3, v4  }
0x59: {  	v4 =	vperm.xlane v3, v0;
	_ =	sdelay $0x1  }
0x5a: {  	v3 =	vperm.xlane v3, v2;
	v4 =	vadd.s32 v1, v4;
	_ =	sdelay $0x1  }
0x5b: {  	v3 =	vadd.s32 v1, v3;
	_ =	sdelay $0x2  }
0x5c: {  	[tilespmem:s18], [sflag:$0x1] =	stream.indirect_vreg.gather [hbm4b:s1+s3], $0x80, v4, vm0, $0xb8;
	[tilespmem:$0x12800] =	vst v63  }
0x5d: {  	_ = 	snop  }
0x5e: {  	[tilespmem:s19], [sflag:$0x1] =	stream.indirect_vreg.gather [hbm4b:s1+s3], $0x80, v3, vm0, $0xb8;
	[tilespmem:$0x12800] =	vst v63  }
0x5f: {  	v3 =	vld [tilespmem:$0x30];
	_ =	sdelay $0x4  }
0x60: {  	v51 =	vshll.u32 v3, $0x1  }
0x61: {  	v3 =	vand.u32 $0x7, v3;
	v4 =	vand.u32 $0xFFFFFFF0, v51  }
0x62: {  	v3 =	vor.u32 v3, v4  }
0x63: {  	v4 =	vperm.xlane v3, v0;
	_ =	sdelay $0x1  }
0x64: {  	v3 =	vperm.xlane v3, v2;
	v4 =	vadd.s32 v1, v4;
	_ =	sdelay $0x1  }
0x65: {  	v3 =	vadd.s32 v1, v3;
	_ =	sdelay $0x2  }
0x66: {  	[tilespmem:s20], [sflag:$0x1] =	stream.indirect_vreg.gather [hbm4b:s1+s3], $0x80, v4, vm0, $0xb8;
	[tilespmem:$0x12800] =	vst v63  }
0x67: {  	_ = 	snop  }
0x68: {  	[tilespmem:s21], [sflag:$0x1] =	stream.indirect_vreg.gather [hbm4b:s1+s3], $0x80, v3, vm0, $0xb8;
	[tilespmem:$0x12800] =	vst v63  }
0x69: {  	v3 =	vld [tilespmem:$0x40];
	_ =	sdelay $0x4  }
0x6a: {  	v52 =	vshll.u32 v3, $0x1  }
0x6b: {  	v3 =	vand.u32 $0x7, v3;
	v4 =	vand.u32 $0xFFFFFFF0, v52  }
0x6c: {  	v3 =	vor.u32 v3, v4  }
0x6d: {  	v4 =	vperm.xlane v3, v0;
	_ =	sdelay $0x1  }
0x6e: {  	v3 =	vperm.xlane v3, v2;
	v4 =	vadd.s32 v1, v4;
	_ =	sdelay $0x1  }
0x6f: {  	v3 =	vadd.s32 v1, v3;
	_ =	sdelay $0x2  }
0x70: {  	[tilespmem:s22], [sflag:$0x1] =	stream.indirect_vreg.gather [hbm4b:s1+s3], $0x80, v4, vm0, $0xb8;
	[tilespmem:$0x12800] =	vst v63  }
0x71: {  	_ = 	snop  }
0x72: {  	[tilespmem:s23], [sflag:$0x1] =	stream.indirect_vreg.gather [hbm4b:s1+s3], $0x80, v3, vm0, $0xb8;
	[tilespmem:$0x12800] =	vst v63  }
0x73: {  	v3 =	vld [tilespmem:$0x50];
	_ =	sdelay $0x4  }
0x74: {  	v53 =	vshll.u32 v3, $0x1  }
0x75: {  	v3 =	vand.u32 $0x7, v3;
	v4 =	vand.u32 $0xFFFFFFF0, v53  }
0x76: {  	v3 =	vor.u32 v3, v4  }
0x77: {  	v4 =	vperm.xlane v3, v0;
	_ =	sdelay $0x1  }
0x78: {  	v3 =	vperm.xlane v3, v2;
	v4 =	vadd.s32 v1, v4;
	_ =	sdelay $0x1  }
0x79: {  	v3 =	vadd.s32 v1, v3;
	_ =	sdelay $0x2  }
0x7a: {  	[tilespmem:s24], [sflag:$0x1] =	stream.indirect_vreg.gather [hbm4b:s1+s3], $0x80, v4, vm0, $0xb8;
	[tilespmem:$0x12800] =	vst v63  }
0x7b: {  	_ = 	snop  }
0x7c: {  	[tilespmem:s25], [sflag:$0x1] =	stream.indirect_vreg.gather [hbm4b:s1+s3], $0x80, v3, vm0, $0xb8;
	[tilespmem:$0x12800] =	vst v63  }
0x7d: {  	v3 =	vld [tilespmem:$0x60];
	_ =	sdelay $0x4  }
0x7e: {  	v54 =	vshll.u32 v3, $0x1  }
0x7f: {  	v3 =	vand.u32 $0x7, v3;
	v4 =	vand.u32 $0xFFFFFFF0, v54  }
0x80: {  	v3 =	vor.u32 v3, v4  }
0x81: {  	v4 =	vperm.xlane v3, v0;
	_ =	sdelay $0x1  }
0x82: {  	v3 =	vperm.xlane v3, v2;
	v4 =	vadd.s32 v1, v4;
	_ =	sdelay $0x1  }
0x83: {  	v3 =	vadd.s32 v1, v3;
	_ =	sdelay $0x2  }
0x84: {  	[tilespmem:s26], [sflag:$0x1] =	stream.indirect_vreg.gather [hbm4b:s1+s3], $0x80, v4, vm0, $0xb8;
	[tilespmem:$0x12800] =	vst v63  }
0x85: {  	_ = 	snop  }
0x86: {  	[tilespmem:s28], [sflag:$0x1] =	stream.indirect_vreg.gather [hbm4b:s1+s3], $0x80, v3, vm0, $0xb8;
	[tilespmem:$0x12800] =	vst v63  }
0x87: {  	v3 =	vld [tilespmem:$0x70];
	_ =	sdelay $0x4  }
0x88: {  	v55 =	vshll.u32 v3, $0x1  }
0x89: {  	v3 =	vand.u32 $0x7, v3;
	v4 =	vand.u32 $0xFFFFFFF0, v55  }
0x8a: {  	v3 =	vor.u32 v3, v4  }
0x8b: {  	v4 =	vperm.xlane v3, v0;
	_ =	sdelay $0x1  }
0x8c: {  	v3 =	vperm.xlane v3, v2;
	v4 =	vadd.s32 v1, v4;
	_ =	sdelay $0x1  }
0x8d: {  	v3 =	vadd.s32 v1, v3;
	_ =	sdelay $0x2  }
0x8e: {  	[tilespmem:s29], [sflag:$0x1] =	stream.indirect_vreg.gather [hbm4b:s1+s3], $0x80, v4, vm0, $0xb8;
	[tilespmem:$0x12800] =	vst v63  }
0x8f: {  	_ = 	snop  }
0x90: {  	[tilespmem:s30], [sflag:$0x1] =	stream.indirect_vreg.gather [hbm4b:s1+s3], $0x80, v3, vm0, $0xb8;
	[tilespmem:$0x12800] =	vst v63  }
0x91: {  	v3 =	vld [tilespmem:$0x1400];
	_ =	sdelay $0x4  }
0x92: {  	v56 =	vshll.u32 v3, $0x1  }
0x93: {  	v3 =	vand.u32 $0x7, v3;
	v4 =	vand.u32 $0xFFFFFFF0, v56  }
0x94: {  	v3 =	vor.u32 v3, v4  }
0x95: {  	v4 =	vperm.xlane v3, v0;
	_ =	sdelay $0x1  }
0x96: {  	v3 =	vperm.xlane v3, v2;
	v4 =	vadd.s32 v1, v4;
	_ =	sdelay $0x1  }
0x97: {  	v3 =	vadd.s32 v1, v3;
	_ =	sdelay $0x2  }
0x98: {  	[tilespmem:s31], [sflag:$0x2] =	stream.indirect_vreg.gather [hbm4b:s4+s3], $0x80, v4, vm0, $0xb8;
	[tilespmem:$0x12800] =	vst v63  }
0x99: {  	s7 =	simm.s32 $0xB000  }
0x9a: {  	[tilespmem:s7], [sflag:$0x2] =	stream.indirect_vreg.gather [hbm4b:s4+s3], $0x80, v3, vm0, $0xb8;
	[tilespmem:$0x12800] =	vst v63  }
0x9b: {  	v3 =	vld [tilespmem:$0x1410];
	_ =	sdelay $0x4  }
0x9c: {  	v57 =	vshll.u32 v3, $0x1  }
0x9d: {  	v3 =	vand.u32 $0x7, v3;
	v4 =	vand.u32 $0xFFFFFFF0, v57  }
0x9e: {  	v3 =	vor.u32 v3, v4  }
0x9f: {  	v4 =	vperm.xlane v3, v0;
	_ =	sdelay $0x1  }
0xa0: {  	v3 =	vperm.xlane v3, v2;
	v4 =	vadd.s32 v1, v4;
	_ =	sdelay $0x1  }
0xa1: {  	v3 =	vadd.s32 v1, v3;
	_ =	sdelay $0x1  }
0xa2: {  	s8 =	simm.s32 $0xB800  }
0xa3: {  	[tilespmem:s8], [sflag:$0x2] =	stream.indirect_vreg.gather [hbm4b:s4+s3], $0x80, v4, vm0, $0xb8;
	[tilespmem:$0x12800] =	vst v63  }
0xa4: {  	s9 =	simm.s32 $0xC000  }
0xa5: {  	[tilespmem:s9], [sflag:$0x2] =	stream.indirect_vreg.gather [hbm4b:s4+s3], $0x80, v3, vm0, $0xb8;
	[tilespmem:$0x12800] =	vst v63  }
0xa6: {  	v3 =	vld [tilespmem:$0x1420];
	_ =	sdelay $0x4  }
0xa7: {  	v58 =	vshll.u32 v3, $0x1  }
0xa8: {  	v3 =	vand.u32 $0x7, v3;
	v4 =	vand.u32 $0xFFFFFFF0, v58  }
0xa9: {  	v3 =	vor.u32 v3, v4  }
0xaa: {  	v4 =	vperm.xlane v3, v0;
	_ =	sdelay $0x1  }
0xab: {  	v3 =	vperm.xlane v3, v2;
	v4 =	vadd.s32 v1, v4;
	_ =	sdelay $0x1  }
0xac: {  	v3 =	vadd.s32 v1, v3;
	_ =	sdelay $0x1  }
0xad: {  	s10 =	simm.s32 $0xC800  }
0xae: {  	[tilespmem:s10], [sflag:$0x2] =	stream.indirect_vreg.gather [hbm4b:s4+s3], $0x80, v4, vm0, $0xb8;
	[tilespmem:$0x12800] =	vst v63  }
0xaf: {  	s11 =	simm.s32 $0xD000  }
0xb0: {  	[tilespmem:s11], [sflag:$0x2] =	stream.indirect_vreg.gather [hbm4b:s4+s3], $0x80, v3, vm0, $0xb8;
	[tilespmem:$0x12800] =	vst v63  }
0xb1: {  	v3 =	vld [tilespmem:$0x1430];
	_ =	sdelay $0x4  }
0xb2: {  	v59 =	vshll.u32 v3, $0x1  }
0xb3: {  	v3 =	vand.u32 $0x7, v3;
	v4 =	vand.u32 $0xFFFFFFF0, v59  }
0xb4: {  	v3 =	vor.u32 v3, v4  }
0xb5: {  	v4 =	vperm.xlane v3, v0;
	_ =	sdelay $0x1  }
0xb6: {  	v3 =	vperm.xlane v3, v2;
	v4 =	vadd.s32 v1, v4;
	_ =	sdelay $0x1  }
0xb7: {  	v3 =	vadd.s32 v1, v3;
	_ =	sdelay $0x1  }
0xb8: {  	s7 =	simm.s32 $0xD800  }
0xb9: {  	[tilespmem:s7], [sflag:$0x2] =	stream.indirect_vreg.gather [hbm4b:s4+s3], $0x80, v4, vm0, $0xb8;
	[tilespmem:$0x12800] =	vst v63  }
0xba: {  	s8 =	simm.s32 $0xE000  }
0xbb: {  	[tilespmem:s8], [sflag:$0x2] =	stream.indirect_vreg.gather [hbm4b:s4+s3], $0x80, v3, vm0, $0xb8;
	[tilespmem:$0x12800] =	vst v63  }
0xbc: {  	v3 =	vld [tilespmem:$0x1440];
	_ =	sdelay $0x4  }
0xbd: {  	v60 =	vshll.u32 v3, $0x1  }
0xbe: {  	v3 =	vand.u32 $0x7, v3;
	v4 =	vand.u32 $0xFFFFFFF0, v60  }
0xbf: {  	v3 =	vor.u32 v3, v4  }
0xc0: {  	v4 =	vperm.xlane v3, v0;
	_ =	sdelay $0x1  }
0xc1: {  	v3 =	vperm.xlane v3, v2;
	v4 =	vadd.s32 v1, v4;
	_ =	sdelay $0x1  }
0xc2: {  	v3 =	vadd.s32 v1, v3;
	_ =	sdelay $0x1  }
0xc3: {  	s9 =	simm.s32 $0xE800  }
0xc4: {  	[tilespmem:s9], [sflag:$0x2] =	stream.indirect_vreg.gather [hbm4b:s4+s3], $0x80, v4, vm0, $0xb8;
	[tilespmem:$0x12800] =	vst v63  }
0xc5: {  	s10 =	simm.s32 $0xF000  }
0xc6: {  	[tilespmem:s10], [sflag:$0x2] =	stream.indirect_vreg.gather [hbm4b:s4+s3], $0x80, v3, vm0, $0xb8;
	[tilespmem:$0x12800] =	vst v63  }
0xc7: {  	v3 =	vld [tilespmem:$0x1450];
	_ =	sdelay $0x4  }
0xc8: {  	v61 =	vshll.u32 v3, $0x1  }
0xc9: {  	v3 =	vand.u32 $0x7, v3;
	v4 =	vand.u32 $0xFFFFFFF0, v61  }
0xca: {  	v3 =	vor.u32 v3, v4  }
0xcb: {  	v4 =	vperm.xlane v3, v0;
	_ =	sdelay $0x1  }
0xcc: {  	v3 =	vperm.xlane v3, v2;
	v4 =	vadd.s32 v1, v4;
	_ =	sdelay $0x1  }
0xcd: {  	v3 =	vadd.s32 v1, v3;
	_ =	sdelay $0x1  }
0xce: {  	s11 =	simm.s32 $0xF800  }
0xcf: {  	[tilespmem:s11], [sflag:$0x2] =	stream.indirect_vreg.gather [hbm4b:s4+s3], $0x80, v4, vm0, $0xb8;
	[tilespmem:$0x12800] =	vst v63  }
0xd0: {  	s7 =	simm.s32 $0x10000  }
0xd1: {  	[tilespmem:s7], [sflag:$0x2] =	stream.indirect_vreg.gather [hbm4b:s4+s3], $0x80, v3, vm0, $0xb8;
	[tilespmem:$0x12800] =	vst v63  }
0xd2: {  	v3 =	vld [tilespmem:$0x1460];
	_ =	sdelay $0x4  }
0xd3: {  	v62 =	vshll.u32 v3, $0x1  }
0xd4: {  	v3 =	vand.u32 $0x7, v3;
	v4 =	vand.u32 $0xFFFFFFF0, v62  }
0xd5: {  	v3 =	vor.u32 v3, v4  }
0xd6: {  	v4 =	vperm.xlane v3, v0;
	_ =	sdelay $0x1  }
0xd7: {  	v3 =	vperm.xlane v3, v2;
	v4 =	vadd.s32 v1, v4;
	_ =	sdelay $0x1  }
0xd8: {  	v3 =	vadd.s32 v1, v3;
	_ =	sdelay $0x1  }
0xd9: {  	s8 =	simm.s32 $0x10800  }
0xda: {  	[tilespmem:s8], [sflag:$0x2] =	stream.indirect_vreg.gather [hbm4b:s4+s3], $0x80, v4, vm0, $0xb8;
	[tilespmem:$0x12800] =	vst v63  }
0xdb: {  	s9 =	simm.s32 $0x11000  }
0xdc: {  	[tilespmem:s9], [sflag:$0x2] =	stream.indirect_vreg.gather [hbm4b:s4+s3], $0x80, v3, vm0, $0xb8;
	[tilespmem:$0x12800] =	vst v63  }
0xdd: {  	v3 =	vld [tilespmem:$0x1470];
	_ =	sdelay $0x4  }
0xde: {  	v63 =	vshll.u32 v3, $0x1  }
0xdf: {  	v3 =	vand.u32 $0x7, v3;
	v4 =	vand.u32 $0xFFFFFFF0, v63  }
0xe0: {  	v3 =	vor.u32 v3, v4  }
0xe1: {  	v4 =	vperm.xlane v3, v0;
	_ =	sdelay $0x1  }
0xe2: {  	v3 =	vperm.xlane v3, v2;
	v4 =	vadd.s32 v1, v4;
	_ =	sdelay $0x1  }
0xe3: {  	v3 =	vadd.s32 v1, v3;
	_ =	sdelay $0x1  }
.Ltmp2:
0xe4: {  	s10 =	simm.s32 $0x11800;
	(pc) =	sbr.rel .LBB2_2-.Ltmp2, $4  }
0xe5: {  	[tilespmem:s10], [sflag:$0x2] =	stream.indirect_vreg.gather [hbm4b:s4+s3], $0x80, v4, vm0, $0xb8;
	[tilespmem:$0x12800] =	vst v63  }
0xe6: {  	s11 =	simm.s32 $0x12000  }
0xe7: {  	[tilespmem:s11], [sflag:$0x2] =	stream.indirect_vreg.gather [hbm4b:s4+s3], $0x80, v3, vm0, $0xb8;
	[tilespmem:$0x12800] =	vst v63  }
0xe8: {  	s7 =	simm.s32 $0x0;
	s10 =	rddreg [dreg:$0xa];
	s11 =	smov.u32 s5  }
.LBB2_4:
0xe9: {  	_ =	swait.ge [sflag:s2], $0x8000  }
0xea: {  	[sflag:s2] =	ssyncset.done $0x0  }
0xeb: {  	[sflag:s2] =	ssyncadd.s32 $0xFFFF8000  }
0xec: {  	[hbm4b:s10+s3] =	stream.linear.scatter [tilespmem:s31], [sflag:$0x3], $0x8000, $0x38;
	[tilespmem:$0x12800] =	vst v63  }
0xed: {  	_ =	swait.ge [sflag:s12], $0x8000  }
0xee: {  	[sflag:s12] =	ssyncset.done $0x0  }
0xef: {  	s8 =	sshra.s32 @!p0 s7, $0x2;
	[sflag:s12] =	ssyncadd.s32 $0xFFFF8000  }
0xf0: {  	v3 =	vld @!p0 [tilespmem:s8+$0x1480];
	_ =	sdelay $0x4  }
0xf1: {  	v4 =	vshll.u32 @!p0 v3, $0x1  }
0xf2: {  	v5 =	vlaneseq.u32 @!p0;
	v3 =	vand.u32 @!p0 $0x7, v3;
	v4 =	vand.u32 @!p0 $0xFFFFFFF0, v4  }
0xf3: {  	v6 =	vshrl.u32 @!p0 v5, $0x3;
	v3 =	vor.u32 @!p0 v3, v4;
	v4 =	vand.u32 @!p0 $0x7, v5  }
0xf4: {  	v6 =	vmul.u32 @!p0 $0x8, v6;
	v7 =	vperm.xlane @!p0 v3, v4  }
0xf5: {  	v5 =	vor.u32 @!p0 $0x8, v5  }
0xf6: {  	v3 =	vperm.xlane @!p0 v3, v5;
	v7 =	vadd.s32 @!p0 v6, v7;
	_ =	sdelay $0x1  }
0xf7: {  	v3 =	vadd.s32 @!p0 v6, v3;
	_ =	sdelay $0x1  }
0xf8: {  	vm1 =	vmmov @!p0 $0xffff;
	s9 =	simm.s32 @!p0 $0x0;
	s6 =	simm.s32 @!p0 $0xA800  }
0xf9: {  	[tilespmem:s6], [sflag:$0x2] =	stream.indirect_vreg.gather @!p0 [hbm4b:s4+s9], $0x80, v7, vm1, $0xb8;
	[tilespmem:$0x12800] =	vst v63  }
0xfa: {  	s6 =	simm.s32 @!p0 $0xB000  }
0xfb: {  	[tilespmem:s6], [sflag:$0x2] =	stream.indirect_vreg.gather @!p0 [hbm4b:s4+s9], $0x80, v3, vm1, $0xb8;
	[tilespmem:$0x12800] =	vst v63  }
0xfc: {  	v3 =	vld @!p0 [tilespmem:s8+$0x1490];
	_ =	sdelay $0x4  }
0xfd: {  	v7 =	vshll.u32 @!p0 v3, $0x1  }
0xfe: {  	v3 =	vand.u32 @!p0 $0x7, v3;
	v7 =	vand.u32 @!p0 $0xFFFFFFF0, v7  }
0xff: {  	v3 =	vor.u32 @!p0 v3, v7  }
0x100: {  	v7 =	vperm.xlane @!p0 v3, v4;
	_ =	sdelay $0x1  }
0x101: {  	v3 =	vperm.xlane @!p0 v3, v5;
	v7 =	vadd.s32 @!p0 v6, v7;
	_ =	sdelay $0x1  }
0x102: {  	v3 =	vadd.s32 @!p0 v6, v3;
	_ =	sdelay $0x1  }
0x103: {  	s6 =	simm.s32 @!p0 $0xB800  }
0x104: {  	[tilespmem:s6], [sflag:$0x2] =	stream.indirect_vreg.gather @!p0 [hbm4b:s4+s9], $0x80, v7, vm1, $0xb8;
	[tilespmem:$0x12800] =	vst v63  }
0x105: {  	s6 =	simm.s32 @!p0 $0xC000  }
0x106: {  	[tilespmem:s6], [sflag:$0x2] =	stream.indirect_vreg.gather @!p0 [hbm4b:s4+s9], $0x80, v3, vm1, $0xb8;
	[tilespmem:$0x12800] =	vst v63  }
0x107: {  	v3 =	vld @!p0 [tilespmem:s8+$0x14A0];
	_ =	sdelay $0x4  }
0x108: {  	v7 =	vshll.u32 @!p0 v3, $0x1  }
0x109: {  	v3 =	vand.u32 @!p0 $0x7, v3;
	v7 =	vand.u32 @!p0 $0xFFFFFFF0, v7  }
0x10a: {  	v3 =	vor.u32 @!p0 v3, v7  }
0x10b: {  	v7 =	vperm.xlane @!p0 v3, v4;
	_ =	sdelay $0x1  }
0x10c: {  	v3 =	vperm.xlane @!p0 v3, v5;
	v7 =	vadd.s32 @!p0 v6, v7;
	_ =	sdelay $0x1  }
0x10d: {  	v3 =	vadd.s32 @!p0 v6, v3;
	_ =	sdelay $0x1  }
0x10e: {  	s6 =	simm.s32 @!p0 $0xC800  }
0x10f: {  	[tilespmem:s6], [sflag:$0x2] =	stream.indirect_vreg.gather @!p0 [hbm4b:s4+s9], $0x80, v7, vm1, $0xb8;
	[tilespmem:$0x12800] =	vst v63  }
0x110: {  	s6 =	simm.s32 @!p0 $0xD000  }
0x111: {  	[tilespmem:s6], [sflag:$0x2] =	stream.indirect_vreg.gather @!p0 [hbm4b:s4+s9], $0x80, v3, vm1, $0xb8;
	[tilespmem:$0x12800] =	vst v63  }
0x112: {  	v3 =	vld @!p0 [tilespmem:s8+$0x14B0];
	_ =	sdelay $0x4  }
0x113: {  	v7 =	vshll.u32 @!p0 v3, $0x1  }
0x114: {  	v3 =	vand.u32 @!p0 $0x7, v3;
	v7 =	vand.u32 @!p0 $0xFFFFFFF0, v7  }
0x115: {  	v3 =	vor.u32 @!p0 v3, v7  }
0x116: {  	v7 =	vperm.xlane @!p0 v3, v4;
	_ =	sdelay $0x1  }
0x117: {  	v3 =	vperm.xlane @!p0 v3, v5;
	v7 =	vadd.s32 @!p0 v6, v7;
	_ =	sdelay $0x1  }
0x118: {  	v3 =	vadd.s32 @!p0 v6, v3;
	_ =	sdelay $0x1  }
0x119: {  	s6 =	simm.s32 @!p0 $0xD800  }
0x11a: {  	[tilespmem:s6], [sflag:$0x2] =	stream.indirect_vreg.gather @!p0 [hbm4b:s4+s9], $0x80, v7, vm1, $0xb8;
	[tilespmem:$0x12800] =	vst v63  }
0x11b: {  	s6 =	simm.s32 @!p0 $0xE000  }
0x11c: {  	[tilespmem:s6], [sflag:$0x2] =	stream.indirect_vreg.gather @!p0 [hbm4b:s4+s9], $0x80, v3, vm1, $0xb8;
	[tilespmem:$0x12800] =	vst v63  }
0x11d: {  	v3 =	vld @!p0 [tilespmem:s8+$0x14C0];
	_ =	sdelay $0x4  }
0x11e: {  	v7 =	vshll.u32 @!p0 v3, $0x1  }
0x11f: {  	v3 =	vand.u32 @!p0 $0x7, v3;
	v7 =	vand.u32 @!p0 $0xFFFFFFF0, v7  }
0x120: {  	v3 =	vor.u32 @!p0 v3, v7  }
0x121: {  	v7 =	vperm.xlane @!p0 v3, v4;
	_ =	sdelay $0x1  }
0x122: {  	v3 =	vperm.xlane @!p0 v3, v5;
	v7 =	vadd.s32 @!p0 v6, v7;
	_ =	sdelay $0x1  }
0x123: {  	v3 =	vadd.s32 @!p0 v6, v3;
	_ =	sdelay $0x1  }
0x124: {  	s6 =	simm.s32 @!p0 $0xE800  }
0x125: {  	[tilespmem:s6], [sflag:$0x2] =	stream.indirect_vreg.gather @!p0 [hbm4b:s4+s9], $0x80, v7, vm1, $0xb8;
	[tilespmem:$0x12800] =	vst v63  }
0x126: {  	s6 =	simm.s32 @!p0 $0xF000  }
0x127: {  	[tilespmem:s6], [sflag:$0x2] =	stream.indirect_vreg.gather @!p0 [hbm4b:s4+s9], $0x80, v3, vm1, $0xb8;
	[tilespmem:$0x12800] =	vst v63  }
0x128: {  	v3 =	vld @!p0 [tilespmem:s8+$0x14D0];
	_ =	sdelay $0x4  }
0x129: {  	v7 =	vshll.u32 @!p0 v3, $0x1  }
0x12a: {  	v3 =	vand.u32 @!p0 $0x7, v3;
	v7 =	vand.u32 @!p0 $0xFFFFFFF0, v7  }
0x12b: {  	v3 =	vor.u32 @!p0 v3, v7  }
0x12c: {  	v7 =	vperm.xlane @!p0 v3, v4;
	_ =	sdelay $0x1  }
0x12d: {  	v3 =	vperm.xlane @!p0 v3, v5;
	v7 =	vadd.s32 @!p0 v6, v7;
	_ =	sdelay $0x1  }
0x12e: {  	v3 =	vadd.s32 @!p0 v6, v3;
	_ =	sdelay $0x1  }
0x12f: {  	s6 =	simm.s32 @!p0 $0xF800  }
0x130: {  	[tilespmem:s6], [sflag:$0x2] =	stream.indirect_vreg.gather @!p0 [hbm4b:s4+s9], $0x80, v7, vm1, $0xb8;
	[tilespmem:$0x12800] =	vst v63  }
0x131: {  	s6 =	simm.s32 @!p0 $0x10000  }
0x132: {  	[tilespmem:s6], [sflag:$0x2] =	stream.indirect_vreg.gather @!p0 [hbm4b:s4+s9], $0x80, v3, vm1, $0xb8;
	[tilespmem:$0x12800] =	vst v63  }
0x133: {  	v3 =	vld @!p0 [tilespmem:s8+$0x14E0];
	_ =	sdelay $0x4  }
0x134: {  	v7 =	vshll.u32 @!p0 v3, $0x1  }
0x135: {  	v3 =	vand.u32 @!p0 $0x7, v3;
	v7 =	vand.u32 @!p0 $0xFFFFFFF0, v7  }
0x136: {  	v3 =	vor.u32 @!p0 v3, v7  }
0x137: {  	v7 =	vperm.xlane @!p0 v3, v4;
	_ =	sdelay $0x1  }
0x138: {  	v3 =	vperm.xlane @!p0 v3, v5;
	v7 =	vadd.s32 @!p0 v6, v7;
	_ =	sdelay $0x1  }
0x139: {  	v3 =	vadd.s32 @!p0 v6, v3;
	_ =	sdelay $0x1  }
0x13a: {  	s6 =	simm.s32 @!p0 $0x10800  }
0x13b: {  	[tilespmem:s6], [sflag:$0x2] =	stream.indirect_vreg.gather @!p0 [hbm4b:s4+s9], $0x80, v7, vm1, $0xb8;
	[tilespmem:$0x12800] =	vst v63  }
0x13c: {  	s6 =	simm.s32 @!p0 $0x11000  }
0x13d: {  	[tilespmem:s6], [sflag:$0x2] =	stream.indirect_vreg.gather @!p0 [hbm4b:s4+s9], $0x80, v3, vm1, $0xb8;
	[tilespmem:$0x12800] =	vst v63  }
0x13e: {  	v3 =	vld @!p0 [tilespmem:s8+$0x14F0];
	_ =	sdelay $0x4  }
0x13f: {  	v7 =	vshll.u32 @!p0 v3, $0x1  }
0x140: {  	v3 =	vand.u32 @!p0 $0x7, v3;
	v7 =	vand.u32 @!p0 $0xFFFFFFF0, v7  }
0x141: {  	v3 =	vor.u32 @!p0 v3, v7  }
0x142: {  	v4 =	vperm.xlane @!p0 v3, v4;
	_ =	sdelay $0x1  }
0x143: {  	s7 =	sadd.s32 @!p0 $0x200, s7;
	v3 =	vperm.xlane @!p0 v3, v5;
	v4 =	vadd.s32 @!p0 v6, v4  }
0x144: {  	p1 =	sne.s32 @!p0 s7, $0x4E00  }
0x145: {  	p1 =	por p0, !p1;
	v3 =	vadd.s32 @!p0 v6, v3  }
.Ltmp3:
0x146: {  	_ = 	snop;
	(pc) =	sbr.rel @p1 .LBB2_5-.Ltmp3, $4  }
0x147: {  	s6 =	simm.s32 @!p0 $0x11800  }
0x148: {  	[tilespmem:s6], [sflag:$0x2] =	stream.indirect_vreg.gather @!p0 [hbm4b:s4+s9], $0x80, v4, vm1, $0xb8;
	[tilespmem:$0x12800] =	vst v63  }
0x149: {  	s11 =	sadd.s32 @!p0 $0x1000, s11;
	s10 =	sadd.s32 @!p0 $0x1000, s10;
	s6 =	simm.s32 @!p0 $0x12000  }
0x14a: {  	[tilespmem:s6], [sflag:$0x2] =	stream.indirect_vreg.gather @!p0 [hbm4b:s4+s9], $0x80, v3, vm1, $0xb8;
	[tilespmem:$0x12800] =	vst v63  }
.LBB2_2:
0x14b: {  	_ =	swait.ge [sflag:s0], $0x8000  }
0x14c: {  	p0 =	seq.s32 s7, $0x4C00;
	[sflag:s0] =	ssyncset.done $0x0  }
.Ltmp4:
0x14d: {  	[sflag:s0] =	ssyncadd.s32 $0xFFFF8000;
	(pc) =	sbr.rel @p0 .LBB2_4-.Ltmp4, $4  }
0x14e: {  	[hbm4b:s11+s3] =	stream.linear.scatter [tilespmem:s14], [sflag:$0x3], $0x8000, $0x38;
	[tilespmem:$0x12800] =	vst v63  }
0x14f: {  	_ =	swait.ge [sflag:s12], $0x8000  }
0x150: {  	[sflag:s12] =	ssyncset.done $0x0  }
0x151: {  	[sflag:s12] =	ssyncadd.s32 $0xFFFF8000  }
0x152: {  	s8 =	sshra.s32 s7, $0x2  }
0x153: {  	v3 =	vld [tilespmem:s8+$0x80];
	_ =	sdelay $0x4  }
0x154: {  	v4 =	vshll.u32 v3, $0x1  }
0x155: {  	v3 =	vand.u32 $0x7, v3;
	v4 =	vand.u32 $0xFFFFFFF0, v4  }
0x156: {  	v3 =	vor.u32 v3, v4  }
0x157: {  	v4 =	vperm.xlane v3, v0;
	_ =	sdelay $0x1  }
0x158: {  	v3 =	vperm.xlane v3, v2;
	v4 =	vadd.s32 v1, v4;
	_ =	sdelay $0x1  }
0x159: {  	v3 =	vadd.s32 v1, v3;
	_ =	sdelay $0x2  }
0x15a: {  	[tilespmem:s14], [sflag:$0x1] =	stream.indirect_vreg.gather [hbm4b:s1+s3], $0x80, v4, vm0, $0xb8;
	[tilespmem:$0x12800] =	vst v63  }
0x15b: {  	_ = 	snop  }
0x15c: {  	[tilespmem:s15], [sflag:$0x1] =	stream.indirect_vreg.gather [hbm4b:s1+s3], $0x80, v3, vm0, $0xb8;
	[tilespmem:$0x12800] =	vst v63  }
0x15d: {  	v3 =	vld [tilespmem:s8+$0x90];
	_ =	sdelay $0x4  }
0x15e: {  	v57 =	vshll.u32 v3, $0x1  }
0x15f: {  	v3 =	vand.u32 $0x7, v3;
	v4 =	vand.u32 $0xFFFFFFF0, v57  }
0x160: {  	v3 =	vor.u32 v3, v4  }
0x161: {  	v4 =	vperm.xlane v3, v0;
	_ =	sdelay $0x1  }
0x162: {  	v3 =	vperm.xlane v3, v2;
	v4 =	vadd.s32 v1, v4;
	_ =	sdelay $0x1  }
0x163: {  	v3 =	vadd.s32 v1, v3;
	_ =	sdelay $0x2  }
0x164: {  	[tilespmem:s16], [sflag:$0x1] =	stream.indirect_vreg.gather [hbm4b:s1+s3], $0x80, v4, vm0, $0xb8;
	[tilespmem:$0x12800] =	vst v63  }
0x165: {  	_ = 	snop  }
0x166: {  	[tilespmem:s17], [sflag:$0x1] =	stream.indirect_vreg.gather [hbm4b:s1+s3], $0x80, v3, vm0, $0xb8;
	[tilespmem:$0x12800] =	vst v63  }
0x167: {  	v3 =	vld [tilespmem:s8+$0xA0];
	_ =	sdelay $0x4  }
0x168: {  	v58 =	vshll.u32 v3, $0x1  }
0x169: {  	v3 =	vand.u32 $0x7, v3;
	v4 =	vand.u32 $0xFFFFFFF0, v58  }
0x16a: {  	v3 =	vor.u32 v3, v4  }
0x16b: {  	v4 =	vperm.xlane v3, v0;
	_ =	sdelay $0x1  }
0x16c: {  	v3 =	vperm.xlane v3, v2;
	v4 =	vadd.s32 v1, v4;
	_ =	sdelay $0x1  }
0x16d: {  	v3 =	vadd.s32 v1, v3;
	_ =	sdelay $0x2  }
0x16e: {  	[tilespmem:s18], [sflag:$0x1] =	stream.indirect_vreg.gather [hbm4b:s1+s3], $0x80, v4, vm0, $0xb8;
	[tilespmem:$0x12800] =	vst v63  }
0x16f: {  	_ = 	snop  }
0x170: {  	[tilespmem:s19], [sflag:$0x1] =	stream.indirect_vreg.gather [hbm4b:s1+s3], $0x80, v3, vm0, $0xb8;
	[tilespmem:$0x12800] =	vst v63  }
0x171: {  	v3 =	vld [tilespmem:s8+$0xB0];
	_ =	sdelay $0x4  }
0x172: {  	v59 =	vshll.u32 v3, $0x1  }
0x173: {  	v3 =	vand.u32 $0x7, v3;
	v4 =	vand.u32 $0xFFFFFFF0, v59  }
0x174: {  	v3 =	vor.u32 v3, v4  }
0x175: {  	v4 =	vperm.xlane v3, v0;
	_ =	sdelay $0x1  }
0x176: {  	v3 =	vperm.xlane v3, v2;
	v4 =	vadd.s32 v1, v4;
	_ =	sdelay $0x1  }
0x177: {  	v3 =	vadd.s32 v1, v3;
	_ =	sdelay $0x2  }
0x178: {  	[tilespmem:s20], [sflag:$0x1] =	stream.indirect_vreg.gather [hbm4b:s1+s3], $0x80, v4, vm0, $0xb8;
	[tilespmem:$0x12800] =	vst v63  }
0x179: {  	_ = 	snop  }
0x17a: {  	[tilespmem:s21], [sflag:$0x1] =	stream.indirect_vreg.gather [hbm4b:s1+s3], $0x80, v3, vm0, $0xb8;
	[tilespmem:$0x12800] =	vst v63  }
0x17b: {  	v3 =	vld [tilespmem:s8+$0xC0];
	_ =	sdelay $0x4  }
0x17c: {  	v60 =	vshll.u32 v3, $0x1  }
0x17d: {  	v3 =	vand.u32 $0x7, v3;
	v4 =	vand.u32 $0xFFFFFFF0, v60  }
0x17e: {  	v3 =	vor.u32 v3, v4  }
0x17f: {  	v4 =	vperm.xlane v3, v0;
	_ =	sdelay $0x1  }
0x180: {  	v3 =	vperm.xlane v3, v2;
	v4 =	vadd.s32 v1, v4;
	_ =	sdelay $0x1  }
0x181: {  	v3 =	vadd.s32 v1, v3;
	_ =	sdelay $0x2  }
0x182: {  	[tilespmem:s22], [sflag:$0x1] =	stream.indirect_vreg.gather [hbm4b:s1+s3], $0x80, v4, vm0, $0xb8;
	[tilespmem:$0x12800] =	vst v63  }
0x183: {  	_ = 	snop  }
0x184: {  	[tilespmem:s23], [sflag:$0x1] =	stream.indirect_vreg.gather [hbm4b:s1+s3], $0x80, v3, vm0, $0xb8;
	[tilespmem:$0x12800] =	vst v63  }
0x185: {  	v3 =	vld [tilespmem:s8+$0xD0];
	_ =	sdelay $0x4  }
0x186: {  	v61 =	vshll.u32 v3, $0x1  }
0x187: {  	v3 =	vand.u32 $0x7, v3;
	v4 =	vand.u32 $0xFFFFFFF0, v61  }
0x188: {  	v3 =	vor.u32 v3, v4  }
0x189: {  	v4 =	vperm.xlane v3, v0;
	_ =	sdelay $0x1  }
0x18a: {  	v3 =	vperm.xlane v3, v2;
	v4 =	vadd.s32 v1, v4;
	_ =	sdelay $0x1  }
0x18b: {  	v3 =	vadd.s32 v1, v3;
	_ =	sdelay $0x2  }
0x18c: {  	[tilespmem:s24], [sflag:$0x1] =	stream.indirect_vreg.gather [hbm4b:s1+s3], $0x80, v4, vm0, $0xb8;
	[tilespmem:$0x12800] =	vst v63  }
0x18d: {  	_ = 	snop  }
0x18e: {  	[tilespmem:s25], [sflag:$0x1] =	stream.indirect_vreg.gather [hbm4b:s1+s3], $0x80, v3, vm0, $0xb8;
	[tilespmem:$0x12800] =	vst v63  }
0x18f: {  	v3 =	vld [tilespmem:s8+$0xE0];
	_ =	sdelay $0x4  }
0x190: {  	v62 =	vshll.u32 v3, $0x1  }
0x191: {  	v3 =	vand.u32 $0x7, v3;
	v4 =	vand.u32 $0xFFFFFFF0, v62  }
0x192: {  	v3 =	vor.u32 v3, v4  }
0x193: {  	v4 =	vperm.xlane v3, v0;
	_ =	sdelay $0x1  }
0x194: {  	v3 =	vperm.xlane v3, v2;
	v4 =	vadd.s32 v1, v4;
	_ =	sdelay $0x1  }
0x195: {  	v3 =	vadd.s32 v1, v3;
	_ =	sdelay $0x2  }
0x196: {  	[tilespmem:s26], [sflag:$0x1] =	stream.indirect_vreg.gather [hbm4b:s1+s3], $0x80, v4, vm0, $0xb8;
	[tilespmem:$0x12800] =	vst v63  }
0x197: {  	_ = 	snop  }
0x198: {  	[tilespmem:s28], [sflag:$0x1] =	stream.indirect_vreg.gather [hbm4b:s1+s3], $0x80, v3, vm0, $0xb8;
	[tilespmem:$0x12800] =	vst v63  }
0x199: {  	v3 =	vld [tilespmem:s8+$0xF0];
	_ =	sdelay $0x4  }
0x19a: {  	v63 =	vshll.u32 v3, $0x1  }
0x19b: {  	v3 =	vand.u32 $0x7, v3;
	v4 =	vand.u32 $0xFFFFFFF0, v63  }
0x19c: {  	v3 =	vor.u32 v3, v4  }
0x19d: {  	v4 =	vperm.xlane v3, v0;
	_ =	sdelay $0x1  }
0x19e: {  	v3 =	vperm.xlane v3, v2;
	v4 =	vadd.s32 v1, v4;
	_ =	sdelay $0x1  }
0x19f: {  	v3 =	vadd.s32 v1, v3  }
.Ltmp5:
0x1a0: {  	_ = 	snop;
	(pc) =	sbr.rel .LBB2_4-.Ltmp5, $4  }
0x1a1: {  	_ = 	snop  }
0x1a2: {  	[tilespmem:s29], [sflag:$0x1] =	stream.indirect_vreg.gather [hbm4b:s1+s3], $0x80, v4, vm0, $0xb8;
	[tilespmem:$0x12800] =	vst v63  }
0x1a3: {  	_ = 	snop  }
0x1a4: {  	[tilespmem:s30], [sflag:$0x1] =	stream.indirect_vreg.gather [hbm4b:s1+s3], $0x80, v3, vm0, $0xb8;
	[tilespmem:$0x12800] =	vst v63  }
.LBB2_6:
0x1a5: {  	_ =	sfence.sel $0x180000  }
0x1a6: {  	[bflag:$0x0] =	sbarrier.arrive $0xFFFF  }
0x1a7: {  	_ =	strace $0x90000047  }
0x1a8: {  	s0 =	stileid.u32;
	[bflag:$0x2] =	sbarrier.arrive $0xFFFF  }
0x1a9: {  	p0 =	sne.s32 s0, $0x0;
	s0 =	rddreg [dreg:$0x4]  }
0x1aa: {  	s0 =	sadd.s32 @!p0 $0x100000, s0  }
0x1ab: {  	[sflag:s0] =	ssyncadd.tile.s32 @!p0 $0x1;
	_ =	shalt  }
.Lfunc_end2:
_tile_overlayer_lowered:
.L_overlay_start_2:
0x1ac: {  	(tag) =	ssettag $0x2  }
0x1ad: {  	s0 =	rddreg [dreg:$0x0];
	s2 =	stileid.u32  }
0x1ae: {  	s1 =	rddreg [dreg:$0x1];
	p0 =	sne.s32 s2, $0x0  }
0x1af: {  	s3 =	rddreg [dreg:$0x2];
	[bflag:$0x3] =	sbarrier.arrive $0xFFFF;
	s2 =	simm.s32 @!p0 $0x1C03  }
0x1b0: {  	[timem:s3], [sflag:s2] =	dma.local @!p0 [hbm:s0], s1  }
0x1b1: {  	s0 =	simm.s32 @!p0 $0x3  }
0x1b2: {  	_ =	swait.ge @!p0 [sflag:s0], s1  }
0x1b3: {  	s1 =	ssub.s32 @!p0 $0x0, s1;
	[sflag:s0] =	ssyncset.done @!p0 $0x0  }
0x1b4: {  	[sflag:s0] =	ssyncadd.s32 @!p0 s1  }
0x1b5: {  	[bflag:$0x3] =	sbarrier.arrive $0xFFFF  }
0x1b6: {  	_ =	shalt  }

</sc_bundles>
